<compile_context>
chip_gen: v7x
topology: tpu7x:2x2x1
jax: 0.10.2.dev20260603
libtpu: 0.0.44.dev20260713+nightly
codegen_flags: <defaults>
</compile_context>

<pallas_src>
import functools

import jax
import jax.numpy as jnp
from jax import lax
from jax.experimental import pallas as pl
from jax.experimental.pallas import tpu as pltpu
from jax.experimental.pallas import tpu_sc as plsc

N_NODES = 10000
N_EDGES = 320000
D = 128

NC = 2
NS = 16
HALF = N_NODES // NC
ACC_ROWS = 5120
DUMMY_ROW = HALF
EPT = N_EDGES // NS
SCAN = EPT // 5
CAP = 20480
C = 64
NB = 4
LA = 1
ZR = 8


def _sc_segment_partials(x, edges):
  mesh = plsc.VectorSubcoreMesh(core_axis_name="c", subcore_axis_name="s")

  @functools.partial(
      pl.kernel,
      out_type=jax.ShapeDtypeStruct((NC, ACC_ROWS, D), jnp.float32),
      mesh=mesh,
      compiler_params=pltpu.CompilerParams(use_tc_tiling_on_sc=False,
                                          needs_layout_passes=False),
      scratch_types=[
          pltpu.VMEM((SCAN,), jnp.int32),
          pltpu.VMEM((SCAN,), jnp.int32),
          pltpu.VMEM((CAP,), jnp.int32),
          pltpu.VMEM((CAP,), jnp.int32),
          pltpu.VMEM((NB, C, D), jnp.float32),
          pltpu.VMEM((NB, C), jnp.int32),
          pltpu.VMEM((ZR, D), jnp.float32),
          pltpu.VMEM_SHARED((ACC_ROWS, D), jnp.float32),
      ] + [pltpu.SemaphoreType.DMA] * (2 * NB),
  )
  def k(x_hbm, edges_hbm, out_hbm, ev_s, ev_d, bsrc, bdst,
        rows_v, dstc, zb, acc, *sems):
    gsem = sems[:NB]
    ssem = sems[NB:]
    cid = lax.axis_index("c")
    sid = lax.axis_index("s")
    base = cid * HALF

    z16 = jnp.zeros((16,), jnp.float32)
    for r in range(ZR):
      for cb in range(D // 16):
        zb[r, pl.ds(cb * 16, 16)] = z16
    rows_per_tile = ACC_ROWS // NS
    for kk in range(rows_per_tile // ZR):
      pltpu.sync_copy(zb, acc.at[pl.ds(sid * rows_per_tile + kk * ZR, ZR)])

    def scan_pass(p, cnt0):
      off = sid * EPT + p * SCAN
      pltpu.sync_copy(edges_hbm.at[0, pl.ds(off, SCAN)], ev_s)
      pltpu.sync_copy(edges_hbm.at[1, pl.ds(off, SCAN)], ev_d)

      base16 = jnp.broadcast_to(base, (16,)).astype(jnp.int32)

      def body(i, cnt):
        s16 = ev_s[pl.ds(i * 16, 16)]
        d16 = ev_d[pl.ds(i * 16, 16)]
        dloc = d16 - base16
        m = (dloc >= 0) & (dloc < HALF)
        mi = m.astype(jnp.int32)
        incl = plsc.cumsum(mi)
        pos = jnp.broadcast_to(cnt - 1, (16,)).astype(jnp.int32) + incl
        plsc.store_scatter(bsrc, [pos], s16, mask=m)
        plsc.store_scatter(bdst, [pos], dloc, mask=m)
        return cnt + jnp.sum(mi)

      return lax.fori_loop(0, SCAN // 16, body, cnt0)

    cnt = jnp.int32(0)
    for p_ in range(EPT // SCAN):
      cnt = scan_pass(p_, cnt)

    zero16 = jnp.zeros((16,), jnp.int32)
    dummy16 = jnp.full((16,), DUMMY_ROW, jnp.int32)
    for kk in range(C // 16):
      bsrc[pl.ds(cnt + kk * 16, 16)] = zero16
      bdst[pl.ds(cnt + kk * 16, 16)] = dummy16
    nch = lax.div(cnt + (C - 1), C)

    plsc.subcore_barrier()

    def issue_gather(j, b):
      pltpu.async_copy(x_hbm.at[bsrc.at[pl.ds(j * C, C)]], rows_v.at[b],
                       gsem[b])

    def wait_gather(j, b):
      pltpu.make_async_copy(x_hbm.at[bsrc.at[pl.ds(j * C, C)]],
                            rows_v.at[b], gsem[b]).wait()

    def issue_scatter(j, b):
      pltpu.async_copy(rows_v.at[b], acc.at[dstc.at[b]], ssem[b], add=True)

    def wait_scatter(j, b):
      pltpu.make_async_copy(rows_v.at[b], acc.at[dstc.at[b]],
                            ssem[b]).wait()

    for b in range(NB):
      @pl.when(b < nch)
      def _():
        issue_gather(b, b)

    def round_body(i, _):
      for b in range(NB):
        j = i * NB + b

        @pl.when(j < nch)
        def _():
          wait_gather(j, b)
          for kk in range(C // 16):
            dstc[b, pl.ds(kk * 16, 16)] = bdst[pl.ds(j * C + kk * 16, 16)]
          issue_scatter(j, b)

        @pl.when((j >= LA) & (j - LA < nch))
        def _():
          wait_scatter(j - LA, (b - LA) % NB)

        @pl.when((j >= LA) & (j - LA + NB < nch))
        def _():
          issue_gather(j - LA + NB, (b - LA) % NB)

      return 0

    lax.fori_loop(0, lax.div(nch + LA + (NB - 1), NB), round_body, 0)
    plsc.subcore_barrier()

    pltpu.sync_copy(acc.at[pl.ds(sid * rows_per_tile, rows_per_tile)],
                    out_hbm.at[cid, pl.ds(sid * rows_per_tile,
                                          rows_per_tile)])

  return k(x, edges)


def _tc_combine(alpha2d, x, partials, W, b2d):
  BN = 1000
  blocks_per_half = HALF // BN

  def body(al_ref, x_ref, p_ref, w_ref, b_ref, o_ref):
    scale = 1.0 + al_ref[0, 0]
    h = x_ref[...] * scale + p_ref[0]
    o_ref[...] = lax.dot_general(
        h, w_ref[...], (((1,), (1,)), ((), ())),
        preferred_element_type=jnp.float32) + b_ref[...]

  return pl.pallas_call(
      body,
      out_shape=jax.ShapeDtypeStruct((N_NODES, D), jnp.float32),
      grid=(N_NODES // BN,),
      in_specs=[
          pl.BlockSpec((1, 1), lambda i: (0, 0)),
          pl.BlockSpec((BN, D), lambda i: (i, 0)),
          pl.BlockSpec((1, BN, D),
                       lambda i: (i // blocks_per_half,
                                  i % blocks_per_half, 0)),
          pl.BlockSpec((D, D), lambda i: (0, 0)),
          pl.BlockSpec((1, D), lambda i: (0, 0)),
      ],
      out_specs=pl.BlockSpec((BN, D), lambda i: (i, 0)),
  )(alpha2d, x, partials, W, b2d)


def kernel(nfeats, edge_index, W, b, alpha):
  ei = edge_index.astype(jnp.int32)

  partials = _sc_segment_partials(nfeats, ei)

  alpha2d = alpha.reshape(1, 1)
  b2d = b.reshape(1, D)
  return _tc_combine(alpha2d, nfeats, partials, W, b2d)

# --- scband reference (transcript-rebuilt; emitter-appended) ---
"""Pipeline reference for scband-hgin-25786983645584 (READ-ONLY COPY).

The authoritative reference and input builder live on the scoring server;
editing this copy changes nothing except your own understanding.
"""

import jax, jax.numpy as jnp
import numpy as np

N_NODES = 10000
N_EDGES = 320000
D_FEAT = 128
D_OUT = 128


def setup_inputs(seed: int = 0) -> dict:
    key = jax.random.key(seed)
    k1, k2, k3, k4 = jax.random.split(key, 4)
    x = jax.random.normal(k1, (N_NODES, D_FEAT), dtype=jnp.float32)
    edge_index = jax.random.randint(k2, (2, N_EDGES), 0, N_NODES, dtype=jnp.int64)
    # Learned parameters: MLP with mlp_layer=1 -> single Linear(input_dim, output_dim)
    bound = 1.0 / np.sqrt(D_FEAT)
    W = jax.random.uniform(k3, (D_OUT, D_FEAT), minval=-bound, maxval=bound, dtype=jnp.float32)
    b = jax.random.uniform(k4, (D_OUT,), minval=-bound, maxval=bound, dtype=jnp.float32)
    # alpha parameter (init_alpha=0, learn_alpha=False -> non-trainable)
    alpha = jnp.zeros((1,), dtype=jnp.float32)
    return {"nfeats": x, "edge_index": edge_index, "W": W, "b": b, "alpha": alpha}


def reference(nfeats, edge_index, W, b, alpha):
    # homo=False: message is simply the source node feature m = edges.src['h'];
    # update_all with fn.sum('m','inneigh') is a scatter-add (segment_sum) over dst.
    src = edge_index[0]
    dst = edge_index[1]
    m = jnp.take(nfeats, src, axis=0)                 # gather [E, d]
    inneigh = jax.ops.segment_sum(m, dst, num_segments=nfeats.shape[0])  # scatter-add [N, d]
    h = (1.0 + alpha[0]) * nfeats + inneigh
    # MLP (num_layers=1): single linear output; norm=None, res=False, act=None, dropout=0 (identity in eval)
    h = h @ W.T + b
    return h

if __name__ == "__main__":
    import jax
    _d = setup_inputs()
    print(jax.jit(kernel)(*tuple(_d.values())))

</pallas_src>

<mosaic_0001>
#map = affine_map<(d0, d1) -> (0, 0)>
#map1 = affine_map<(d0, d1) -> (0, 0, 0)>
module attributes {stable_mosaic.version = 14 : i64} {
  func.func @k(%arg0: i32, %arg1: i32, %arg2: memref<10000x128xf32, #tpu.memory_space<hbm>>, %arg3: memref<2x320000xi32, #tpu.memory_space<hbm>>, %arg4: memref<2x5120x128xf32, #tpu.memory_space<hbm>>, %arg5: memref<4000xi32, #tpu.memory_space<vmem>>, %arg6: memref<4000xi32, #tpu.memory_space<vmem>>, %arg7: memref<20480xi32, #tpu.memory_space<vmem>>, %arg8: memref<20480xi32, #tpu.memory_space<vmem>>, %arg9: memref<4x64x128xf32, #tpu.memory_space<vmem>>, %arg10: memref<4x64xi32, #tpu.memory_space<vmem>>, %arg11: memref<8x128xf32, #tpu.memory_space<vmem>>, %arg12: memref<5120x128xf32, #tpu.memory_space<vmem_shared>>, %arg13: memref<!tpu.dma_semaphore, #tpu.memory_space<semaphore_mem>>, %arg14: memref<!tpu.dma_semaphore, #tpu.memory_space<semaphore_mem>>, %arg15: memref<!tpu.dma_semaphore, #tpu.memory_space<semaphore_mem>>, %arg16: memref<!tpu.dma_semaphore, #tpu.memory_space<semaphore_mem>>, %arg17: memref<!tpu.dma_semaphore, #tpu.memory_space<semaphore_mem>>, %arg18: memref<!tpu.dma_semaphore, #tpu.memory_space<semaphore_mem>>, %arg19: memref<!tpu.dma_semaphore, #tpu.memory_space<semaphore_mem>>, %arg20: memref<!tpu.dma_semaphore, #tpu.memory_space<semaphore_mem>>) attributes {dimension_semantics = [#tpu.dimension_semantics<core_parallel>, #tpu.dimension_semantics<subcore_parallel>], iteration_bounds = array<i64: 2, 16>, scalar_prefetch = 0 : i64, scratch_operands = 16 : i64, tpu.core_type = #tpu.core_type<sc_vector_subcore>, window_params = [{transform_indices = #map}, {transform_indices = #map}, {transform_indices = #map1}]} {
    %mul3A = arith.constant 5000 : i32
    %mul3A_0 = arith.muli %arg0, %mul3A : i32
    %broadcast_in_dim3A = arith.constant 0.000000e+00 : f32
    %broadcast_in_dim3A_1 = vector.broadcast %broadcast_in_dim3A : f32 to vector<16xf32>
    %swap3A = arith.constant 0 : i32
    %swap3A_2 = arith.index_cast %swap3A : i32 to index
    %swap3A_3 = arith.constant 0 : index
    %swap3A_4 = tpu.vector_load %arg11[%swap3A_2, %swap3A_3] {strides = array<i32>} : memref<8x128xf32, #tpu.memory_space<vmem>>, vector<16xf32>,
    tpu.vector_store %arg11[%swap3A_2, %swap3A_3], %broadcast_in_dim3A_1 {strides = array<i32>} : memref<8x128xf32, #tpu.memory_space<vmem>>, vector<16xf32>,
    %swap3A_5 = arith.constant 0 : i32
    %swap3A_6 = arith.index_cast %swap3A_5 : i32 to index
    %swap3A_7 = arith.constant 16 : index
    %swap3A_8 = tpu.vector_load %arg11[%swap3A_6, %swap3A_7] {strides = array<i32>} : memref<8x128xf32, #tpu.memory_space<vmem>>, vector<16xf32>,
    tpu.vector_store %arg11[%swap3A_6, %swap3A_7], %broadcast_in_dim3A_1 {strides = array<i32>} : memref<8x128xf32, #tpu.memory_space<vmem>>, vector<16xf32>,
    %swap3A_9 = arith.constant 0 : i32
    %swap3A_10 = arith.index_cast %swap3A_9 : i32 to index
    %swap3A_11 = arith.constant 32 : index
    %swap3A_12 = tpu.vector_load %arg11[%swap3A_10, %swap3A_11] {strides = array<i32>} : memref<8x128xf32, #tpu.memory_space<vmem>>, vector<16xf32>,
    tpu.vector_store %arg11[%swap3A_10, %swap3A_11], %broadcast_in_dim3A_1 {strides = array<i32>} : memref<8x128xf32, #tpu.memory_space<vmem>>, vector<16xf32>,
    %swap3A_13 = arith.constant 0 : i32
    %swap3A_14 = arith.index_cast %swap3A_13 : i32 to index
    %swap3A_15 = arith.constant 48 : index
    %swap3A_16 = tpu.vector_load %arg11[%swap3A_14, %swap3A_15] {strides = array<i32>} : memref<8x128xf32, #tpu.memory_space<vmem>>, vector<16xf32>,
    tpu.vector_store %arg11[%swap3A_14, %swap3A_15], %broadcast_in_dim3A_1 {strides = array<i32>} : memref<8x128xf32, #tpu.memory_space<vmem>>, vector<16xf32>,
    %swap3A_17 = arith.constant 0 : i32
    %swap3A_18 = arith.index_cast %swap3A_17 : i32 to index
    %swap3A_19 = arith.constant 64 : index
    %swap3A_20 = tpu.vector_load %arg11[%swap3A_18, %swap3A_19] {strides = array<i32>} : memref<8x128xf32, #tpu.memory_space<vmem>>, vector<16xf32>,
    tpu.vector_store %arg11[%swap3A_18, %swap3A_19], %broadcast_in_dim3A_1 {strides = array<i32>} : memref<8x128xf32, #tpu.memory_space<vmem>>, vector<16xf32>,
    %swap3A_21 = arith.constant 0 : i32
    %swap3A_22 = arith.index_cast %swap3A_21 : i32 to index
    %swap3A_23 = arith.constant 80 : index
    %swap3A_24 = tpu.vector_load %arg11[%swap3A_22, %swap3A_23] {strides = array<i32>} : memref<8x128xf32, #tpu.memory_space<vmem>>, vector<16xf32>,
    tpu.vector_store %arg11[%swap3A_22, %swap3A_23], %broadcast_in_dim3A_1 {strides = array<i32>} : memref<8x128xf32, #tpu.memory_space<vmem>>, vector<16xf32>,
    %swap3A_25 = arith.constant 0 : i32
    %swap3A_26 = arith.index_cast %swap3A_25 : i32 to index
    %swap3A_27 = arith.constant 96 : index
    %swap3A_28 = tpu.vector_load %arg11[%swap3A_26, %swap3A_27] {strides = array<i32>} : memref<8x128xf32, #tpu.memory_space<vmem>>, vector<16xf32>,
    tpu.vector_store %arg11[%swap3A_26, %swap3A_27], %broadcast_in_dim3A_1 {strides = array<i32>} : memref<8x128xf32, #tpu.memory_space<vmem>>, vector<16xf32>,
    %swap3A_29 = arith.constant 0 : i32
    %swap3A_30 = arith.index_cast %swap3A_29 : i32 to index
    %swap3A_31 = arith.constant 112 : index
    %swap3A_32 = tpu.vector_load %arg11[%swap3A_30, %swap3A_31] {strides = array<i32>} : memref<8x128xf32, #tpu.memory_space<vmem>>, vector<16xf32>,
    tpu.vector_store %arg11[%swap3A_30, %swap3A_31], %broadcast_in_dim3A_1 {strides = array<i32>} : memref<8x128xf32, #tpu.memory_space<vmem>>, vector<16xf32>,
    %swap3A_33 = arith.constant 1 : i32
    %swap3A_34 = arith.index_cast %swap3A_33 : i32 to index
    %swap3A_35 = arith.constant 0 : index
    %swap3A_36 = tpu.vector_load %arg11[%swap3A_34, %swap3A_35] {strides = array<i32>} : memref<8x128xf32, #tpu.memory_space<vmem>>, vector<16xf32>,
    tpu.vector_store %arg11[%swap3A_34, %swap3A_35], %broadcast_in_dim3A_1 {strides = array<i32>} : memref<8x128xf32, #tpu.memory_space<vmem>>, vector<16xf32>,
    %swap3A_37 = arith.constant 1 : i32
    %swap3A_38 = arith.index_cast %swap3A_37 : i32 to index
    %swap3A_39 = arith.constant 16 : index
    %swap3A_40 = tpu.vector_load %arg11[%swap3A_38, %swap3A_39] {strides = array<i32>} : memref<8x128xf32, #tpu.memory_space<vmem>>, vector<16xf32>,
    tpu.vector_store %arg11[%swap3A_38, %swap3A_39], %broadcast_in_dim3A_1 {strides = array<i32>} : memref<8x128xf32, #tpu.memory_space<vmem>>, vector<16xf32>,
    %swap3A_41 = arith.constant 1 : i32
    %swap3A_42 = arith.index_cast %swap3A_41 : i32 to index
    %swap3A_43 = arith.constant 32 : index
    %swap3A_44 = tpu.vector_load %arg11[%swap3A_42, %swap3A_43] {strides = array<i32>} : memref<8x128xf32, #tpu.memory_space<vmem>>, vector<16xf32>,
    tpu.vector_store %arg11[%swap3A_42, %swap3A_43], %broadcast_in_dim3A_1 {strides = array<i32>} : memref<8x128xf32, #tpu.memory_space<vmem>>, vector<16xf32>,
    %swap3A_45 = arith.constant 1 : i32
    %swap3A_46 = arith.index_cast %swap3A_45 : i32 to index
    %swap3A_47 = arith.constant 48 : index
    %swap3A_48 = tpu.vector_load %arg11[%swap3A_46, %swap3A_47] {strides = array<i32>} : memref<8x128xf32, #tpu.memory_space<vmem>>, vector<16xf32>,
    tpu.vector_store %arg11[%swap3A_46, %swap3A_47], %broadcast_in_dim3A_1 {strides = array<i32>} : memref<8x128xf32, #tpu.memory_space<vmem>>, vector<16xf32>,
    %swap3A_49 = arith.constant 1 : i32
    %swap3A_50 = arith.index_cast %swap3A_49 : i32 to index
    %swap3A_51 = arith.constant 64 : index
    %swap3A_52 = tpu.vector_load %arg11[%swap3A_50, %swap3A_51] {strides = array<i32>} : memref<8x128xf32, #tpu.memory_space<vmem>>, vector<16xf32>,
    tpu.vector_store %arg11[%swap3A_50, %swap3A_51], %broadcast_in_dim3A_1 {strides = array<i32>} : memref<8x128xf32, #tpu.memory_space<vmem>>, vector<16xf32>,
    %swap3A_53 = arith.constant 1 : i32
    %swap3A_54 = arith.index_cast %swap3A_53 : i32 to index
    %swap3A_55 = arith.constant 80 : index
    %swap3A_56 = tpu.vector_load %arg11[%swap3A_54, %swap3A_55] {strides = array<i32>} : memref<8x128xf32, #tpu.memory_space<vmem>>, vector<16xf32>,
    tpu.vector_store %arg11[%swap3A_54, %swap3A_55], %broadcast_in_dim3A_1 {strides = array<i32>} : memref<8x128xf32, #tpu.memory_space<vmem>>, vector<16xf32>,
    %swap3A_57 = arith.constant 1 : i32
    %swap3A_58 = arith.index_cast %swap3A_57 : i32 to index
    %swap3A_59 = arith.constant 96 : index
    %swap3A_60 = tpu.vector_load %arg11[%swap3A_58, %swap3A_59] {strides = array<i32>} : memref<8x128xf32, #tpu.memory_space<vmem>>, vector<16xf32>,
    tpu.vector_store %arg11[%swap3A_58, %swap3A_59], %broadcast_in_dim3A_1 {strides = array<i32>} : memref<8x128xf32, #tpu.memory_space<vmem>>, vector<16xf32>,
    %swap3A_61 = arith.constant 1 : i32
    %swap3A_62 = arith.index_cast %swap3A_61 : i32 to index
    %swap3A_63 = arith.constant 112 : index
    %swap3A_64 = tpu.vector_load %arg11[%swap3A_62, %swap3A_63] {strides = array<i32>} : memref<8x128xf32, #tpu.memory_space<vmem>>, vector<16xf32>,
    tpu.vector_store %arg11[%swap3A_62, %swap3A_63], %broadcast_in_dim3A_1 {strides = array<i32>} : memref<8x128xf32, #tpu.memory_space<vmem>>, vector<16xf32>,
    %swap3A_65 = arith.constant 2 : i32
    %swap3A_66 = arith.index_cast %swap3A_65 : i32 to index
    %swap3A_67 = arith.constant 0 : index
    %swap3A_68 = tpu.vector_load %arg11[%swap3A_66, %swap3A_67] {strides = array<i32>} : memref<8x128xf32, #tpu.memory_space<vmem>>, vector<16xf32>,
    tpu.vector_store %arg11[%swap3A_66, %swap3A_67], %broadcast_in_dim3A_1 {strides = array<i32>} : memref<8x128xf32, #tpu.memory_space<vmem>>, vector<16xf32>,
    %swap3A_69 = arith.constant 2 : i32
    %swap3A_70 = arith.index_cast %swap3A_69 : i32 to index
    %swap3A_71 = arith.constant 16 : index
    %swap3A_72 = tpu.vector_load %arg11[%swap3A_70, %swap3A_71] {strides = array<i32>} : memref<8x128xf32, #tpu.memory_space<vmem>>, vector<16xf32>,
    tpu.vector_store %arg11[%swap3A_70, %swap3A_71], %broadcast_in_dim3A_1 {strides = array<i32>} : memref<8x128xf32, #tpu.memory_space<vmem>>, vector<16xf32>,
    %swap3A_73 = arith.constant 2 : i32
    %swap3A_74 = arith.index_cast %swap3A_73 : i32 to index
    %swap3A_75 = arith.constant 32 : index
    %swap3A_76 = tpu.vector_load %arg11[%swap3A_74, %swap3A_75] {strides = array<i32>} : memref<8x128xf32, #tpu.memory_space<vmem>>, vector<16xf32>,
    tpu.vector_store %arg11[%swap3A_74, %swap3A_75], %broadcast_in_dim3A_1 {strides = array<i32>} : memref<8x128xf32, #tpu.memory_space<vmem>>, vector<16xf32>,
    %swap3A_77 = arith.constant 2 : i32
    %swap3A_78 = arith.index_cast %swap3A_77 : i32 to index
    %swap3A_79 = arith.constant 48 : index
    %swap3A_80 = tpu.vector_load %arg11[%swap3A_78, %swap3A_79] {strides = array<i32>} : memref<8x128xf32, #tpu.memory_space<vmem>>, vector<16xf32>,
    tpu.vector_store %arg11[%swap3A_78, %swap3A_79], %broadcast_in_dim3A_1 {strides = array<i32>} : memref<8x128xf32, #tpu.memory_space<vmem>>, vector<16xf32>,
    %swap3A_81 = arith.constant 2 : i32
    %swap3A_82 = arith.index_cast %swap3A_81 : i32 to index
    %swap3A_83 = arith.constant 64 : index
    %swap3A_84 = tpu.vector_load %arg11[%swap3A_82, %swap3A_83] {strides = array<i32>} : memref<8x128xf32, #tpu.memory_space<vmem>>, vector<16xf32>,
    tpu.vector_store %arg11[%swap3A_82, %swap3A_83], %broadcast_in_dim3A_1 {strides = array<i32>} : memref<8x128xf32, #tpu.memory_space<vmem>>, vector<16xf32>,
    %swap3A_85 = arith.constant 2 : i32
    %swap3A_86 = arith.index_cast %swap3A_85 : i32 to index
    %swap3A_87 = arith.constant 80 : index
    %swap3A_88 = tpu.vector_load %arg11[%swap3A_86, %swap3A_87] {strides = array<i32>} : memref<8x128xf32, #tpu.memory_space<vmem>>, vector<16xf32>,
    tpu.vector_store %arg11[%swap3A_86, %swap3A_87], %broadcast_in_dim3A_1 {strides = array<i32>} : memref<8x128xf32, #tpu.memory_space<vmem>>, vector<16xf32>,
    %swap3A_89 = arith.constant 2 : i32
    %swap3A_90 = arith.index_cast %swap3A_89 : i32 to index
    %swap3A_91 = arith.constant 96 : index
    %swap3A_92 = tpu.vector_load %arg11[%swap3A_90, %swap3A_91] {strides = array<i32>} : memref<8x128xf32, #tpu.memory_space<vmem>>, vector<16xf32>,
    tpu.vector_store %arg11[%swap3A_90, %swap3A_91], %broadcast_in_dim3A_1 {strides = array<i32>} : memref<8x128xf32, #tpu.memory_space<vmem>>, vector<16xf32>,
    %swap3A_93 = arith.constant 2 : i32
    %swap3A_94 = arith.index_cast %swap3A_93 : i32 to index
    %swap3A_95 = arith.constant 112 : index
    %swap3A_96 = tpu.vector_load %arg11[%swap3A_94, %swap3A_95] {strides = array<i32>} : memref<8x128xf32, #tpu.memory_space<vmem>>, vector<16xf32>,
    tpu.vector_store %arg11[%swap3A_94, %swap3A_95], %broadcast_in_dim3A_1 {strides = array<i32>} : memref<8x128xf32, #tpu.memory_space<vmem>>, vector<16xf32>,
    %swap3A_97 = arith.constant 3 : i32
    %swap3A_98 = arith.index_cast %swap3A_97 : i32 to index
    %swap3A_99 = arith.constant 0 : index
    %swap3A_100 = tpu.vector_load %arg11[%swap3A_98, %swap3A_99] {strides = array<i32>} : memref<8x128xf32, #tpu.memory_space<vmem>>, vector<16xf32>,
    tpu.vector_store %arg11[%swap3A_98, %swap3A_99], %broadcast_in_dim3A_1 {strides = array<i32>} : memref<8x128xf32, #tpu.memory_space<vmem>>, vector<16xf32>,
    %swap3A_101 = arith.constant 3 : i32
    %swap3A_102 = arith.index_cast %swap3A_101 : i32 to index
    %swap3A_103 = arith.constant 16 : index
    %swap3A_104 = tpu.vector_load %arg11[%swap3A_102, %swap3A_103] {strides = array<i32>} : memref<8x128xf32, #tpu.memory_space<vmem>>, vector<16xf32>,
    tpu.vector_store %arg11[%swap3A_102, %swap3A_103], %broadcast_in_dim3A_1 {strides = array<i32>} : memref<8x128xf32, #tpu.memory_space<vmem>>, vector<16xf32>,
    %swap3A_105 = arith.constant 3 : i32
    %swap3A_106 = arith.index_cast %swap3A_105 : i32 to index
    %swap3A_107 = arith.constant 32 : index
    %swap3A_108 = tpu.vector_load %arg11[%swap3A_106, %swap3A_107] {strides = array<i32>} : memref<8x128xf32, #tpu.memory_space<vmem>>, vector<16xf32>,
    tpu.vector_store %arg11[%swap3A_106, %swap3A_107], %broadcast_in_dim3A_1 {strides = array<i32>} : memref<8x128xf32, #tpu.memory_space<vmem>>, vector<16xf32>,
    %swap3A_109 = arith.constant 3 : i32
    %swap3A_110 = arith.index_cast %swap3A_109 : i32 to index
    %swap3A_111 = arith.constant 48 : index
    %swap3A_112 = tpu.vector_load %arg11[%swap3A_110, %swap3A_111] {strides = array<i32>} : memref<8x128xf32, #tpu.memory_space<vmem>>, vector<16xf32>,
    tpu.vector_store %arg11[%swap3A_110, %swap3A_111], %broadcast_in_dim3A_1 {strides = array<i32>} : memref<8x128xf32, #tpu.memory_space<vmem>>, vector<16xf32>,
    %swap3A_113 = arith.constant 3 : i32
    %swap3A_114 = arith.index_cast %swap3A_113 : i32 to index
    %swap3A_115 = arith.constant 64 : index
    %swap3A_116 = tpu.vector_load %arg11[%swap3A_114, %swap3A_115] {strides = array<i32>} : memref<8x128xf32, #tpu.memory_space<vmem>>, vector<16xf32>,
    tpu.vector_store %arg11[%swap3A_114, %swap3A_115], %broadcast_in_dim3A_1 {strides = array<i32>} : memref<8x128xf32, #tpu.memory_space<vmem>>, vector<16xf32>,
    %swap3A_117 = arith.constant 3 : i32
    %swap3A_118 = arith.index_cast %swap3A_117 : i32 to index
    %swap3A_119 = arith.constant 80 : index
    %swap3A_120 = tpu.vector_load %arg11[%swap3A_118, %swap3A_119] {strides = array<i32>} : memref<8x128xf32, #tpu.memory_space<vmem>>, vector<16xf32>,
    tpu.vector_store %arg11[%swap3A_118, %swap3A_119], %broadcast_in_dim3A_1 {strides = array<i32>} : memref<8x128xf32, #tpu.memory_space<vmem>>, vector<16xf32>,
    %swap3A_121 = arith.constant 3 : i32
    %swap3A_122 = arith.index_cast %swap3A_121 : i32 to index
    %swap3A_123 = arith.constant 96 : index
    %swap3A_124 = tpu.vector_load %arg11[%swap3A_122, %swap3A_123] {strides = array<i32>} : memref<8x128xf32, #tpu.memory_space<vmem>>, vector<16xf32>,
    tpu.vector_store %arg11[%swap3A_122, %swap3A_123], %broadcast_in_dim3A_1 {strides = array<i32>} : memref<8x128xf32, #tpu.memory_space<vmem>>, vector<16xf32>,
    %swap3A_125 = arith.constant 3 : i32
    %swap3A_126 = arith.index_cast %swap3A_125 : i32 to index
    %swap3A_127 = arith.constant 112 : index
    %swap3A_128 = tpu.vector_load %arg11[%swap3A_126, %swap3A_127] {strides = array<i32>} : memref<8x128xf32, #tpu.memory_space<vmem>>, vector<16xf32>,
    tpu.vector_store %arg11[%swap3A_126, %swap3A_127], %broadcast_in_dim3A_1 {strides = array<i32>} : memref<8x128xf32, #tpu.memory_space<vmem>>, vector<16xf32>,
    %swap3A_129 = arith.constant 4 : i32
    %swap3A_130 = arith.index_cast %swap3A_129 : i32 to index
    %swap3A_131 = arith.constant 0 : index
    %swap3A_132 = tpu.vector_load %arg11[%swap3A_130, %swap3A_131] {strides = array<i32>} : memref<8x128xf32, #tpu.memory_space<vmem>>, vector<16xf32>,
    tpu.vector_store %arg11[%swap3A_130, %swap3A_131], %broadcast_in_dim3A_1 {strides = array<i32>} : memref<8x128xf32, #tpu.memory_space<vmem>>, vector<16xf32>,
    %swap3A_133 = arith.constant 4 : i32
    %swap3A_134 = arith.index_cast %swap3A_133 : i32 to index
    %swap3A_135 = arith.constant 16 : index
    %swap3A_136 = tpu.vector_load %arg11[%swap3A_134, %swap3A_135] {strides = array<i32>} : memref<8x128xf32, #tpu.memory_space<vmem>>, vector<16xf32>,
    tpu.vector_store %arg11[%swap3A_134, %swap3A_135], %broadcast_in_dim3A_1 {strides = array<i32>} : memref<8x128xf32, #tpu.memory_space<vmem>>, vector<16xf32>,
    %swap3A_137 = arith.constant 4 : i32
    %swap3A_138 = arith.index_cast %swap3A_137 : i32 to index
    %swap3A_139 = arith.constant 32 : index
    %swap3A_140 = tpu.vector_load %arg11[%swap3A_138, %swap3A_139] {strides = array<i32>} : memref<8x128xf32, #tpu.memory_space<vmem>>, vector<16xf32>,
    tpu.vector_store %arg11[%swap3A_138, %swap3A_139], %broadcast_in_dim3A_1 {strides = array<i32>} : memref<8x128xf32, #tpu.memory_space<vmem>>, vector<16xf32>,
    %swap3A_141 = arith.constant 4 : i32
    %swap3A_142 = arith.index_cast %swap3A_141 : i32 to index
    %swap3A_143 = arith.constant 48 : index
    %swap3A_144 = tpu.vector_load %arg11[%swap3A_142, %swap3A_143] {strides = array<i32>} : memref<8x128xf32, #tpu.memory_space<vmem>>, vector<16xf32>,
    tpu.vector_store %arg11[%swap3A_142, %swap3A_143], %broadcast_in_dim3A_1 {strides = array<i32>} : memref<8x128xf32, #tpu.memory_space<vmem>>, vector<16xf32>,
    %swap3A_145 = arith.constant 4 : i32
    %swap3A_146 = arith.index_cast %swap3A_145 : i32 to index
    %swap3A_147 = arith.constant 64 : index
    %swap3A_148 = tpu.vector_load %arg11[%swap3A_146, %swap3A_147] {strides = array<i32>} : memref<8x128xf32, #tpu.memory_space<vmem>>, vector<16xf32>,
    tpu.vector_store %arg11[%swap3A_146, %swap3A_147], %broadcast_in_dim3A_1 {strides = array<i32>} : memref<8x128xf32, #tpu.memory_space<vmem>>, vector<16xf32>,
    %swap3A_149 = arith.constant 4 : i32
    %swap3A_150 = arith.index_cast %swap3A_149 : i32 to index
    %swap3A_151 = arith.constant 80 : index
    %swap3A_152 = tpu.vector_load %arg11[%swap3A_150, %swap3A_151] {strides = array<i32>} : memref<8x128xf32, #tpu.memory_space<vmem>>, vector<16xf32>,
    tpu.vector_store %arg11[%swap3A_150, %swap3A_151], %broadcast_in_dim3A_1 {strides = array<i32>} : memref<8x128xf32, #tpu.memory_space<vmem>>, vector<16xf32>,
    %swap3A_153 = arith.constant 4 : i32
    %swap3A_154 = arith.index_cast %swap3A_153 : i32 to index
    %swap3A_155 = arith.constant 96 : index
    %swap3A_156 = tpu.vector_load %arg11[%swap3A_154, %swap3A_155] {strides = array<i32>} : memref<8x128xf32, #tpu.memory_space<vmem>>, vector<16xf32>,
    tpu.vector_store %arg11[%swap3A_154, %swap3A_155], %broadcast_in_dim3A_1 {strides = array<i32>} : memref<8x128xf32, #tpu.memory_space<vmem>>, vector<16xf32>,
    %swap3A_157 = arith.constant 4 : i32
    %swap3A_158 = arith.index_cast %swap3A_157 : i32 to index
    %swap3A_159 = arith.constant 112 : index
    %swap3A_160 = tpu.vector_load %arg11[%swap3A_158, %swap3A_159] {strides = array<i32>} : memref<8x128xf32, #tpu.memory_space<vmem>>, vector<16xf32>,
    tpu.vector_store %arg11[%swap3A_158, %swap3A_159], %broadcast_in_dim3A_1 {strides = array<i32>} : memref<8x128xf32, #tpu.memory_space<vmem>>, vector<16xf32>,
    %swap3A_161 = arith.constant 5 : i32
    %swap3A_162 = arith.index_cast %swap3A_161 : i32 to index
    %swap3A_163 = arith.constant 0 : index
    %swap3A_164 = tpu.vector_load %arg11[%swap3A_162, %swap3A_163] {strides = array<i32>} : memref<8x128xf32, #tpu.memory_space<vmem>>, vector<16xf32>,
    tpu.vector_store %arg11[%swap3A_162, %swap3A_163], %broadcast_in_dim3A_1 {strides = array<i32>} : memref<8x128xf32, #tpu.memory_space<vmem>>, vector<16xf32>,
    %swap3A_165 = arith.constant 5 : i32
    %swap3A_166 = arith.index_cast %swap3A_165 : i32 to index
    %swap3A_167 = arith.constant 16 : index
    %swap3A_168 = tpu.vector_load %arg11[%swap3A_166, %swap3A_167] {strides = array<i32>} : memref<8x128xf32, #tpu.memory_space<vmem>>, vector<16xf32>,
    tpu.vector_store %arg11[%swap3A_166, %swap3A_167], %broadcast_in_dim3A_1 {strides = array<i32>} : memref<8x128xf32, #tpu.memory_space<vmem>>, vector<16xf32>,
    %swap3A_169 = arith.constant 5 : i32
    %swap3A_170 = arith.index_cast %swap3A_169 : i32 to index
    %swap3A_171 = arith.constant 32 : index
    %swap3A_172 = tpu.vector_load %arg11[%swap3A_170, %swap3A_171] {strides = array<i32>} : memref<8x128xf32, #tpu.memory_space<vmem>>, vector<16xf32>,
    tpu.vector_store %arg11[%swap3A_170, %swap3A_171], %broadcast_in_dim3A_1 {strides = array<i32>} : memref<8x128xf32, #tpu.memory_space<vmem>>, vector<16xf32>,
    %swap3A_173 = arith.constant 5 : i32
    %swap3A_174 = arith.index_cast %swap3A_173 : i32 to index
    %swap3A_175 = arith.constant 48 : index
    %swap3A_176 = tpu.vector_load %arg11[%swap3A_174, %swap3A_175] {strides = array<i32>} : memref<8x128xf32, #tpu.memory_space<vmem>>, vector<16xf32>,
    tpu.vector_store %arg11[%swap3A_174, %swap3A_175], %broadcast_in_dim3A_1 {strides = array<i32>} : memref<8x128xf32, #tpu.memory_space<vmem>>, vector<16xf32>,
    %swap3A_177 = arith.constant 5 : i32
    %swap3A_178 = arith.index_cast %swap3A_177 : i32 to index
    %swap3A_179 = arith.constant 64 : index
    %swap3A_180 = tpu.vector_load %arg11[%swap3A_178, %swap3A_179] {strides = array<i32>} : memref<8x128xf32, #tpu.memory_space<vmem>>, vector<16xf32>,
    tpu.vector_store %arg11[%swap3A_178, %swap3A_179], %broadcast_in_dim3A_1 {strides = array<i32>} : memref<8x128xf32, #tpu.memory_space<vmem>>, vector<16xf32>,
    %swap3A_181 = arith.constant 5 : i32
    %swap3A_182 = arith.index_cast %swap3A_181 : i32 to index
    %swap3A_183 = arith.constant 80 : index
    %swap3A_184 = tpu.vector_load %arg11[%swap3A_182, %swap3A_183] {strides = array<i32>} : memref<8x128xf32, #tpu.memory_space<vmem>>, vector<16xf32>,
    tpu.vector_store %arg11[%swap3A_182, %swap3A_183], %broadcast_in_dim3A_1 {strides = array<i32>} : memref<8x128xf32, #tpu.memory_space<vmem>>, vector<16xf32>,
    %swap3A_185 = arith.constant 5 : i32
    %swap3A_186 = arith.index_cast %swap3A_185 : i32 to index
    %swap3A_187 = arith.constant 96 : index
    %swap3A_188 = tpu.vector_load %arg11[%swap3A_186, %swap3A_187] {strides = array<i32>} : memref<8x128xf32, #tpu.memory_space<vmem>>, vector<16xf32>,
    tpu.vector_store %arg11[%swap3A_186, %swap3A_187], %broadcast_in_dim3A_1 {strides = array<i32>} : memref<8x128xf32, #tpu.memory_space<vmem>>, vector<16xf32>,
    %swap3A_189 = arith.constant 5 : i32
    %swap3A_190 = arith.index_cast %swap3A_189 : i32 to index
    %swap3A_191 = arith.constant 112 : index
    %swap3A_192 = tpu.vector_load %arg11[%swap3A_190, %swap3A_191] {strides = array<i32>} : memref<8x128xf32, #tpu.memory_space<vmem>>, vector<16xf32>,
    tpu.vector_store %arg11[%swap3A_190, %swap3A_191], %broadcast_in_dim3A_1 {strides = array<i32>} : memref<8x128xf32, #tpu.memory_space<vmem>>, vector<16xf32>,
    %swap3A_193 = arith.constant 6 : i32
    %swap3A_194 = arith.index_cast %swap3A_193 : i32 to index
    %swap3A_195 = arith.constant 0 : index
    %swap3A_196 = tpu.vector_load %arg11[%swap3A_194, %swap3A_195] {strides = array<i32>} : memref<8x128xf32, #tpu.memory_space<vmem>>, vector<16xf32>,
    tpu.vector_store %arg11[%swap3A_194, %swap3A_195], %broadcast_in_dim3A_1 {strides = array<i32>} : memref<8x128xf32, #tpu.memory_space<vmem>>, vector<16xf32>,
    %swap3A_197 = arith.constant 6 : i32
    %swap3A_198 = arith.index_cast %swap3A_197 : i32 to index
    %swap3A_199 = arith.constant 16 : index
    %swap3A_200 = tpu.vector_load %arg11[%swap3A_198, %swap3A_199] {strides = array<i32>} : memref<8x128xf32, #tpu.memory_space<vmem>>, vector<16xf32>,
    tpu.vector_store %arg11[%swap3A_198, %swap3A_199], %broadcast_in_dim3A_1 {strides = array<i32>} : memref<8x128xf32, #tpu.memory_space<vmem>>, vector<16xf32>,
    %swap3A_201 = arith.constant 6 : i32
    %swap3A_202 = arith.index_cast %swap3A_201 : i32 to index
    %swap3A_203 = arith.constant 32 : index
    %swap3A_204 = tpu.vector_load %arg11[%swap3A_202, %swap3A_203] {strides = array<i32>} : memref<8x128xf32, #tpu.memory_space<vmem>>, vector<16xf32>,
    tpu.vector_store %arg11[%swap3A_202, %swap3A_203], %broadcast_in_dim3A_1 {strides = array<i32>} : memref<8x128xf32, #tpu.memory_space<vmem>>, vector<16xf32>,
    %swap3A_205 = arith.constant 6 : i32
    %swap3A_206 = arith.index_cast %swap3A_205 : i32 to index
    %swap3A_207 = arith.constant 48 : index
    %swap3A_208 = tpu.vector_load %arg11[%swap3A_206, %swap3A_207] {strides = array<i32>} : memref<8x128xf32, #tpu.memory_space<vmem>>, vector<16xf32>,
    tpu.vector_store %arg11[%swap3A_206, %swap3A_207], %broadcast_in_dim3A_1 {strides = array<i32>} : memref<8x128xf32, #tpu.memory_space<vmem>>, vector<16xf32>,
    %swap3A_209 = arith.constant 6 : i32
    %swap3A_210 = arith.index_cast %swap3A_209 : i32 to index
    %swap3A_211 = arith.constant 64 : index
    %swap3A_212 = tpu.vector_load %arg11[%swap3A_210, %swap3A_211] {strides = array<i32>} : memref<8x128xf32, #tpu.memory_space<vmem>>, vector<16xf32>,
    tpu.vector_store %arg11[%swap3A_210, %swap3A_211], %broadcast_in_dim3A_1 {strides = array<i32>} : memref<8x128xf32, #tpu.memory_space<vmem>>, vector<16xf32>,
    %swap3A_213 = arith.constant 6 : i32
    %swap3A_214 = arith.index_cast %swap3A_213 : i32 to index
    %swap3A_215 = arith.constant 80 : index
    %swap3A_216 = tpu.vector_load %arg11[%swap3A_214, %swap3A_215] {strides = array<i32>} : memref<8x128xf32, #tpu.memory_space<vmem>>, vector<16xf32>,
    tpu.vector_store %arg11[%swap3A_214, %swap3A_215], %broadcast_in_dim3A_1 {strides = array<i32>} : memref<8x128xf32, #tpu.memory_space<vmem>>, vector<16xf32>,
    %swap3A_217 = arith.constant 6 : i32
    %swap3A_218 = arith.index_cast %swap3A_217 : i32 to index
    %swap3A_219 = arith.constant 96 : index
    %swap3A_220 = tpu.vector_load %arg11[%swap3A_218, %swap3A_219] {strides = array<i32>} : memref<8x128xf32, #tpu.memory_space<vmem>>, vector<16xf32>,
    tpu.vector_store %arg11[%swap3A_218, %swap3A_219], %broadcast_in_dim3A_1 {strides = array<i32>} : memref<8x128xf32, #tpu.memory_space<vmem>>, vector<16xf32>,
    %swap3A_221 = arith.constant 6 : i32
    %swap3A_222 = arith.index_cast %swap3A_221 : i32 to index
    %swap3A_223 = arith.constant 112 : index
    %swap3A_224 = tpu.vector_load %arg11[%swap3A_222, %swap3A_223] {strides = array<i32>} : memref<8x128xf32, #tpu.memory_space<vmem>>, vector<16xf32>,
    tpu.vector_store %arg11[%swap3A_222, %swap3A_223], %broadcast_in_dim3A_1 {strides = array<i32>} : memref<8x128xf32, #tpu.memory_space<vmem>>, vector<16xf32>,
    %swap3A_225 = arith.constant 7 : i32
    %swap3A_226 = arith.index_cast %swap3A_225 : i32 to index
    %swap3A_227 = arith.constant 0 : index
    %swap3A_228 = tpu.vector_load %arg11[%swap3A_226, %swap3A_227] {strides = array<i32>} : memref<8x128xf32, #tpu.memory_space<vmem>>, vector<16xf32>,
    tpu.vector_store %arg11[%swap3A_226, %swap3A_227], %broadcast_in_dim3A_1 {strides = array<i32>} : memref<8x128xf32, #tpu.memory_space<vmem>>, vector<16xf32>,
    %swap3A_229 = arith.constant 7 : i32
    %swap3A_230 = arith.index_cast %swap3A_229 : i32 to index
    %swap3A_231 = arith.constant 16 : index
    %swap3A_232 = tpu.vector_load %arg11[%swap3A_230, %swap3A_231] {strides = array<i32>} : memref<8x128xf32, #tpu.memory_space<vmem>>, vector<16xf32>,
    tpu.vector_store %arg11[%swap3A_230, %swap3A_231], %broadcast_in_dim3A_1 {strides = array<i32>} : memref<8x128xf32, #tpu.memory_space<vmem>>, vector<16xf32>,
    %swap3A_233 = arith.constant 7 : i32
    %swap3A_234 = arith.index_cast %swap3A_233 : i32 to index
    %swap3A_235 = arith.constant 32 : index
    %swap3A_236 = tpu.vector_load %arg11[%swap3A_234, %swap3A_235] {strides = array<i32>} : memref<8x128xf32, #tpu.memory_space<vmem>>, vector<16xf32>,
    tpu.vector_store %arg11[%swap3A_234, %swap3A_235], %broadcast_in_dim3A_1 {strides = array<i32>} : memref<8x128xf32, #tpu.memory_space<vmem>>, vector<16xf32>,
    %swap3A_237 = arith.constant 7 : i32
    %swap3A_238 = arith.index_cast %swap3A_237 : i32 to index
    %swap3A_239 = arith.constant 48 : index
    %swap3A_240 = tpu.vector_load %arg11[%swap3A_238, %swap3A_239] {strides = array<i32>} : memref<8x128xf32, #tpu.memory_space<vmem>>, vector<16xf32>,
    tpu.vector_store %arg11[%swap3A_238, %swap3A_239], %broadcast_in_dim3A_1 {strides = array<i32>} : memref<8x128xf32, #tpu.memory_space<vmem>>, vector<16xf32>,
    %swap3A_241 = arith.constant 7 : i32
    %swap3A_242 = arith.index_cast %swap3A_241 : i32 to index
    %swap3A_243 = arith.constant 64 : index
    %swap3A_244 = tpu.vector_load %arg11[%swap3A_242, %swap3A_243] {strides = array<i32>} : memref<8x128xf32, #tpu.memory_space<vmem>>, vector<16xf32>,
    tpu.vector_store %arg11[%swap3A_242, %swap3A_243], %broadcast_in_dim3A_1 {strides = array<i32>} : memref<8x128xf32, #tpu.memory_space<vmem>>, vector<16xf32>,
    %swap3A_245 = arith.constant 7 : i32
    %swap3A_246 = arith.index_cast %swap3A_245 : i32 to index
    %swap3A_247 = arith.constant 80 : index
    %swap3A_248 = tpu.vector_load %arg11[%swap3A_246, %swap3A_247] {strides = array<i32>} : memref<8x128xf32, #tpu.memory_space<vmem>>, vector<16xf32>,
    tpu.vector_store %arg11[%swap3A_246, %swap3A_247], %broadcast_in_dim3A_1 {strides = array<i32>} : memref<8x128xf32, #tpu.memory_space<vmem>>, vector<16xf32>,
    %swap3A_249 = arith.constant 7 : i32
    %swap3A_250 = arith.index_cast %swap3A_249 : i32 to index
    %swap3A_251 = arith.constant 96 : index
    %swap3A_252 = tpu.vector_load %arg11[%swap3A_250, %swap3A_251] {strides = array<i32>} : memref<8x128xf32, #tpu.memory_space<vmem>>, vector<16xf32>,
    tpu.vector_store %arg11[%swap3A_250, %swap3A_251], %broadcast_in_dim3A_1 {strides = array<i32>} : memref<8x128xf32, #tpu.memory_space<vmem>>, vector<16xf32>,
    %swap3A_253 = arith.constant 7 : i32
    %swap3A_254 = arith.index_cast %swap3A_253 : i32 to index
    %swap3A_255 = arith.constant 112 : index
    %swap3A_256 = tpu.vector_load %arg11[%swap3A_254, %swap3A_255] {strides = array<i32>} : memref<8x128xf32, #tpu.memory_space<vmem>>, vector<16xf32>,
    tpu.vector_store %arg11[%swap3A_254, %swap3A_255], %broadcast_in_dim3A_1 {strides = array<i32>} : memref<8x128xf32, #tpu.memory_space<vmem>>, vector<16xf32>,
    %mul3A_257 = arith.constant 320 : i32
    %mul3A_258 = arith.muli %arg1, %mul3A_257 : i32
    %add3A = arith.constant 0 : i32
    %add3A_259 = arith.addi %mul3A_258, %add3A : i32
    "tpu.region"() ({
      %run_scoped3A_558 = tpu.sem_alloc : memref<!tpu.dma_semaphore, #tpu.memory_space<semaphore_mem>>
      %dma_start3A = arith.constant 0 : i32
      %dma_start3A_559 = tpu.memref_slice %arg12[%add3A_259, %dma_start3A] : memref<5120x128xf32, #tpu.memory_space<vmem_shared>> -> memref<8x128xf32, #tpu.memory_space<vmem_shared>>
      %dma_start3A_560 = arith.constant 0 : i32
      %dma_start3A_561 = tpu.memref_slice %arg12[%add3A_259, %dma_start3A_560] : memref<5120x128xf32, #tpu.memory_space<vmem_shared>> -> memref<8x128xf32, #tpu.memory_space<vmem_shared>>
      tpu.enqueue_dma source(%arg11 : memref<8x128xf32, #tpu.memory_space<vmem>>) target(%dma_start3A_561 : memref<8x128xf32, #tpu.memory_space<vmem_shared>>) target_semaphore(%run_scoped3A_558 : memref<!tpu.dma_semaphore, #tpu.memory_space<semaphore_mem>>)
      %dma_wait3A = arith.constant 0 : i32
      %dma_wait3A_562 = tpu.memref_slice %arg12[%add3A_259, %dma_wait3A] : memref<5120x128xf32, #tpu.memory_space<vmem_shared>> -> memref<8x128xf32, #tpu.memory_space<vmem_shared>>
      %dma_wait3A_563 = arith.constant 0 : i32
      %dma_wait3A_564 = tpu.memref_slice %arg12[%add3A_259, %dma_wait3A_563] : memref<5120x128xf32, #tpu.memory_space<vmem_shared>> -> memref<8x128xf32, #tpu.memory_space<vmem_shared>>
      tpu.wait_dma2 semaphore(%run_scoped3A_558 : memref<!tpu.dma_semaphore, #tpu.memory_space<semaphore_mem>>) src(%arg11 : memref<8x128xf32, #tpu.memory_space<vmem>>) dst(%dma_wait3A_564 : memref<8x128xf32, #tpu.memory_space<vmem_shared>>)
      tpu.yield
    }) : () -> ()
    %mul3A_260 = arith.constant 320 : i32
    %mul3A_261 = arith.muli %arg1, %mul3A_260 : i32
    %add3A_262 = arith.constant 8 : i32
    %add3A_263 = arith.addi %mul3A_261, %add3A_262 : i32
    "tpu.region"() ({
      %run_scoped3A_558 = tpu.sem_alloc : memref<!tpu.dma_semaphore, #tpu.memory_space<semaphore_mem>>
      %dma_start3A = arith.constant 0 : i32
      %dma_start3A_559 = tpu.memref_slice %arg12[%add3A_263, %dma_start3A] : memref<5120x128xf32, #tpu.memory_space<vmem_shared>> -> memref<8x128xf32, #tpu.memory_space<vmem_shared>>
      %dma_start3A_560 = arith.constant 0 : i32
      %dma_start3A_561 = tpu.memref_slice %arg12[%add3A_263, %dma_start3A_560] : memref<5120x128xf32, #tpu.memory_space<vmem_shared>> -> memref<8x128xf32, #tpu.memory_space<vmem_shared>>
      tpu.enqueue_dma source(%arg11 : memref<8x128xf32, #tpu.memory_space<vmem>>) target(%dma_start3A_561 : memref<8x128xf32, #tpu.memory_space<vmem_shared>>) target_semaphore(%run_scoped3A_558 : memref<!tpu.dma_semaphore, #tpu.memory_space<semaphore_mem>>)
      %dma_wait3A = arith.constant 0 : i32
      %dma_wait3A_562 = tpu.memref_slice %arg12[%add3A_263, %dma_wait3A] : memref<5120x128xf32, #tpu.memory_space<vmem_shared>> -> memref<8x128xf32, #tpu.memory_space<vmem_shared>>
      %dma_wait3A_563 = arith.constant 0 : i32
      %dma_wait3A_564 = tpu.memref_slice %arg12[%add3A_263, %dma_wait3A_563] : memref<5120x128xf32, #tpu.memory_space<vmem_shared>> -> memref<8x128xf32, #tpu.memory_space<vmem_shared>>
      tpu.wait_dma2 semaphore(%run_scoped3A_558 : memref<!tpu.dma_semaphore, #tpu.memory_space<semaphore_mem>>) src(%arg11 : memref<8x128xf32, #tpu.memory_space<vmem>>) dst(%dma_wait3A_564 : memref<8x128xf32, #tpu.memory_space<vmem_shared>>)
      tpu.yield
    }) : () -> ()
    %mul3A_264 = arith.constant 320 : i32
    %mul3A_265 = arith.muli %arg1, %mul3A_264 : i32
    %add3A_266 = arith.constant 16 : i32
    %add3A_267 = arith.addi %mul3A_265, %add3A_266 : i32
    "tpu.region"() ({
      %run_scoped3A_558 = tpu.sem_alloc : memref<!tpu.dma_semaphore, #tpu.memory_space<semaphore_mem>>
      %dma_start3A = arith.constant 0 : i32
      %dma_start3A_559 = tpu.memref_slice %arg12[%add3A_267, %dma_start3A] : memref<5120x128xf32, #tpu.memory_space<vmem_shared>> -> memref<8x128xf32, #tpu.memory_space<vmem_shared>>
      %dma_start3A_560 = arith.constant 0 : i32
      %dma_start3A_561 = tpu.memref_slice %arg12[%add3A_267, %dma_start3A_560] : memref<5120x128xf32, #tpu.memory_space<vmem_shared>> -> memref<8x128xf32, #tpu.memory_space<vmem_shared>>
      tpu.enqueue_dma source(%arg11 : memref<8x128xf32, #tpu.memory_space<vmem>>) target(%dma_start3A_561 : memref<8x128xf32, #tpu.memory_space<vmem_shared>>) target_semaphore(%run_scoped3A_558 : memref<!tpu.dma_semaphore, #tpu.memory_space<semaphore_mem>>)
      %dma_wait3A = arith.constant 0 : i32
      %dma_wait3A_562 = tpu.memref_slice %arg12[%add3A_267, %dma_wait3A] : memref<5120x128xf32, #tpu.memory_space<vmem_shared>> -> memref<8x128xf32, #tpu.memory_space<vmem_shared>>
      %dma_wait3A_563 = arith.constant 0 : i32
      %dma_wait3A_564 = tpu.memref_slice %arg12[%add3A_267, %dma_wait3A_563] : memref<5120x128xf32, #tpu.memory_space<vmem_shared>> -> memref<8x128xf32, #tpu.memory_space<vmem_shared>>
      tpu.wait_dma2 semaphore(%run_scoped3A_558 : memref<!tpu.dma_semaphore, #tpu.memory_space<semaphore_mem>>) src(%arg11 : memref<8x128xf32, #tpu.memory_space<vmem>>) dst(%dma_wait3A_564 : memref<8x128xf32, #tpu.memory_space<vmem_shared>>)
      tpu.yield
    }) : () -> ()
    %mul3A_268 = arith.constant 320 : i32
    %mul3A_269 = arith.muli %arg1, %mul3A_268 : i32
    %add3A_270 = arith.constant 24 : i32
    %add3A_271 = arith.addi %mul3A_269, %add3A_270 : i32
    "tpu.region"() ({
      %run_scoped3A_558 = tpu.sem_alloc : memref<!tpu.dma_semaphore, #tpu.memory_space<semaphore_mem>>
      %dma_start3A = arith.constant 0 : i32
      %dma_start3A_559 = tpu.memref_slice %arg12[%add3A_271, %dma_start3A] : memref<5120x128xf32, #tpu.memory_space<vmem_shared>> -> memref<8x128xf32, #tpu.memory_space<vmem_shared>>
      %dma_start3A_560 = arith.constant 0 : i32
      %dma_start3A_561 = tpu.memref_slice %arg12[%add3A_271, %dma_start3A_560] : memref<5120x128xf32, #tpu.memory_space<vmem_shared>> -> memref<8x128xf32, #tpu.memory_space<vmem_shared>>
      tpu.enqueue_dma source(%arg11 : memref<8x128xf32, #tpu.memory_space<vmem>>) target(%dma_start3A_561 : memref<8x128xf32, #tpu.memory_space<vmem_shared>>) target_semaphore(%run_scoped3A_558 : memref<!tpu.dma_semaphore, #tpu.memory_space<semaphore_mem>>)
      %dma_wait3A = arith.constant 0 : i32
      %dma_wait3A_562 = tpu.memref_slice %arg12[%add3A_271, %dma_wait3A] : memref<5120x128xf32, #tpu.memory_space<vmem_shared>> -> memref<8x128xf32, #tpu.memory_space<vmem_shared>>
      %dma_wait3A_563 = arith.constant 0 : i32
      %dma_wait3A_564 = tpu.memref_slice %arg12[%add3A_271, %dma_wait3A_563] : memref<5120x128xf32, #tpu.memory_space<vmem_shared>> -> memref<8x128xf32, #tpu.memory_space<vmem_shared>>
      tpu.wait_dma2 semaphore(%run_scoped3A_558 : memref<!tpu.dma_semaphore, #tpu.memory_space<semaphore_mem>>) src(%arg11 : memref<8x128xf32, #tpu.memory_space<vmem>>) dst(%dma_wait3A_564 : memref<8x128xf32, #tpu.memory_space<vmem_shared>>)
      tpu.yield
    }) : () -> ()
    %mul3A_272 = arith.constant 320 : i32
    %mul3A_273 = arith.muli %arg1, %mul3A_272 : i32
    %add3A_274 = arith.constant 32 : i32
    %add3A_275 = arith.addi %mul3A_273, %add3A_274 : i32
    "tpu.region"() ({
      %run_scoped3A_558 = tpu.sem_alloc : memref<!tpu.dma_semaphore, #tpu.memory_space<semaphore_mem>>
      %dma_start3A = arith.constant 0 : i32
      %dma_start3A_559 = tpu.memref_slice %arg12[%add3A_275, %dma_start3A] : memref<5120x128xf32, #tpu.memory_space<vmem_shared>> -> memref<8x128xf32, #tpu.memory_space<vmem_shared>>
      %dma_start3A_560 = arith.constant 0 : i32
      %dma_start3A_561 = tpu.memref_slice %arg12[%add3A_275, %dma_start3A_560] : memref<5120x128xf32, #tpu.memory_space<vmem_shared>> -> memref<8x128xf32, #tpu.memory_space<vmem_shared>>
      tpu.enqueue_dma source(%arg11 : memref<8x128xf32, #tpu.memory_space<vmem>>) target(%dma_start3A_561 : memref<8x128xf32, #tpu.memory_space<vmem_shared>>) target_semaphore(%run_scoped3A_558 : memref<!tpu.dma_semaphore, #tpu.memory_space<semaphore_mem>>)
      %dma_wait3A = arith.constant 0 : i32
      %dma_wait3A_562 = tpu.memref_slice %arg12[%add3A_275, %dma_wait3A] : memref<5120x128xf32, #tpu.memory_space<vmem_shared>> -> memref<8x128xf32, #tpu.memory_space<vmem_shared>>
      %dma_wait3A_563 = arith.constant 0 : i32
      %dma_wait3A_564 = tpu.memref_slice %arg12[%add3A_275, %dma_wait3A_563] : memref<5120x128xf32, #tpu.memory_space<vmem_shared>> -> memref<8x128xf32, #tpu.memory_space<vmem_shared>>
      tpu.wait_dma2 semaphore(%run_scoped3A_558 : memref<!tpu.dma_semaphore, #tpu.memory_space<semaphore_mem>>) src(%arg11 : memref<8x128xf32, #tpu.memory_space<vmem>>) dst(%dma_wait3A_564 : memref<8x128xf32, #tpu.memory_space<vmem_shared>>)
      tpu.yield
    }) : () -> ()
    %mul3A_276 = arith.constant 320 : i32
    %mul3A_277 = arith.muli %arg1, %mul3A_276 : i32
    %add3A_278 = arith.constant 40 : i32
    %add3A_279 = arith.addi %mul3A_277, %add3A_278 : i32
    "tpu.region"() ({
      %run_scoped3A_558 = tpu.sem_alloc : memref<!tpu.dma_semaphore, #tpu.memory_space<semaphore_mem>>
      %dma_start3A = arith.constant 0 : i32
      %dma_start3A_559 = tpu.memref_slice %arg12[%add3A_279, %dma_start3A] : memref<5120x128xf32, #tpu.memory_space<vmem_shared>> -> memref<8x128xf32, #tpu.memory_space<vmem_shared>>
      %dma_start3A_560 = arith.constant 0 : i32
      %dma_start3A_561 = tpu.memref_slice %arg12[%add3A_279, %dma_start3A_560] : memref<5120x128xf32, #tpu.memory_space<vmem_shared>> -> memref<8x128xf32, #tpu.memory_space<vmem_shared>>
      tpu.enqueue_dma source(%arg11 : memref<8x128xf32, #tpu.memory_space<vmem>>) target(%dma_start3A_561 : memref<8x128xf32, #tpu.memory_space<vmem_shared>>) target_semaphore(%run_scoped3A_558 : memref<!tpu.dma_semaphore, #tpu.memory_space<semaphore_mem>>)
      %dma_wait3A = arith.constant 0 : i32
      %dma_wait3A_562 = tpu.memref_slice %arg12[%add3A_279, %dma_wait3A] : memref<5120x128xf32, #tpu.memory_space<vmem_shared>> -> memref<8x128xf32, #tpu.memory_space<vmem_shared>>
      %dma_wait3A_563 = arith.constant 0 : i32
      %dma_wait3A_564 = tpu.memref_slice %arg12[%add3A_279, %dma_wait3A_563] : memref<5120x128xf32, #tpu.memory_space<vmem_shared>> -> memref<8x128xf32, #tpu.memory_space<vmem_shared>>
      tpu.wait_dma2 semaphore(%run_scoped3A_558 : memref<!tpu.dma_semaphore, #tpu.memory_space<semaphore_mem>>) src(%arg11 : memref<8x128xf32, #tpu.memory_space<vmem>>) dst(%dma_wait3A_564 : memref<8x128xf32, #tpu.memory_space<vmem_shared>>)
      tpu.yield
    }) : () -> ()
    %mul3A_280 = arith.constant 320 : i32
    %mul3A_281 = arith.muli %arg1, %mul3A_280 : i32
    %add3A_282 = arith.constant 48 : i32
    %add3A_283 = arith.addi %mul3A_281, %add3A_282 : i32
    "tpu.region"() ({
      %run_scoped3A_558 = tpu.sem_alloc : memref<!tpu.dma_semaphore, #tpu.memory_space<semaphore_mem>>
      %dma_start3A = arith.constant 0 : i32
      %dma_start3A_559 = tpu.memref_slice %arg12[%add3A_283, %dma_start3A] : memref<5120x128xf32, #tpu.memory_space<vmem_shared>> -> memref<8x128xf32, #tpu.memory_space<vmem_shared>>
      %dma_start3A_560 = arith.constant 0 : i32
      %dma_start3A_561 = tpu.memref_slice %arg12[%add3A_283, %dma_start3A_560] : memref<5120x128xf32, #tpu.memory_space<vmem_shared>> -> memref<8x128xf32, #tpu.memory_space<vmem_shared>>
      tpu.enqueue_dma source(%arg11 : memref<8x128xf32, #tpu.memory_space<vmem>>) target(%dma_start3A_561 : memref<8x128xf32, #tpu.memory_space<vmem_shared>>) target_semaphore(%run_scoped3A_558 : memref<!tpu.dma_semaphore, #tpu.memory_space<semaphore_mem>>)
      %dma_wait3A = arith.constant 0 : i32
      %dma_wait3A_562 = tpu.memref_slice %arg12[%add3A_283, %dma_wait3A] : memref<5120x128xf32, #tpu.memory_space<vmem_shared>> -> memref<8x128xf32, #tpu.memory_space<vmem_shared>>
      %dma_wait3A_563 = arith.constant 0 : i32
      %dma_wait3A_564 = tpu.memref_slice %arg12[%add3A_283, %dma_wait3A_563] : memref<5120x128xf32, #tpu.memory_space<vmem_shared>> -> memref<8x128xf32, #tpu.memory_space<vmem_shared>>
      tpu.wait_dma2 semaphore(%run_scoped3A_558 : memref<!tpu.dma_semaphore, #tpu.memory_space<semaphore_mem>>) src(%arg11 : memref<8x128xf32, #tpu.memory_space<vmem>>) dst(%dma_wait3A_564 : memref<8x128xf32, #tpu.memory_space<vmem_shared>>)
      tpu.yield
    }) : () -> ()
    %mul3A_284 = arith.constant 320 : i32
    %mul3A_285 = arith.muli %arg1, %mul3A_284 : i32
    %add3A_286 = arith.constant 56 : i32
    %add3A_287 = arith.addi %mul3A_285, %add3A_286 : i32
    "tpu.region"() ({
      %run_scoped3A_558 = tpu.sem_alloc : memref<!tpu.dma_semaphore, #tpu.memory_space<semaphore_mem>>
      %dma_start3A = arith.constant 0 : i32
      %dma_start3A_559 = tpu.memref_slice %arg12[%add3A_287, %dma_start3A] : memref<5120x128xf32, #tpu.memory_space<vmem_shared>> -> memref<8x128xf32, #tpu.memory_space<vmem_shared>>
      %dma_start3A_560 = arith.constant 0 : i32
      %dma_start3A_561 = tpu.memref_slice %arg12[%add3A_287, %dma_start3A_560] : memref<5120x128xf32, #tpu.memory_space<vmem_shared>> -> memref<8x128xf32, #tpu.memory_space<vmem_shared>>
      tpu.enqueue_dma source(%arg11 : memref<8x128xf32, #tpu.memory_space<vmem>>) target(%dma_start3A_561 : memref<8x128xf32, #tpu.memory_space<vmem_shared>>) target_semaphore(%run_scoped3A_558 : memref<!tpu.dma_semaphore, #tpu.memory_space<semaphore_mem>>)
      %dma_wait3A = arith.constant 0 : i32
      %dma_wait3A_562 = tpu.memref_slice %arg12[%add3A_287, %dma_wait3A] : memref<5120x128xf32, #tpu.memory_space<vmem_shared>> -> memref<8x128xf32, #tpu.memory_space<vmem_shared>>
      %dma_wait3A_563 = arith.constant 0 : i32
      %dma_wait3A_564 = tpu.memref_slice %arg12[%add3A_287, %dma_wait3A_563] : memref<5120x128xf32, #tpu.memory_space<vmem_shared>> -> memref<8x128xf32, #tpu.memory_space<vmem_shared>>
      tpu.wait_dma2 semaphore(%run_scoped3A_558 : memref<!tpu.dma_semaphore, #tpu.memory_space<semaphore_mem>>) src(%arg11 : memref<8x128xf32, #tpu.memory_space<vmem>>) dst(%dma_wait3A_564 : memref<8x128xf32, #tpu.memory_space<vmem_shared>>)
      tpu.yield
    }) : () -> ()
    %mul3A_288 = arith.constant 320 : i32
    %mul3A_289 = arith.muli %arg1, %mul3A_288 : i32
    %add3A_290 = arith.constant 64 : i32
    %add3A_291 = arith.addi %mul3A_289, %add3A_290 : i32
    "tpu.region"() ({
      %run_scoped3A_558 = tpu.sem_alloc : memref<!tpu.dma_semaphore, #tpu.memory_space<semaphore_mem>>
      %dma_start3A = arith.constant 0 : i32
      %dma_start3A_559 = tpu.memref_slice %arg12[%add3A_291, %dma_start3A] : memref<5120x128xf32, #tpu.memory_space<vmem_shared>> -> memref<8x128xf32, #tpu.memory_space<vmem_shared>>
      %dma_start3A_560 = arith.constant 0 : i32
      %dma_start3A_561 = tpu.memref_slice %arg12[%add3A_291, %dma_start3A_560] : memref<5120x128xf32, #tpu.memory_space<vmem_shared>> -> memref<8x128xf32, #tpu.memory_space<vmem_shared>>
      tpu.enqueue_dma source(%arg11 : memref<8x128xf32, #tpu.memory_space<vmem>>) target(%dma_start3A_561 : memref<8x128xf32, #tpu.memory_space<vmem_shared>>) target_semaphore(%run_scoped3A_558 : memref<!tpu.dma_semaphore, #tpu.memory_space<semaphore_mem>>)
      %dma_wait3A = arith.constant 0 : i32
      %dma_wait3A_562 = tpu.memref_slice %arg12[%add3A_291, %dma_wait3A] : memref<5120x128xf32, #tpu.memory_space<vmem_shared>> -> memref<8x128xf32, #tpu.memory_space<vmem_shared>>
      %dma_wait3A_563 = arith.constant 0 : i32
      %dma_wait3A_564 = tpu.memref_slice %arg12[%add3A_291, %dma_wait3A_563] : memref<5120x128xf32, #tpu.memory_space<vmem_shared>> -> memref<8x128xf32, #tpu.memory_space<vmem_shared>>
      tpu.wait_dma2 semaphore(%run_scoped3A_558 : memref<!tpu.dma_semaphore, #tpu.memory_space<semaphore_mem>>) src(%arg11 : memref<8x128xf32, #tpu.memory_space<vmem>>) dst(%dma_wait3A_564 : memref<8x128xf32, #tpu.memory_space<vmem_shared>>)
      tpu.yield
    }) : () -> ()
    %mul3A_292 = arith.constant 320 : i32
    %mul3A_293 = arith.muli %arg1, %mul3A_292 : i32
    %add3A_294 = arith.constant 72 : i32
    %add3A_295 = arith.addi %mul3A_293, %add3A_294 : i32
    "tpu.region"() ({
      %run_scoped3A_558 = tpu.sem_alloc : memref<!tpu.dma_semaphore, #tpu.memory_space<semaphore_mem>>
      %dma_start3A = arith.constant 0 : i32
      %dma_start3A_559 = tpu.memref_slice %arg12[%add3A_295, %dma_start3A] : memref<5120x128xf32, #tpu.memory_space<vmem_shared>> -> memref<8x128xf32, #tpu.memory_space<vmem_shared>>
      %dma_start3A_560 = arith.constant 0 : i32
      %dma_start3A_561 = tpu.memref_slice %arg12[%add3A_295, %dma_start3A_560] : memref<5120x128xf32, #tpu.memory_space<vmem_shared>> -> memref<8x128xf32, #tpu.memory_space<vmem_shared>>
      tpu.enqueue_dma source(%arg11 : memref<8x128xf32, #tpu.memory_space<vmem>>) target(%dma_start3A_561 : memref<8x128xf32, #tpu.memory_space<vmem_shared>>) target_semaphore(%run_scoped3A_558 : memref<!tpu.dma_semaphore, #tpu.memory_space<semaphore_mem>>)
      %dma_wait3A = arith.constant 0 : i32
      %dma_wait3A_562 = tpu.memref_slice %arg12[%add3A_295, %dma_wait3A] : memref<5120x128xf32, #tpu.memory_space<vmem_shared>> -> memref<8x128xf32, #tpu.memory_space<vmem_shared>>
      %dma_wait3A_563 = arith.constant 0 : i32
      %dma_wait3A_564 = tpu.memref_slice %arg12[%add3A_295, %dma_wait3A_563] : memref<5120x128xf32, #tpu.memory_space<vmem_shared>> -> memref<8x128xf32, #tpu.memory_space<vmem_shared>>
      tpu.wait_dma2 semaphore(%run_scoped3A_558 : memref<!tpu.dma_semaphore, #tpu.memory_space<semaphore_mem>>) src(%arg11 : memref<8x128xf32, #tpu.memory_space<vmem>>) dst(%dma_wait3A_564 : memref<8x128xf32, #tpu.memory_space<vmem_shared>>)
      tpu.yield
    }) : () -> ()
    %mul3A_296 = arith.constant 320 : i32
    %mul3A_297 = arith.muli %arg1, %mul3A_296 : i32
    %add3A_298 = arith.constant 80 : i32
    %add3A_299 = arith.addi %mul3A_297, %add3A_298 : i32
    "tpu.region"() ({
      %run_scoped3A_558 = tpu.sem_alloc : memref<!tpu.dma_semaphore, #tpu.memory_space<semaphore_mem>>
      %dma_start3A = arith.constant 0 : i32
      %dma_start3A_559 = tpu.memref_slice %arg12[%add3A_299, %dma_start3A] : memref<5120x128xf32, #tpu.memory_space<vmem_shared>> -> memref<8x128xf32, #tpu.memory_space<vmem_shared>>
      %dma_start3A_560 = arith.constant 0 : i32
      %dma_start3A_561 = tpu.memref_slice %arg12[%add3A_299, %dma_start3A_560] : memref<5120x128xf32, #tpu.memory_space<vmem_shared>> -> memref<8x128xf32, #tpu.memory_space<vmem_shared>>
      tpu.enqueue_dma source(%arg11 : memref<8x128xf32, #tpu.memory_space<vmem>>) target(%dma_start3A_561 : memref<8x128xf32, #tpu.memory_space<vmem_shared>>) target_semaphore(%run_scoped3A_558 : memref<!tpu.dma_semaphore, #tpu.memory_space<semaphore_mem>>)
      %dma_wait3A = arith.constant 0 : i32
      %dma_wait3A_562 = tpu.memref_slice %arg12[%add3A_299, %dma_wait3A] : memref<5120x128xf32, #tpu.memory_space<vmem_shared>> -> memref<8x128xf32, #tpu.memory_space<vmem_shared>>
      %dma_wait3A_563 = arith.constant 0 : i32
      %dma_wait3A_564 = tpu.memref_slice %arg12[%add3A_299, %dma_wait3A_563] : memref<5120x128xf32, #tpu.memory_space<vmem_shared>> -> memref<8x128xf32, #tpu.memory_space<vmem_shared>>
      tpu.wait_dma2 semaphore(%run_scoped3A_558 : memref<!tpu.dma_semaphore, #tpu.memory_space<semaphore_mem>>) src(%arg11 : memref<8x128xf32, #tpu.memory_space<vmem>>) dst(%dma_wait3A_564 : memref<8x128xf32, #tpu.memory_space<vmem_shared>>)
      tpu.yield
    }) : () -> ()
    %mul3A_300 = arith.constant 320 : i32
    %mul3A_301 = arith.muli %arg1, %mul3A_300 : i32
    %add3A_302 = arith.constant 88 : i32
    %add3A_303 = arith.addi %mul3A_301, %add3A_302 : i32
    "tpu.region"() ({
      %run_scoped3A_558 = tpu.sem_alloc : memref<!tpu.dma_semaphore, #tpu.memory_space<semaphore_mem>>
      %dma_start3A = arith.constant 0 : i32
      %dma_start3A_559 = tpu.memref_slice %arg12[%add3A_303, %dma_start3A] : memref<5120x128xf32, #tpu.memory_space<vmem_shared>> -> memref<8x128xf32, #tpu.memory_space<vmem_shared>>
      %dma_start3A_560 = arith.constant 0 : i32
      %dma_start3A_561 = tpu.memref_slice %arg12[%add3A_303, %dma_start3A_560] : memref<5120x128xf32, #tpu.memory_space<vmem_shared>> -> memref<8x128xf32, #tpu.memory_space<vmem_shared>>
      tpu.enqueue_dma source(%arg11 : memref<8x128xf32, #tpu.memory_space<vmem>>) target(%dma_start3A_561 : memref<8x128xf32, #tpu.memory_space<vmem_shared>>) target_semaphore(%run_scoped3A_558 : memref<!tpu.dma_semaphore, #tpu.memory_space<semaphore_mem>>)
      %dma_wait3A = arith.constant 0 : i32
      %dma_wait3A_562 = tpu.memref_slice %arg12[%add3A_303, %dma_wait3A] : memref<5120x128xf32, #tpu.memory_space<vmem_shared>> -> memref<8x128xf32, #tpu.memory_space<vmem_shared>>
      %dma_wait3A_563 = arith.constant 0 : i32
      %dma_wait3A_564 = tpu.memref_slice %arg12[%add3A_303, %dma_wait3A_563] : memref<5120x128xf32, #tpu.memory_space<vmem_shared>> -> memref<8x128xf32, #tpu.memory_space<vmem_shared>>
      tpu.wait_dma2 semaphore(%run_scoped3A_558 : memref<!tpu.dma_semaphore, #tpu.memory_space<semaphore_mem>>) src(%arg11 : memref<8x128xf32, #tpu.memory_space<vmem>>) dst(%dma_wait3A_564 : memref<8x128xf32, #tpu.memory_space<vmem_shared>>)
      tpu.yield
    }) : () -> ()
    %mul3A_304 = arith.constant 320 : i32
    %mul3A_305 = arith.muli %arg1, %mul3A_304 : i32
    %add3A_306 = arith.constant 96 : i32
    %add3A_307 = arith.addi %mul3A_305, %add3A_306 : i32
    "tpu.region"() ({
      %run_scoped3A_558 = tpu.sem_alloc : memref<!tpu.dma_semaphore, #tpu.memory_space<semaphore_mem>>
      %dma_start3A = arith.constant 0 : i32
      %dma_start3A_559 = tpu.memref_slice %arg12[%add3A_307, %dma_start3A] : memref<5120x128xf32, #tpu.memory_space<vmem_shared>> -> memref<8x128xf32, #tpu.memory_space<vmem_shared>>
      %dma_start3A_560 = arith.constant 0 : i32
      %dma_start3A_561 = tpu.memref_slice %arg12[%add3A_307, %dma_start3A_560] : memref<5120x128xf32, #tpu.memory_space<vmem_shared>> -> memref<8x128xf32, #tpu.memory_space<vmem_shared>>
      tpu.enqueue_dma source(%arg11 : memref<8x128xf32, #tpu.memory_space<vmem>>) target(%dma_start3A_561 : memref<8x128xf32, #tpu.memory_space<vmem_shared>>) target_semaphore(%run_scoped3A_558 : memref<!tpu.dma_semaphore, #tpu.memory_space<semaphore_mem>>)
      %dma_wait3A = arith.constant 0 : i32
      %dma_wait3A_562 = tpu.memref_slice %arg12[%add3A_307, %dma_wait3A] : memref<5120x128xf32, #tpu.memory_space<vmem_shared>> -> memref<8x128xf32, #tpu.memory_space<vmem_shared>>
      %dma_wait3A_563 = arith.constant 0 : i32
      %dma_wait3A_564 = tpu.memref_slice %arg12[%add3A_307, %dma_wait3A_563] : memref<5120x128xf32, #tpu.memory_space<vmem_shared>> -> memref<8x128xf32, #tpu.memory_space<vmem_shared>>
      tpu.wait_dma2 semaphore(%run_scoped3A_558 : memref<!tpu.dma_semaphore, #tpu.memory_space<semaphore_mem>>) src(%arg11 : memref<8x128xf32, #tpu.memory_space<vmem>>) dst(%dma_wait3A_564 : memref<8x128xf32, #tpu.memory_space<vmem_shared>>)
      tpu.yield
    }) : () -> ()
    %mul3A_308 = arith.constant 320 : i32
    %mul3A_309 = arith.muli %arg1, %mul3A_308 : i32
    %add3A_310 = arith.constant 104 : i32
    %add3A_311 = arith.addi %mul3A_309, %add3A_310 : i32
    "tpu.region"() ({
      %run_scoped3A_558 = tpu.sem_alloc : memref<!tpu.dma_semaphore, #tpu.memory_space<semaphore_mem>>
      %dma_start3A = arith.constant 0 : i32
      %dma_start3A_559 = tpu.memref_slice %arg12[%add3A_311, %dma_start3A] : memref<5120x128xf32, #tpu.memory_space<vmem_shared>> -> memref<8x128xf32, #tpu.memory_space<vmem_shared>>
      %dma_start3A_560 = arith.constant 0 : i32
      %dma_start3A_561 = tpu.memref_slice %arg12[%add3A_311, %dma_start3A_560] : memref<5120x128xf32, #tpu.memory_space<vmem_shared>> -> memref<8x128xf32, #tpu.memory_space<vmem_shared>>
      tpu.enqueue_dma source(%arg11 : memref<8x128xf32, #tpu.memory_space<vmem>>) target(%dma_start3A_561 : memref<8x128xf32, #tpu.memory_space<vmem_shared>>) target_semaphore(%run_scoped3A_558 : memref<!tpu.dma_semaphore, #tpu.memory_space<semaphore_mem>>)
      %dma_wait3A = arith.constant 0 : i32
      %dma_wait3A_562 = tpu.memref_slice %arg12[%add3A_311, %dma_wait3A] : memref<5120x128xf32, #tpu.memory_space<vmem_shared>> -> memref<8x128xf32, #tpu.memory_space<vmem_shared>>
      %dma_wait3A_563 = arith.constant 0 : i32
      %dma_wait3A_564 = tpu.memref_slice %arg12[%add3A_311, %dma_wait3A_563] : memref<5120x128xf32, #tpu.memory_space<vmem_shared>> -> memref<8x128xf32, #tpu.memory_space<vmem_shared>>
      tpu.wait_dma2 semaphore(%run_scoped3A_558 : memref<!tpu.dma_semaphore, #tpu.memory_space<semaphore_mem>>) src(%arg11 : memref<8x128xf32, #tpu.memory_space<vmem>>) dst(%dma_wait3A_564 : memref<8x128xf32, #tpu.memory_space<vmem_shared>>)
      tpu.yield
    }) : () -> ()
    %mul3A_312 = arith.constant 320 : i32
    %mul3A_313 = arith.muli %arg1, %mul3A_312 : i32
    %add3A_314 = arith.constant 112 : i32
    %add3A_315 = arith.addi %mul3A_313, %add3A_314 : i32
    "tpu.region"() ({
      %run_scoped3A_558 = tpu.sem_alloc : memref<!tpu.dma_semaphore, #tpu.memory_space<semaphore_mem>>
      %dma_start3A = arith.constant 0 : i32
      %dma_start3A_559 = tpu.memref_slice %arg12[%add3A_315, %dma_start3A] : memref<5120x128xf32, #tpu.memory_space<vmem_shared>> -> memref<8x128xf32, #tpu.memory_space<vmem_shared>>
      %dma_start3A_560 = arith.constant 0 : i32
      %dma_start3A_561 = tpu.memref_slice %arg12[%add3A_315, %dma_start3A_560] : memref<5120x128xf32, #tpu.memory_space<vmem_shared>> -> memref<8x128xf32, #tpu.memory_space<vmem_shared>>
      tpu.enqueue_dma source(%arg11 : memref<8x128xf32, #tpu.memory_space<vmem>>) target(%dma_start3A_561 : memref<8x128xf32, #tpu.memory_space<vmem_shared>>) target_semaphore(%run_scoped3A_558 : memref<!tpu.dma_semaphore, #tpu.memory_space<semaphore_mem>>)
      %dma_wait3A = arith.constant 0 : i32
      %dma_wait3A_562 = tpu.memref_slice %arg12[%add3A_315, %dma_wait3A] : memref<5120x128xf32, #tpu.memory_space<vmem_shared>> -> memref<8x128xf32, #tpu.memory_space<vmem_shared>>
      %dma_wait3A_563 = arith.constant 0 : i32
      %dma_wait3A_564 = tpu.memref_slice %arg12[%add3A_315, %dma_wait3A_563] : memref<5120x128xf32, #tpu.memory_space<vmem_shared>> -> memref<8x128xf32, #tpu.memory_space<vmem_shared>>
      tpu.wait_dma2 semaphore(%run_scoped3A_558 : memref<!tpu.dma_semaphore, #tpu.memory_space<semaphore_mem>>) src(%arg11 : memref<8x128xf32, #tpu.memory_space<vmem>>) dst(%dma_wait3A_564 : memref<8x128xf32, #tpu.memory_space<vmem_shared>>)
      tpu.yield
    }) : () -> ()
    %mul3A_316 = arith.constant 320 : i32
    %mul3A_317 = arith.muli %arg1, %mul3A_316 : i32
    %add3A_318 = arith.constant 120 : i32
    %add3A_319 = arith.addi %mul3A_317, %add3A_318 : i32
    "tpu.region"() ({
      %run_scoped3A_558 = tpu.sem_alloc : memref<!tpu.dma_semaphore, #tpu.memory_space<semaphore_mem>>
      %dma_start3A = arith.constant 0 : i32
      %dma_start3A_559 = tpu.memref_slice %arg12[%add3A_319, %dma_start3A] : memref<5120x128xf32, #tpu.memory_space<vmem_shared>> -> memref<8x128xf32, #tpu.memory_space<vmem_shared>>
      %dma_start3A_560 = arith.constant 0 : i32
      %dma_start3A_561 = tpu.memref_slice %arg12[%add3A_319, %dma_start3A_560] : memref<5120x128xf32, #tpu.memory_space<vmem_shared>> -> memref<8x128xf32, #tpu.memory_space<vmem_shared>>
      tpu.enqueue_dma source(%arg11 : memref<8x128xf32, #tpu.memory_space<vmem>>) target(%dma_start3A_561 : memref<8x128xf32, #tpu.memory_space<vmem_shared>>) target_semaphore(%run_scoped3A_558 : memref<!tpu.dma_semaphore, #tpu.memory_space<semaphore_mem>>)
      %dma_wait3A = arith.constant 0 : i32
      %dma_wait3A_562 = tpu.memref_slice %arg12[%add3A_319, %dma_wait3A] : memref<5120x128xf32, #tpu.memory_space<vmem_shared>> -> memref<8x128xf32, #tpu.memory_space<vmem_shared>>
      %dma_wait3A_563 = arith.constant 0 : i32
      %dma_wait3A_564 = tpu.memref_slice %arg12[%add3A_319, %dma_wait3A_563] : memref<5120x128xf32, #tpu.memory_space<vmem_shared>> -> memref<8x128xf32, #tpu.memory_space<vmem_shared>>
      tpu.wait_dma2 semaphore(%run_scoped3A_558 : memref<!tpu.dma_semaphore, #tpu.memory_space<semaphore_mem>>) src(%arg11 : memref<8x128xf32, #tpu.memory_space<vmem>>) dst(%dma_wait3A_564 : memref<8x128xf32, #tpu.memory_space<vmem_shared>>)
      tpu.yield
    }) : () -> ()
    %mul3A_320 = arith.constant 320 : i32
    %mul3A_321 = arith.muli %arg1, %mul3A_320 : i32
    %add3A_322 = arith.constant 128 : i32
    %add3A_323 = arith.addi %mul3A_321, %add3A_322 : i32
    "tpu.region"() ({
      %run_scoped3A_558 = tpu.sem_alloc : memref<!tpu.dma_semaphore, #tpu.memory_space<semaphore_mem>>
      %dma_start3A = arith.constant 0 : i32
      %dma_start3A_559 = tpu.memref_slice %arg12[%add3A_323, %dma_start3A] : memref<5120x128xf32, #tpu.memory_space<vmem_shared>> -> memref<8x128xf32, #tpu.memory_space<vmem_shared>>
      %dma_start3A_560 = arith.constant 0 : i32
      %dma_start3A_561 = tpu.memref_slice %arg12[%add3A_323, %dma_start3A_560] : memref<5120x128xf32, #tpu.memory_space<vmem_shared>> -> memref<8x128xf32, #tpu.memory_space<vmem_shared>>
      tpu.enqueue_dma source(%arg11 : memref<8x128xf32, #tpu.memory_space<vmem>>) target(%dma_start3A_561 : memref<8x128xf32, #tpu.memory_space<vmem_shared>>) target_semaphore(%run_scoped3A_558 : memref<!tpu.dma_semaphore, #tpu.memory_space<semaphore_mem>>)
      %dma_wait3A = arith.constant 0 : i32
      %dma_wait3A_562 = tpu.memref_slice %arg12[%add3A_323, %dma_wait3A] : memref<5120x128xf32, #tpu.memory_space<vmem_shared>> -> memref<8x128xf32, #tpu.memory_space<vmem_shared>>
      %dma_wait3A_563 = arith.constant 0 : i32
      %dma_wait3A_564 = tpu.memref_slice %arg12[%add3A_323, %dma_wait3A_563] : memref<5120x128xf32, #tpu.memory_space<vmem_shared>> -> memref<8x128xf32, #tpu.memory_space<vmem_shared>>
      tpu.wait_dma2 semaphore(%run_scoped3A_558 : memref<!tpu.dma_semaphore, #tpu.memory_space<semaphore_mem>>) src(%arg11 : memref<8x128xf32, #tpu.memory_space<vmem>>) dst(%dma_wait3A_564 : memref<8x128xf32, #tpu.memory_space<vmem_shared>>)
      tpu.yield
    }) : () -> ()
    %mul3A_324 = arith.constant 320 : i32
    %mul3A_325 = arith.muli %arg1, %mul3A_324 : i32
    %add3A_326 = arith.constant 136 : i32
    %add3A_327 = arith.addi %mul3A_325, %add3A_326 : i32
    "tpu.region"() ({
      %run_scoped3A_558 = tpu.sem_alloc : memref<!tpu.dma_semaphore, #tpu.memory_space<semaphore_mem>>
      %dma_start3A = arith.constant 0 : i32
      %dma_start3A_559 = tpu.memref_slice %arg12[%add3A_327, %dma_start3A] : memref<5120x128xf32, #tpu.memory_space<vmem_shared>> -> memref<8x128xf32, #tpu.memory_space<vmem_shared>>
      %dma_start3A_560 = arith.constant 0 : i32
      %dma_start3A_561 = tpu.memref_slice %arg12[%add3A_327, %dma_start3A_560] : memref<5120x128xf32, #tpu.memory_space<vmem_shared>> -> memref<8x128xf32, #tpu.memory_space<vmem_shared>>
      tpu.enqueue_dma source(%arg11 : memref<8x128xf32, #tpu.memory_space<vmem>>) target(%dma_start3A_561 : memref<8x128xf32, #tpu.memory_space<vmem_shared>>) target_semaphore(%run_scoped3A_558 : memref<!tpu.dma_semaphore, #tpu.memory_space<semaphore_mem>>)
      %dma_wait3A = arith.constant 0 : i32
      %dma_wait3A_562 = tpu.memref_slice %arg12[%add3A_327, %dma_wait3A] : memref<5120x128xf32, #tpu.memory_space<vmem_shared>> -> memref<8x128xf32, #tpu.memory_space<vmem_shared>>
      %dma_wait3A_563 = arith.constant 0 : i32
      %dma_wait3A_564 = tpu.memref_slice %arg12[%add3A_327, %dma_wait3A_563] : memref<5120x128xf32, #tpu.memory_space<vmem_shared>> -> memref<8x128xf32, #tpu.memory_space<vmem_shared>>
      tpu.wait_dma2 semaphore(%run_scoped3A_558 : memref<!tpu.dma_semaphore, #tpu.memory_space<semaphore_mem>>) src(%arg11 : memref<8x128xf32, #tpu.memory_space<vmem>>) dst(%dma_wait3A_564 : memref<8x128xf32, #tpu.memory_space<vmem_shared>>)
      tpu.yield
    }) : () -> ()
    %mul3A_328 = arith.constant 320 : i32
    %mul3A_329 = arith.muli %arg1, %mul3A_328 : i32
    %add3A_330 = arith.constant 144 : i32
    %add3A_331 = arith.addi %mul3A_329, %add3A_330 : i32
    "tpu.region"() ({
      %run_scoped3A_558 = tpu.sem_alloc : memref<!tpu.dma_semaphore, #tpu.memory_space<semaphore_mem>>
      %dma_start3A = arith.constant 0 : i32
      %dma_start3A_559 = tpu.memref_slice %arg12[%add3A_331, %dma_start3A] : memref<5120x128xf32, #tpu.memory_space<vmem_shared>> -> memref<8x128xf32, #tpu.memory_space<vmem_shared>>
      %dma_start3A_560 = arith.constant 0 : i32
      %dma_start3A_561 = tpu.memref_slice %arg12[%add3A_331, %dma_start3A_560] : memref<5120x128xf32, #tpu.memory_space<vmem_shared>> -> memref<8x128xf32, #tpu.memory_space<vmem_shared>>
      tpu.enqueue_dma source(%arg11 : memref<8x128xf32, #tpu.memory_space<vmem>>) target(%dma_start3A_561 : memref<8x128xf32, #tpu.memory_space<vmem_shared>>) target_semaphore(%run_scoped3A_558 : memref<!tpu.dma_semaphore, #tpu.memory_space<semaphore_mem>>)
      %dma_wait3A = arith.constant 0 : i32
      %dma_wait3A_562 = tpu.memref_slice %arg12[%add3A_331, %dma_wait3A] : memref<5120x128xf32, #tpu.memory_space<vmem_shared>> -> memref<8x128xf32, #tpu.memory_space<vmem_shared>>
      %dma_wait3A_563 = arith.constant 0 : i32
      %dma_wait3A_564 = tpu.memref_slice %arg12[%add3A_331, %dma_wait3A_563] : memref<5120x128xf32, #tpu.memory_space<vmem_shared>> -> memref<8x128xf32, #tpu.memory_space<vmem_shared>>
      tpu.wait_dma2 semaphore(%run_scoped3A_558 : memref<!tpu.dma_semaphore, #tpu.memory_space<semaphore_mem>>) src(%arg11 : memref<8x128xf32, #tpu.memory_space<vmem>>) dst(%dma_wait3A_564 : memref<8x128xf32, #tpu.memory_space<vmem_shared>>)
      tpu.yield
    }) : () -> ()
    %mul3A_332 = arith.constant 320 : i32
    %mul3A_333 = arith.muli %arg1, %mul3A_332 : i32
    %add3A_334 = arith.constant 152 : i32
    %add3A_335 = arith.addi %mul3A_333, %add3A_334 : i32
    "tpu.region"() ({
      %run_scoped3A_558 = tpu.sem_alloc : memref<!tpu.dma_semaphore, #tpu.memory_space<semaphore_mem>>
      %dma_start3A = arith.constant 0 : i32
      %dma_start3A_559 = tpu.memref_slice %arg12[%add3A_335, %dma_start3A] : memref<5120x128xf32, #tpu.memory_space<vmem_shared>> -> memref<8x128xf32, #tpu.memory_space<vmem_shared>>
      %dma_start3A_560 = arith.constant 0 : i32
      %dma_start3A_561 = tpu.memref_slice %arg12[%add3A_335, %dma_start3A_560] : memref<5120x128xf32, #tpu.memory_space<vmem_shared>> -> memref<8x128xf32, #tpu.memory_space<vmem_shared>>
      tpu.enqueue_dma source(%arg11 : memref<8x128xf32, #tpu.memory_space<vmem>>) target(%dma_start3A_561 : memref<8x128xf32, #tpu.memory_space<vmem_shared>>) target_semaphore(%run_scoped3A_558 : memref<!tpu.dma_semaphore, #tpu.memory_space<semaphore_mem>>)
      %dma_wait3A = arith.constant 0 : i32
      %dma_wait3A_562 = tpu.memref_slice %arg12[%add3A_335, %dma_wait3A] : memref<5120x128xf32, #tpu.memory_space<vmem_shared>> -> memref<8x128xf32, #tpu.memory_space<vmem_shared>>
      %dma_wait3A_563 = arith.constant 0 : i32
      %dma_wait3A_564 = tpu.memref_slice %arg12[%add3A_335, %dma_wait3A_563] : memref<5120x128xf32, #tpu.memory_space<vmem_shared>> -> memref<8x128xf32, #tpu.memory_space<vmem_shared>>
      tpu.wait_dma2 semaphore(%run_scoped3A_558 : memref<!tpu.dma_semaphore, #tpu.memory_space<semaphore_mem>>) src(%arg11 : memref<8x128xf32, #tpu.memory_space<vmem>>) dst(%dma_wait3A_564 : memref<8x128xf32, #tpu.memory_space<vmem_shared>>)
      tpu.yield
    }) : () -> ()
    %mul3A_336 = arith.constant 320 : i32
    %mul3A_337 = arith.muli %arg1, %mul3A_336 : i32
    %add3A_338 = arith.constant 160 : i32
    %add3A_339 = arith.addi %mul3A_337, %add3A_338 : i32
    "tpu.region"() ({
      %run_scoped3A_558 = tpu.sem_alloc : memref<!tpu.dma_semaphore, #tpu.memory_space<semaphore_mem>>
      %dma_start3A = arith.constant 0 : i32
      %dma_start3A_559 = tpu.memref_slice %arg12[%add3A_339, %dma_start3A] : memref<5120x128xf32, #tpu.memory_space<vmem_shared>> -> memref<8x128xf32, #tpu.memory_space<vmem_shared>>
      %dma_start3A_560 = arith.constant 0 : i32
      %dma_start3A_561 = tpu.memref_slice %arg12[%add3A_339, %dma_start3A_560] : memref<5120x128xf32, #tpu.memory_space<vmem_shared>> -> memref<8x128xf32, #tpu.memory_space<vmem_shared>>
      tpu.enqueue_dma source(%arg11 : memref<8x128xf32, #tpu.memory_space<vmem>>) target(%dma_start3A_561 : memref<8x128xf32, #tpu.memory_space<vmem_shared>>) target_semaphore(%run_scoped3A_558 : memref<!tpu.dma_semaphore, #tpu.memory_space<semaphore_mem>>)
      %dma_wait3A = arith.constant 0 : i32
      %dma_wait3A_562 = tpu.memref_slice %arg12[%add3A_339, %dma_wait3A] : memref<5120x128xf32, #tpu.memory_space<vmem_shared>> -> memref<8x128xf32, #tpu.memory_space<vmem_shared>>
      %dma_wait3A_563 = arith.constant 0 : i32
      %dma_wait3A_564 = tpu.memref_slice %arg12[%add3A_339, %dma_wait3A_563] : memref<5120x128xf32, #tpu.memory_space<vmem_shared>> -> memref<8x128xf32, #tpu.memory_space<vmem_shared>>
      tpu.wait_dma2 semaphore(%run_scoped3A_558 : memref<!tpu.dma_semaphore, #tpu.memory_space<semaphore_mem>>) src(%arg11 : memref<8x128xf32, #tpu.memory_space<vmem>>) dst(%dma_wait3A_564 : memref<8x128xf32, #tpu.memory_space<vmem_shared>>)
      tpu.yield
    }) : () -> ()
    %mul3A_340 = arith.constant 320 : i32
    %mul3A_341 = arith.muli %arg1, %mul3A_340 : i32
    %add3A_342 = arith.constant 168 : i32
    %add3A_343 = arith.addi %mul3A_341, %add3A_342 : i32
    "tpu.region"() ({
      %run_scoped3A_558 = tpu.sem_alloc : memref<!tpu.dma_semaphore, #tpu.memory_space<semaphore_mem>>
      %dma_start3A = arith.constant 0 : i32
      %dma_start3A_559 = tpu.memref_slice %arg12[%add3A_343, %dma_start3A] : memref<5120x128xf32, #tpu.memory_space<vmem_shared>> -> memref<8x128xf32, #tpu.memory_space<vmem_shared>>
      %dma_start3A_560 = arith.constant 0 : i32
      %dma_start3A_561 = tpu.memref_slice %arg12[%add3A_343, %dma_start3A_560] : memref<5120x128xf32, #tpu.memory_space<vmem_shared>> -> memref<8x128xf32, #tpu.memory_space<vmem_shared>>
      tpu.enqueue_dma source(%arg11 : memref<8x128xf32, #tpu.memory_space<vmem>>) target(%dma_start3A_561 : memref<8x128xf32, #tpu.memory_space<vmem_shared>>) target_semaphore(%run_scoped3A_558 : memref<!tpu.dma_semaphore, #tpu.memory_space<semaphore_mem>>)
      %dma_wait3A = arith.constant 0 : i32
      %dma_wait3A_562 = tpu.memref_slice %arg12[%add3A_343, %dma_wait3A] : memref<5120x128xf32, #tpu.memory_space<vmem_shared>> -> memref<8x128xf32, #tpu.memory_space<vmem_shared>>
      %dma_wait3A_563 = arith.constant 0 : i32
      %dma_wait3A_564 = tpu.memref_slice %arg12[%add3A_343, %dma_wait3A_563] : memref<5120x128xf32, #tpu.memory_space<vmem_shared>> -> memref<8x128xf32, #tpu.memory_space<vmem_shared>>
      tpu.wait_dma2 semaphore(%run_scoped3A_558 : memref<!tpu.dma_semaphore, #tpu.memory_space<semaphore_mem>>) src(%arg11 : memref<8x128xf32, #tpu.memory_space<vmem>>) dst(%dma_wait3A_564 : memref<8x128xf32, #tpu.memory_space<vmem_shared>>)
      tpu.yield
    }) : () -> ()
    %mul3A_344 = arith.constant 320 : i32
    %mul3A_345 = arith.muli %arg1, %mul3A_344 : i32
    %add3A_346 = arith.constant 176 : i32
    %add3A_347 = arith.addi %mul3A_345, %add3A_346 : i32
    "tpu.region"() ({
      %run_scoped3A_558 = tpu.sem_alloc : memref<!tpu.dma_semaphore, #tpu.memory_space<semaphore_mem>>
      %dma_start3A = arith.constant 0 : i32
      %dma_start3A_559 = tpu.memref_slice %arg12[%add3A_347, %dma_start3A] : memref<5120x128xf32, #tpu.memory_space<vmem_shared>> -> memref<8x128xf32, #tpu.memory_space<vmem_shared>>
      %dma_start3A_560 = arith.constant 0 : i32
      %dma_start3A_561 = tpu.memref_slice %arg12[%add3A_347, %dma_start3A_560] : memref<5120x128xf32, #tpu.memory_space<vmem_shared>> -> memref<8x128xf32, #tpu.memory_space<vmem_shared>>
      tpu.enqueue_dma source(%arg11 : memref<8x128xf32, #tpu.memory_space<vmem>>) target(%dma_start3A_561 : memref<8x128xf32, #tpu.memory_space<vmem_shared>>) target_semaphore(%run_scoped3A_558 : memref<!tpu.dma_semaphore, #tpu.memory_space<semaphore_mem>>)
      %dma_wait3A = arith.constant 0 : i32
      %dma_wait3A_562 = tpu.memref_slice %arg12[%add3A_347, %dma_wait3A] : memref<5120x128xf32, #tpu.memory_space<vmem_shared>> -> memref<8x128xf32, #tpu.memory_space<vmem_shared>>
      %dma_wait3A_563 = arith.constant 0 : i32
      %dma_wait3A_564 = tpu.memref_slice %arg12[%add3A_347, %dma_wait3A_563] : memref<5120x128xf32, #tpu.memory_space<vmem_shared>> -> memref<8x128xf32, #tpu.memory_space<vmem_shared>>
      tpu.wait_dma2 semaphore(%run_scoped3A_558 : memref<!tpu.dma_semaphore, #tpu.memory_space<semaphore_mem>>) src(%arg11 : memref<8x128xf32, #tpu.memory_space<vmem>>) dst(%dma_wait3A_564 : memref<8x128xf32, #tpu.memory_space<vmem_shared>>)
      tpu.yield
    }) : () -> ()
    %mul3A_348 = arith.constant 320 : i32
    %mul3A_349 = arith.muli %arg1, %mul3A_348 : i32
    %add3A_350 = arith.constant 184 : i32
    %add3A_351 = arith.addi %mul3A_349, %add3A_350 : i32
    "tpu.region"() ({
      %run_scoped3A_558 = tpu.sem_alloc : memref<!tpu.dma_semaphore, #tpu.memory_space<semaphore_mem>>
      %dma_start3A = arith.constant 0 : i32
      %dma_start3A_559 = tpu.memref_slice %arg12[%add3A_351, %dma_start3A] : memref<5120x128xf32, #tpu.memory_space<vmem_shared>> -> memref<8x128xf32, #tpu.memory_space<vmem_shared>>
      %dma_start3A_560 = arith.constant 0 : i32
      %dma_start3A_561 = tpu.memref_slice %arg12[%add3A_351, %dma_start3A_560] : memref<5120x128xf32, #tpu.memory_space<vmem_shared>> -> memref<8x128xf32, #tpu.memory_space<vmem_shared>>
      tpu.enqueue_dma source(%arg11 : memref<8x128xf32, #tpu.memory_space<vmem>>) target(%dma_start3A_561 : memref<8x128xf32, #tpu.memory_space<vmem_shared>>) target_semaphore(%run_scoped3A_558 : memref<!tpu.dma_semaphore, #tpu.memory_space<semaphore_mem>>)
      %dma_wait3A = arith.constant 0 : i32
      %dma_wait3A_562 = tpu.memref_slice %arg12[%add3A_351, %dma_wait3A] : memref<5120x128xf32, #tpu.memory_space<vmem_shared>> -> memref<8x128xf32, #tpu.memory_space<vmem_shared>>
      %dma_wait3A_563 = arith.constant 0 : i32
      %dma_wait3A_564 = tpu.memref_slice %arg12[%add3A_351, %dma_wait3A_563] : memref<5120x128xf32, #tpu.memory_space<vmem_shared>> -> memref<8x128xf32, #tpu.memory_space<vmem_shared>>
      tpu.wait_dma2 semaphore(%run_scoped3A_558 : memref<!tpu.dma_semaphore, #tpu.memory_space<semaphore_mem>>) src(%arg11 : memref<8x128xf32, #tpu.memory_space<vmem>>) dst(%dma_wait3A_564 : memref<8x128xf32, #tpu.memory_space<vmem_shared>>)
      tpu.yield
    }) : () -> ()
    %mul3A_352 = arith.constant 320 : i32
    %mul3A_353 = arith.muli %arg1, %mul3A_352 : i32
    %add3A_354 = arith.constant 192 : i32
    %add3A_355 = arith.addi %mul3A_353, %add3A_354 : i32
    "tpu.region"() ({
      %run_scoped3A_558 = tpu.sem_alloc : memref<!tpu.dma_semaphore, #tpu.memory_space<semaphore_mem>>
      %dma_start3A = arith.constant 0 : i32
      %dma_start3A_559 = tpu.memref_slice %arg12[%add3A_355, %dma_start3A] : memref<5120x128xf32, #tpu.memory_space<vmem_shared>> -> memref<8x128xf32, #tpu.memory_space<vmem_shared>>
      %dma_start3A_560 = arith.constant 0 : i32
      %dma_start3A_561 = tpu.memref_slice %arg12[%add3A_355, %dma_start3A_560] : memref<5120x128xf32, #tpu.memory_space<vmem_shared>> -> memref<8x128xf32, #tpu.memory_space<vmem_shared>>
      tpu.enqueue_dma source(%arg11 : memref<8x128xf32, #tpu.memory_space<vmem>>) target(%dma_start3A_561 : memref<8x128xf32, #tpu.memory_space<vmem_shared>>) target_semaphore(%run_scoped3A_558 : memref<!tpu.dma_semaphore, #tpu.memory_space<semaphore_mem>>)
      %dma_wait3A = arith.constant 0 : i32
      %dma_wait3A_562 = tpu.memref_slice %arg12[%add3A_355, %dma_wait3A] : memref<5120x128xf32, #tpu.memory_space<vmem_shared>> -> memref<8x128xf32, #tpu.memory_space<vmem_shared>>
      %dma_wait3A_563 = arith.constant 0 : i32
      %dma_wait3A_564 = tpu.memref_slice %arg12[%add3A_355, %dma_wait3A_563] : memref<5120x128xf32, #tpu.memory_space<vmem_shared>> -> memref<8x128xf32, #tpu.memory_space<vmem_shared>>
      tpu.wait_dma2 semaphore(%run_scoped3A_558 : memref<!tpu.dma_semaphore, #tpu.memory_space<semaphore_mem>>) src(%arg11 : memref<8x128xf32, #tpu.memory_space<vmem>>) dst(%dma_wait3A_564 : memref<8x128xf32, #tpu.memory_space<vmem_shared>>)
      tpu.yield
    }) : () -> ()
    %mul3A_356 = arith.constant 320 : i32
    %mul3A_357 = arith.muli %arg1, %mul3A_356 : i32
    %add3A_358 = arith.constant 200 : i32
    %add3A_359 = arith.addi %mul3A_357, %add3A_358 : i32
    "tpu.region"() ({
      %run_scoped3A_558 = tpu.sem_alloc : memref<!tpu.dma_semaphore, #tpu.memory_space<semaphore_mem>>
      %dma_start3A = arith.constant 0 : i32
      %dma_start3A_559 = tpu.memref_slice %arg12[%add3A_359, %dma_start3A] : memref<5120x128xf32, #tpu.memory_space<vmem_shared>> -> memref<8x128xf32, #tpu.memory_space<vmem_shared>>
      %dma_start3A_560 = arith.constant 0 : i32
      %dma_start3A_561 = tpu.memref_slice %arg12[%add3A_359, %dma_start3A_560] : memref<5120x128xf32, #tpu.memory_space<vmem_shared>> -> memref<8x128xf32, #tpu.memory_space<vmem_shared>>
      tpu.enqueue_dma source(%arg11 : memref<8x128xf32, #tpu.memory_space<vmem>>) target(%dma_start3A_561 : memref<8x128xf32, #tpu.memory_space<vmem_shared>>) target_semaphore(%run_scoped3A_558 : memref<!tpu.dma_semaphore, #tpu.memory_space<semaphore_mem>>)
      %dma_wait3A = arith.constant 0 : i32
      %dma_wait3A_562 = tpu.memref_slice %arg12[%add3A_359, %dma_wait3A] : memref<5120x128xf32, #tpu.memory_space<vmem_shared>> -> memref<8x128xf32, #tpu.memory_space<vmem_shared>>
      %dma_wait3A_563 = arith.constant 0 : i32
      %dma_wait3A_564 = tpu.memref_slice %arg12[%add3A_359, %dma_wait3A_563] : memref<5120x128xf32, #tpu.memory_space<vmem_shared>> -> memref<8x128xf32, #tpu.memory_space<vmem_shared>>
      tpu.wait_dma2 semaphore(%run_scoped3A_558 : memref<!tpu.dma_semaphore, #tpu.memory_space<semaphore_mem>>) src(%arg11 : memref<8x128xf32, #tpu.memory_space<vmem>>) dst(%dma_wait3A_564 : memref<8x128xf32, #tpu.memory_space<vmem_shared>>)
      tpu.yield
    }) : () -> ()
    %mul3A_360 = arith.constant 320 : i32
    %mul3A_361 = arith.muli %arg1, %mul3A_360 : i32
    %add3A_362 = arith.constant 208 : i32
    %add3A_363 = arith.addi %mul3A_361, %add3A_362 : i32
    "tpu.region"() ({
      %run_scoped3A_558 = tpu.sem_alloc : memref<!tpu.dma_semaphore, #tpu.memory_space<semaphore_mem>>
      %dma_start3A = arith.constant 0 : i32
      %dma_start3A_559 = tpu.memref_slice %arg12[%add3A_363, %dma_start3A] : memref<5120x128xf32, #tpu.memory_space<vmem_shared>> -> memref<8x128xf32, #tpu.memory_space<vmem_shared>>
      %dma_start3A_560 = arith.constant 0 : i32
      %dma_start3A_561 = tpu.memref_slice %arg12[%add3A_363, %dma_start3A_560] : memref<5120x128xf32, #tpu.memory_space<vmem_shared>> -> memref<8x128xf32, #tpu.memory_space<vmem_shared>>
      tpu.enqueue_dma source(%arg11 : memref<8x128xf32, #tpu.memory_space<vmem>>) target(%dma_start3A_561 : memref<8x128xf32, #tpu.memory_space<vmem_shared>>) target_semaphore(%run_scoped3A_558 : memref<!tpu.dma_semaphore, #tpu.memory_space<semaphore_mem>>)
      %dma_wait3A = arith.constant 0 : i32
      %dma_wait3A_562 = tpu.memref_slice %arg12[%add3A_363, %dma_wait3A] : memref<5120x128xf32, #tpu.memory_space<vmem_shared>> -> memref<8x128xf32, #tpu.memory_space<vmem_shared>>
      %dma_wait3A_563 = arith.constant 0 : i32
      %dma_wait3A_564 = tpu.memref_slice %arg12[%add3A_363, %dma_wait3A_563] : memref<5120x128xf32, #tpu.memory_space<vmem_shared>> -> memref<8x128xf32, #tpu.memory_space<vmem_shared>>
      tpu.wait_dma2 semaphore(%run_scoped3A_558 : memref<!tpu.dma_semaphore, #tpu.memory_space<semaphore_mem>>) src(%arg11 : memref<8x128xf32, #tpu.memory_space<vmem>>) dst(%dma_wait3A_564 : memref<8x128xf32, #tpu.memory_space<vmem_shared>>)
      tpu.yield
    }) : () -> ()
    %mul3A_364 = arith.constant 320 : i32
    %mul3A_365 = arith.muli %arg1, %mul3A_364 : i32
    %add3A_366 = arith.constant 216 : i32
    %add3A_367 = arith.addi %mul3A_365, %add3A_366 : i32
    "tpu.region"() ({
      %run_scoped3A_558 = tpu.sem_alloc : memref<!tpu.dma_semaphore, #tpu.memory_space<semaphore_mem>>
      %dma_start3A = arith.constant 0 : i32
      %dma_start3A_559 = tpu.memref_slice %arg12[%add3A_367, %dma_start3A] : memref<5120x128xf32, #tpu.memory_space<vmem_shared>> -> memref<8x128xf32, #tpu.memory_space<vmem_shared>>
      %dma_start3A_560 = arith.constant 0 : i32
      %dma_start3A_561 = tpu.memref_slice %arg12[%add3A_367, %dma_start3A_560] : memref<5120x128xf32, #tpu.memory_space<vmem_shared>> -> memref<8x128xf32, #tpu.memory_space<vmem_shared>>
      tpu.enqueue_dma source(%arg11 : memref<8x128xf32, #tpu.memory_space<vmem>>) target(%dma_start3A_561 : memref<8x128xf32, #tpu.memory_space<vmem_shared>>) target_semaphore(%run_scoped3A_558 : memref<!tpu.dma_semaphore, #tpu.memory_space<semaphore_mem>>)
      %dma_wait3A = arith.constant 0 : i32
      %dma_wait3A_562 = tpu.memref_slice %arg12[%add3A_367, %dma_wait3A] : memref<5120x128xf32, #tpu.memory_space<vmem_shared>> -> memref<8x128xf32, #tpu.memory_space<vmem_shared>>
      %dma_wait3A_563 = arith.constant 0 : i32
      %dma_wait3A_564 = tpu.memref_slice %arg12[%add3A_367, %dma_wait3A_563] : memref<5120x128xf32, #tpu.memory_space<vmem_shared>> -> memref<8x128xf32, #tpu.memory_space<vmem_shared>>
      tpu.wait_dma2 semaphore(%run_scoped3A_558 : memref<!tpu.dma_semaphore, #tpu.memory_space<semaphore_mem>>) src(%arg11 : memref<8x128xf32, #tpu.memory_space<vmem>>) dst(%dma_wait3A_564 : memref<8x128xf32, #tpu.memory_space<vmem_shared>>)
      tpu.yield
    }) : () -> ()
    %mul3A_368 = arith.constant 320 : i32
    %mul3A_369 = arith.muli %arg1, %mul3A_368 : i32
    %add3A_370 = arith.constant 224 : i32
    %add3A_371 = arith.addi %mul3A_369, %add3A_370 : i32
    "tpu.region"() ({
      %run_scoped3A_558 = tpu.sem_alloc : memref<!tpu.dma_semaphore, #tpu.memory_space<semaphore_mem>>
      %dma_start3A = arith.constant 0 : i32
      %dma_start3A_559 = tpu.memref_slice %arg12[%add3A_371, %dma_start3A] : memref<5120x128xf32, #tpu.memory_space<vmem_shared>> -> memref<8x128xf32, #tpu.memory_space<vmem_shared>>
      %dma_start3A_560 = arith.constant 0 : i32
      %dma_start3A_561 = tpu.memref_slice %arg12[%add3A_371, %dma_start3A_560] : memref<5120x128xf32, #tpu.memory_space<vmem_shared>> -> memref<8x128xf32, #tpu.memory_space<vmem_shared>>
      tpu.enqueue_dma source(%arg11 : memref<8x128xf32, #tpu.memory_space<vmem>>) target(%dma_start3A_561 : memref<8x128xf32, #tpu.memory_space<vmem_shared>>) target_semaphore(%run_scoped3A_558 : memref<!tpu.dma_semaphore, #tpu.memory_space<semaphore_mem>>)
      %dma_wait3A = arith.constant 0 : i32
      %dma_wait3A_562 = tpu.memref_slice %arg12[%add3A_371, %dma_wait3A] : memref<5120x128xf32, #tpu.memory_space<vmem_shared>> -> memref<8x128xf32, #tpu.memory_space<vmem_shared>>
      %dma_wait3A_563 = arith.constant 0 : i32
      %dma_wait3A_564 = tpu.memref_slice %arg12[%add3A_371, %dma_wait3A_563] : memref<5120x128xf32, #tpu.memory_space<vmem_shared>> -> memref<8x128xf32, #tpu.memory_space<vmem_shared>>
      tpu.wait_dma2 semaphore(%run_scoped3A_558 : memref<!tpu.dma_semaphore, #tpu.memory_space<semaphore_mem>>) src(%arg11 : memref<8x128xf32, #tpu.memory_space<vmem>>) dst(%dma_wait3A_564 : memref<8x128xf32, #tpu.memory_space<vmem_shared>>)
      tpu.yield
    }) : () -> ()
    %mul3A_372 = arith.constant 320 : i32
    %mul3A_373 = arith.muli %arg1, %mul3A_372 : i32
    %add3A_374 = arith.constant 232 : i32
    %add3A_375 = arith.addi %mul3A_373, %add3A_374 : i32
    "tpu.region"() ({
      %run_scoped3A_558 = tpu.sem_alloc : memref<!tpu.dma_semaphore, #tpu.memory_space<semaphore_mem>>
      %dma_start3A = arith.constant 0 : i32
      %dma_start3A_559 = tpu.memref_slice %arg12[%add3A_375, %dma_start3A] : memref<5120x128xf32, #tpu.memory_space<vmem_shared>> -> memref<8x128xf32, #tpu.memory_space<vmem_shared>>
      %dma_start3A_560 = arith.constant 0 : i32
      %dma_start3A_561 = tpu.memref_slice %arg12[%add3A_375, %dma_start3A_560] : memref<5120x128xf32, #tpu.memory_space<vmem_shared>> -> memref<8x128xf32, #tpu.memory_space<vmem_shared>>
      tpu.enqueue_dma source(%arg11 : memref<8x128xf32, #tpu.memory_space<vmem>>) target(%dma_start3A_561 : memref<8x128xf32, #tpu.memory_space<vmem_shared>>) target_semaphore(%run_scoped3A_558 : memref<!tpu.dma_semaphore, #tpu.memory_space<semaphore_mem>>)
      %dma_wait3A = arith.constant 0 : i32
      %dma_wait3A_562 = tpu.memref_slice %arg12[%add3A_375, %dma_wait3A] : memref<5120x128xf32, #tpu.memory_space<vmem_shared>> -> memref<8x128xf32, #tpu.memory_space<vmem_shared>>
      %dma_wait3A_563 = arith.constant 0 : i32
      %dma_wait3A_564 = tpu.memref_slice %arg12[%add3A_375, %dma_wait3A_563] : memref<5120x128xf32, #tpu.memory_space<vmem_shared>> -> memref<8x128xf32, #tpu.memory_space<vmem_shared>>
      tpu.wait_dma2 semaphore(%run_scoped3A_558 : memref<!tpu.dma_semaphore, #tpu.memory_space<semaphore_mem>>) src(%arg11 : memref<8x128xf32, #tpu.memory_space<vmem>>) dst(%dma_wait3A_564 : memref<8x128xf32, #tpu.memory_space<vmem_shared>>)
      tpu.yield
    }) : () -> ()
    %mul3A_376 = arith.constant 320 : i32
    %mul3A_377 = arith.muli %arg1, %mul3A_376 : i32
    %add3A_378 = arith.constant 240 : i32
    %add3A_379 = arith.addi %mul3A_377, %add3A_378 : i32
    "tpu.region"() ({
      %run_scoped3A_558 = tpu.sem_alloc : memref<!tpu.dma_semaphore, #tpu.memory_space<semaphore_mem>>
      %dma_start3A = arith.constant 0 : i32
      %dma_start3A_559 = tpu.memref_slice %arg12[%add3A_379, %dma_start3A] : memref<5120x128xf32, #tpu.memory_space<vmem_shared>> -> memref<8x128xf32, #tpu.memory_space<vmem_shared>>
      %dma_start3A_560 = arith.constant 0 : i32
      %dma_start3A_561 = tpu.memref_slice %arg12[%add3A_379, %dma_start3A_560] : memref<5120x128xf32, #tpu.memory_space<vmem_shared>> -> memref<8x128xf32, #tpu.memory_space<vmem_shared>>
      tpu.enqueue_dma source(%arg11 : memref<8x128xf32, #tpu.memory_space<vmem>>) target(%dma_start3A_561 : memref<8x128xf32, #tpu.memory_space<vmem_shared>>) target_semaphore(%run_scoped3A_558 : memref<!tpu.dma_semaphore, #tpu.memory_space<semaphore_mem>>)
      %dma_wait3A = arith.constant 0 : i32
      %dma_wait3A_562 = tpu.memref_slice %arg12[%add3A_379, %dma_wait3A] : memref<5120x128xf32, #tpu.memory_space<vmem_shared>> -> memref<8x128xf32, #tpu.memory_space<vmem_shared>>
      %dma_wait3A_563 = arith.constant 0 : i32
      %dma_wait3A_564 = tpu.memref_slice %arg12[%add3A_379, %dma_wait3A_563] : memref<5120x128xf32, #tpu.memory_space<vmem_shared>> -> memref<8x128xf32, #tpu.memory_space<vmem_shared>>
      tpu.wait_dma2 semaphore(%run_scoped3A_558 : memref<!tpu.dma_semaphore, #tpu.memory_space<semaphore_mem>>) src(%arg11 : memref<8x128xf32, #tpu.memory_space<vmem>>) dst(%dma_wait3A_564 : memref<8x128xf32, #tpu.memory_space<vmem_shared>>)
      tpu.yield
    }) : () -> ()
    %mul3A_380 = arith.constant 320 : i32
    %mul3A_381 = arith.muli %arg1, %mul3A_380 : i32
    %add3A_382 = arith.constant 248 : i32
    %add3A_383 = arith.addi %mul3A_381, %add3A_382 : i32
    "tpu.region"() ({
      %run_scoped3A_558 = tpu.sem_alloc : memref<!tpu.dma_semaphore, #tpu.memory_space<semaphore_mem>>
      %dma_start3A = arith.constant 0 : i32
      %dma_start3A_559 = tpu.memref_slice %arg12[%add3A_383, %dma_start3A] : memref<5120x128xf32, #tpu.memory_space<vmem_shared>> -> memref<8x128xf32, #tpu.memory_space<vmem_shared>>
      %dma_start3A_560 = arith.constant 0 : i32
      %dma_start3A_561 = tpu.memref_slice %arg12[%add3A_383, %dma_start3A_560] : memref<5120x128xf32, #tpu.memory_space<vmem_shared>> -> memref<8x128xf32, #tpu.memory_space<vmem_shared>>
      tpu.enqueue_dma source(%arg11 : memref<8x128xf32, #tpu.memory_space<vmem>>) target(%dma_start3A_561 : memref<8x128xf32, #tpu.memory_space<vmem_shared>>) target_semaphore(%run_scoped3A_558 : memref<!tpu.dma_semaphore, #tpu.memory_space<semaphore_mem>>)
      %dma_wait3A = arith.constant 0 : i32
      %dma_wait3A_562 = tpu.memref_slice %arg12[%add3A_383, %dma_wait3A] : memref<5120x128xf32, #tpu.memory_space<vmem_shared>> -> memref<8x128xf32, #tpu.memory_space<vmem_shared>>
      %dma_wait3A_563 = arith.constant 0 : i32
      %dma_wait3A_564 = tpu.memref_slice %arg12[%add3A_383, %dma_wait3A_563] : memref<5120x128xf32, #tpu.memory_space<vmem_shared>> -> memref<8x128xf32, #tpu.memory_space<vmem_shared>>
      tpu.wait_dma2 semaphore(%run_scoped3A_558 : memref<!tpu.dma_semaphore, #tpu.memory_space<semaphore_mem>>) src(%arg11 : memref<8x128xf32, #tpu.memory_space<vmem>>) dst(%dma_wait3A_564 : memref<8x128xf32, #tpu.memory_space<vmem_shared>>)
      tpu.yield
    }) : () -> ()
    %mul3A_384 = arith.constant 320 : i32
    %mul3A_385 = arith.muli %arg1, %mul3A_384 : i32
    %add3A_386 = arith.constant 256 : i32
    %add3A_387 = arith.addi %mul3A_385, %add3A_386 : i32
    "tpu.region"() ({
      %run_scoped3A_558 = tpu.sem_alloc : memref<!tpu.dma_semaphore, #tpu.memory_space<semaphore_mem>>
      %dma_start3A = arith.constant 0 : i32
      %dma_start3A_559 = tpu.memref_slice %arg12[%add3A_387, %dma_start3A] : memref<5120x128xf32, #tpu.memory_space<vmem_shared>> -> memref<8x128xf32, #tpu.memory_space<vmem_shared>>
      %dma_start3A_560 = arith.constant 0 : i32
      %dma_start3A_561 = tpu.memref_slice %arg12[%add3A_387, %dma_start3A_560] : memref<5120x128xf32, #tpu.memory_space<vmem_shared>> -> memref<8x128xf32, #tpu.memory_space<vmem_shared>>
      tpu.enqueue_dma source(%arg11 : memref<8x128xf32, #tpu.memory_space<vmem>>) target(%dma_start3A_561 : memref<8x128xf32, #tpu.memory_space<vmem_shared>>) target_semaphore(%run_scoped3A_558 : memref<!tpu.dma_semaphore, #tpu.memory_space<semaphore_mem>>)
      %dma_wait3A = arith.constant 0 : i32
      %dma_wait3A_562 = tpu.memref_slice %arg12[%add3A_387, %dma_wait3A] : memref<5120x128xf32, #tpu.memory_space<vmem_shared>> -> memref<8x128xf32, #tpu.memory_space<vmem_shared>>
      %dma_wait3A_563 = arith.constant 0 : i32
      %dma_wait3A_564 = tpu.memref_slice %arg12[%add3A_387, %dma_wait3A_563] : memref<5120x128xf32, #tpu.memory_space<vmem_shared>> -> memref<8x128xf32, #tpu.memory_space<vmem_shared>>
      tpu.wait_dma2 semaphore(%run_scoped3A_558 : memref<!tpu.dma_semaphore, #tpu.memory_space<semaphore_mem>>) src(%arg11 : memref<8x128xf32, #tpu.memory_space<vmem>>) dst(%dma_wait3A_564 : memref<8x128xf32, #tpu.memory_space<vmem_shared>>)
      tpu.yield
    }) : () -> ()
    %mul3A_388 = arith.constant 320 : i32
    %mul3A_389 = arith.muli %arg1, %mul3A_388 : i32
    %add3A_390 = arith.constant 264 : i32
    %add3A_391 = arith.addi %mul3A_389, %add3A_390 : i32
    "tpu.region"() ({
      %run_scoped3A_558 = tpu.sem_alloc : memref<!tpu.dma_semaphore, #tpu.memory_space<semaphore_mem>>
      %dma_start3A = arith.constant 0 : i32
      %dma_start3A_559 = tpu.memref_slice %arg12[%add3A_391, %dma_start3A] : memref<5120x128xf32, #tpu.memory_space<vmem_shared>> -> memref<8x128xf32, #tpu.memory_space<vmem_shared>>
      %dma_start3A_560 = arith.constant 0 : i32
      %dma_start3A_561 = tpu.memref_slice %arg12[%add3A_391, %dma_start3A_560] : memref<5120x128xf32, #tpu.memory_space<vmem_shared>> -> memref<8x128xf32, #tpu.memory_space<vmem_shared>>
      tpu.enqueue_dma source(%arg11 : memref<8x128xf32, #tpu.memory_space<vmem>>) target(%dma_start3A_561 : memref<8x128xf32, #tpu.memory_space<vmem_shared>>) target_semaphore(%run_scoped3A_558 : memref<!tpu.dma_semaphore, #tpu.memory_space<semaphore_mem>>)
      %dma_wait3A = arith.constant 0 : i32
      %dma_wait3A_562 = tpu.memref_slice %arg12[%add3A_391, %dma_wait3A] : memref<5120x128xf32, #tpu.memory_space<vmem_shared>> -> memref<8x128xf32, #tpu.memory_space<vmem_shared>>
      %dma_wait3A_563 = arith.constant 0 : i32
      %dma_wait3A_564 = tpu.memref_slice %arg12[%add3A_391, %dma_wait3A_563] : memref<5120x128xf32, #tpu.memory_space<vmem_shared>> -> memref<8x128xf32, #tpu.memory_space<vmem_shared>>
      tpu.wait_dma2 semaphore(%run_scoped3A_558 : memref<!tpu.dma_semaphore, #tpu.memory_space<semaphore_mem>>) src(%arg11 : memref<8x128xf32, #tpu.memory_space<vmem>>) dst(%dma_wait3A_564 : memref<8x128xf32, #tpu.memory_space<vmem_shared>>)
      tpu.yield
    }) : () -> ()
    %mul3A_392 = arith.constant 320 : i32
    %mul3A_393 = arith.muli %arg1, %mul3A_392 : i32
    %add3A_394 = arith.constant 272 : i32
    %add3A_395 = arith.addi %mul3A_393, %add3A_394 : i32
    "tpu.region"() ({
      %run_scoped3A_558 = tpu.sem_alloc : memref<!tpu.dma_semaphore, #tpu.memory_space<semaphore_mem>>
      %dma_start3A = arith.constant 0 : i32
      %dma_start3A_559 = tpu.memref_slice %arg12[%add3A_395, %dma_start3A] : memref<5120x128xf32, #tpu.memory_space<vmem_shared>> -> memref<8x128xf32, #tpu.memory_space<vmem_shared>>
      %dma_start3A_560 = arith.constant 0 : i32
      %dma_start3A_561 = tpu.memref_slice %arg12[%add3A_395, %dma_start3A_560] : memref<5120x128xf32, #tpu.memory_space<vmem_shared>> -> memref<8x128xf32, #tpu.memory_space<vmem_shared>>
      tpu.enqueue_dma source(%arg11 : memref<8x128xf32, #tpu.memory_space<vmem>>) target(%dma_start3A_561 : memref<8x128xf32, #tpu.memory_space<vmem_shared>>) target_semaphore(%run_scoped3A_558 : memref<!tpu.dma_semaphore, #tpu.memory_space<semaphore_mem>>)
      %dma_wait3A = arith.constant 0 : i32
      %dma_wait3A_562 = tpu.memref_slice %arg12[%add3A_395, %dma_wait3A] : memref<5120x128xf32, #tpu.memory_space<vmem_shared>> -> memref<8x128xf32, #tpu.memory_space<vmem_shared>>
      %dma_wait3A_563 = arith.constant 0 : i32
      %dma_wait3A_564 = tpu.memref_slice %arg12[%add3A_395, %dma_wait3A_563] : memref<5120x128xf32, #tpu.memory_space<vmem_shared>> -> memref<8x128xf32, #tpu.memory_space<vmem_shared>>
      tpu.wait_dma2 semaphore(%run_scoped3A_558 : memref<!tpu.dma_semaphore, #tpu.memory_space<semaphore_mem>>) src(%arg11 : memref<8x128xf32, #tpu.memory_space<vmem>>) dst(%dma_wait3A_564 : memref<8x128xf32, #tpu.memory_space<vmem_shared>>)
      tpu.yield
    }) : () -> ()
    %mul3A_396 = arith.constant 320 : i32
    %mul3A_397 = arith.muli %arg1, %mul3A_396 : i32
    %add3A_398 = arith.constant 280 : i32
    %add3A_399 = arith.addi %mul3A_397, %add3A_398 : i32
    "tpu.region"() ({
      %run_scoped3A_558 = tpu.sem_alloc : memref<!tpu.dma_semaphore, #tpu.memory_space<semaphore_mem>>
      %dma_start3A = arith.constant 0 : i32
      %dma_start3A_559 = tpu.memref_slice %arg12[%add3A_399, %dma_start3A] : memref<5120x128xf32, #tpu.memory_space<vmem_shared>> -> memref<8x128xf32, #tpu.memory_space<vmem_shared>>
      %dma_start3A_560 = arith.constant 0 : i32
      %dma_start3A_561 = tpu.memref_slice %arg12[%add3A_399, %dma_start3A_560] : memref<5120x128xf32, #tpu.memory_space<vmem_shared>> -> memref<8x128xf32, #tpu.memory_space<vmem_shared>>
      tpu.enqueue_dma source(%arg11 : memref<8x128xf32, #tpu.memory_space<vmem>>) target(%dma_start3A_561 : memref<8x128xf32, #tpu.memory_space<vmem_shared>>) target_semaphore(%run_scoped3A_558 : memref<!tpu.dma_semaphore, #tpu.memory_space<semaphore_mem>>)
      %dma_wait3A = arith.constant 0 : i32
      %dma_wait3A_562 = tpu.memref_slice %arg12[%add3A_399, %dma_wait3A] : memref<5120x128xf32, #tpu.memory_space<vmem_shared>> -> memref<8x128xf32, #tpu.memory_space<vmem_shared>>
      %dma_wait3A_563 = arith.constant 0 : i32
      %dma_wait3A_564 = tpu.memref_slice %arg12[%add3A_399, %dma_wait3A_563] : memref<5120x128xf32, #tpu.memory_space<vmem_shared>> -> memref<8x128xf32, #tpu.memory_space<vmem_shared>>
      tpu.wait_dma2 semaphore(%run_scoped3A_558 : memref<!tpu.dma_semaphore, #tpu.memory_space<semaphore_mem>>) src(%arg11 : memref<8x128xf32, #tpu.memory_space<vmem>>) dst(%dma_wait3A_564 : memref<8x128xf32, #tpu.memory_space<vmem_shared>>)
      tpu.yield
    }) : () -> ()
    %mul3A_400 = arith.constant 320 : i32
    %mul3A_401 = arith.muli %arg1, %mul3A_400 : i32
    %add3A_402 = arith.constant 288 : i32
    %add3A_403 = arith.addi %mul3A_401, %add3A_402 : i32
    "tpu.region"() ({
      %run_scoped3A_558 = tpu.sem_alloc : memref<!tpu.dma_semaphore, #tpu.memory_space<semaphore_mem>>
      %dma_start3A = arith.constant 0 : i32
      %dma_start3A_559 = tpu.memref_slice %arg12[%add3A_403, %dma_start3A] : memref<5120x128xf32, #tpu.memory_space<vmem_shared>> -> memref<8x128xf32, #tpu.memory_space<vmem_shared>>
      %dma_start3A_560 = arith.constant 0 : i32
      %dma_start3A_561 = tpu.memref_slice %arg12[%add3A_403, %dma_start3A_560] : memref<5120x128xf32, #tpu.memory_space<vmem_shared>> -> memref<8x128xf32, #tpu.memory_space<vmem_shared>>
      tpu.enqueue_dma source(%arg11 : memref<8x128xf32, #tpu.memory_space<vmem>>) target(%dma_start3A_561 : memref<8x128xf32, #tpu.memory_space<vmem_shared>>) target_semaphore(%run_scoped3A_558 : memref<!tpu.dma_semaphore, #tpu.memory_space<semaphore_mem>>)
      %dma_wait3A = arith.constant 0 : i32
      %dma_wait3A_562 = tpu.memref_slice %arg12[%add3A_403, %dma_wait3A] : memref<5120x128xf32, #tpu.memory_space<vmem_shared>> -> memref<8x128xf32, #tpu.memory_space<vmem_shared>>
      %dma_wait3A_563 = arith.constant 0 : i32
      %dma_wait3A_564 = tpu.memref_slice %arg12[%add3A_403, %dma_wait3A_563] : memref<5120x128xf32, #tpu.memory_space<vmem_shared>> -> memref<8x128xf32, #tpu.memory_space<vmem_shared>>
      tpu.wait_dma2 semaphore(%run_scoped3A_558 : memref<!tpu.dma_semaphore, #tpu.memory_space<semaphore_mem>>) src(%arg11 : memref<8x128xf32, #tpu.memory_space<vmem>>) dst(%dma_wait3A_564 : memref<8x128xf32, #tpu.memory_space<vmem_shared>>)
      tpu.yield
    }) : () -> ()
    %mul3A_404 = arith.constant 320 : i32
    %mul3A_405 = arith.muli %arg1, %mul3A_404 : i32
    %add3A_406 = arith.constant 296 : i32
    %add3A_407 = arith.addi %mul3A_405, %add3A_406 : i32
    "tpu.region"() ({
      %run_scoped3A_558 = tpu.sem_alloc : memref<!tpu.dma_semaphore, #tpu.memory_space<semaphore_mem>>
      %dma_start3A = arith.constant 0 : i32
      %dma_start3A_559 = tpu.memref_slice %arg12[%add3A_407, %dma_start3A] : memref<5120x128xf32, #tpu.memory_space<vmem_shared>> -> memref<8x128xf32, #tpu.memory_space<vmem_shared>>
      %dma_start3A_560 = arith.constant 0 : i32
      %dma_start3A_561 = tpu.memref_slice %arg12[%add3A_407, %dma_start3A_560] : memref<5120x128xf32, #tpu.memory_space<vmem_shared>> -> memref<8x128xf32, #tpu.memory_space<vmem_shared>>
      tpu.enqueue_dma source(%arg11 : memref<8x128xf32, #tpu.memory_space<vmem>>) target(%dma_start3A_561 : memref<8x128xf32, #tpu.memory_space<vmem_shared>>) target_semaphore(%run_scoped3A_558 : memref<!tpu.dma_semaphore, #tpu.memory_space<semaphore_mem>>)
      %dma_wait3A = arith.constant 0 : i32
      %dma_wait3A_562 = tpu.memref_slice %arg12[%add3A_407, %dma_wait3A] : memref<5120x128xf32, #tpu.memory_space<vmem_shared>> -> memref<8x128xf32, #tpu.memory_space<vmem_shared>>
      %dma_wait3A_563 = arith.constant 0 : i32
      %dma_wait3A_564 = tpu.memref_slice %arg12[%add3A_407, %dma_wait3A_563] : memref<5120x128xf32, #tpu.memory_space<vmem_shared>> -> memref<8x128xf32, #tpu.memory_space<vmem_shared>>
      tpu.wait_dma2 semaphore(%run_scoped3A_558 : memref<!tpu.dma_semaphore, #tpu.memory_space<semaphore_mem>>) src(%arg11 : memref<8x128xf32, #tpu.memory_space<vmem>>) dst(%dma_wait3A_564 : memref<8x128xf32, #tpu.memory_space<vmem_shared>>)
      tpu.yield
    }) : () -> ()
    %mul3A_408 = arith.constant 320 : i32
    %mul3A_409 = arith.muli %arg1, %mul3A_408 : i32
    %add3A_410 = arith.constant 304 : i32
    %add3A_411 = arith.addi %mul3A_409, %add3A_410 : i32
    "tpu.region"() ({
      %run_scoped3A_558 = tpu.sem_alloc : memref<!tpu.dma_semaphore, #tpu.memory_space<semaphore_mem>>
      %dma_start3A = arith.constant 0 : i32
      %dma_start3A_559 = tpu.memref_slice %arg12[%add3A_411, %dma_start3A] : memref<5120x128xf32, #tpu.memory_space<vmem_shared>> -> memref<8x128xf32, #tpu.memory_space<vmem_shared>>
      %dma_start3A_560 = arith.constant 0 : i32
      %dma_start3A_561 = tpu.memref_slice %arg12[%add3A_411, %dma_start3A_560] : memref<5120x128xf32, #tpu.memory_space<vmem_shared>> -> memref<8x128xf32, #tpu.memory_space<vmem_shared>>
      tpu.enqueue_dma source(%arg11 : memref<8x128xf32, #tpu.memory_space<vmem>>) target(%dma_start3A_561 : memref<8x128xf32, #tpu.memory_space<vmem_shared>>) target_semaphore(%run_scoped3A_558 : memref<!tpu.dma_semaphore, #tpu.memory_space<semaphore_mem>>)
      %dma_wait3A = arith.constant 0 : i32
      %dma_wait3A_562 = tpu.memref_slice %arg12[%add3A_411, %dma_wait3A] : memref<5120x128xf32, #tpu.memory_space<vmem_shared>> -> memref<8x128xf32, #tpu.memory_space<vmem_shared>>
      %dma_wait3A_563 = arith.constant 0 : i32
      %dma_wait3A_564 = tpu.memref_slice %arg12[%add3A_411, %dma_wait3A_563] : memref<5120x128xf32, #tpu.memory_space<vmem_shared>> -> memref<8x128xf32, #tpu.memory_space<vmem_shared>>
      tpu.wait_dma2 semaphore(%run_scoped3A_558 : memref<!tpu.dma_semaphore, #tpu.memory_space<semaphore_mem>>) src(%arg11 : memref<8x128xf32, #tpu.memory_space<vmem>>) dst(%dma_wait3A_564 : memref<8x128xf32, #tpu.memory_space<vmem_shared>>)
      tpu.yield
    }) : () -> ()
    %mul3A_412 = arith.constant 320 : i32
    %mul3A_413 = arith.muli %arg1, %mul3A_412 : i32
    %add3A_414 = arith.constant 312 : i32
    %add3A_415 = arith.addi %mul3A_413, %add3A_414 : i32
    "tpu.region"() ({
      %run_scoped3A_558 = tpu.sem_alloc : memref<!tpu.dma_semaphore, #tpu.memory_space<semaphore_mem>>
      %dma_start3A = arith.constant 0 : i32
      %dma_start3A_559 = tpu.memref_slice %arg12[%add3A_415, %dma_start3A] : memref<5120x128xf32, #tpu.memory_space<vmem_shared>> -> memref<8x128xf32, #tpu.memory_space<vmem_shared>>
      %dma_start3A_560 = arith.constant 0 : i32
      %dma_start3A_561 = tpu.memref_slice %arg12[%add3A_415, %dma_start3A_560] : memref<5120x128xf32, #tpu.memory_space<vmem_shared>> -> memref<8x128xf32, #tpu.memory_space<vmem_shared>>
      tpu.enqueue_dma source(%arg11 : memref<8x128xf32, #tpu.memory_space<vmem>>) target(%dma_start3A_561 : memref<8x128xf32, #tpu.memory_space<vmem_shared>>) target_semaphore(%run_scoped3A_558 : memref<!tpu.dma_semaphore, #tpu.memory_space<semaphore_mem>>)
      %dma_wait3A = arith.constant 0 : i32
      %dma_wait3A_562 = tpu.memref_slice %arg12[%add3A_415, %dma_wait3A] : memref<5120x128xf32, #tpu.memory_space<vmem_shared>> -> memref<8x128xf32, #tpu.memory_space<vmem_shared>>
      %dma_wait3A_563 = arith.constant 0 : i32
      %dma_wait3A_564 = tpu.memref_slice %arg12[%add3A_415, %dma_wait3A_563] : memref<5120x128xf32, #tpu.memory_space<vmem_shared>> -> memref<8x128xf32, #tpu.memory_space<vmem_shared>>
      tpu.wait_dma2 semaphore(%run_scoped3A_558 : memref<!tpu.dma_semaphore, #tpu.memory_space<semaphore_mem>>) src(%arg11 : memref<8x128xf32, #tpu.memory_space<vmem>>) dst(%dma_wait3A_564 : memref<8x128xf32, #tpu.memory_space<vmem_shared>>)
      tpu.yield
    }) : () -> ()
    %mul3A_416 = arith.constant 20000 : i32
    %mul3A_417 = arith.muli %arg1, %mul3A_416 : i32
    %add3A_418 = arith.constant 0 : i32
    %add3A_419 = arith.addi %mul3A_417, %add3A_418 : i32
    %run_scoped3A = arith.constant 0 : i32
    "tpu.region"() ({
      %run_scoped3A_558 = tpu.sem_alloc : memref<!tpu.dma_semaphore, #tpu.memory_space<semaphore_mem>>
      %dma_start3A = tpu.memref_slice %arg3[%run_scoped3A, %add3A_419] : memref<2x320000xi32, #tpu.memory_space<hbm>> -> memref<1x4000xi32, #tpu.memory_space<hbm>>
      %dma_start3A_559 = tpu.memref_squeeze %dma_start3A : memref<1x4000xi32, #tpu.memory_space<hbm>> -> memref<4000xi32, #tpu.memory_space<hbm>>
      %dma_start3A_560 = tpu.memref_slice %arg3[%run_scoped3A, %add3A_419] : memref<2x320000xi32, #tpu.memory_space<hbm>> -> memref<1x4000xi32, #tpu.memory_space<hbm>>
      %dma_start3A_561 = tpu.memref_squeeze %dma_start3A_560 : memref<1x4000xi32, #tpu.memory_space<hbm>> -> memref<4000xi32, #tpu.memory_space<hbm>>
      tpu.enqueue_dma source(%dma_start3A_561 : memref<4000xi32, #tpu.memory_space<hbm>>) target(%arg5 : memref<4000xi32, #tpu.memory_space<vmem>>) target_semaphore(%run_scoped3A_558 : memref<!tpu.dma_semaphore, #tpu.memory_space<semaphore_mem>>)
      %dma_wait3A = tpu.memref_slice %arg3[%run_scoped3A, %add3A_419] : memref<2x320000xi32, #tpu.memory_space<hbm>> -> memref<1x4000xi32, #tpu.memory_space<hbm>>
      %dma_wait3A_562 = tpu.memref_squeeze %dma_wait3A : memref<1x4000xi32, #tpu.memory_space<hbm>> -> memref<4000xi32, #tpu.memory_space<hbm>>
      %dma_wait3A_563 = tpu.memref_slice %arg3[%run_scoped3A, %add3A_419] : memref<2x320000xi32, #tpu.memory_space<hbm>> -> memref<1x4000xi32, #tpu.memory_space<hbm>>
      %dma_wait3A_564 = tpu.memref_squeeze %dma_wait3A_563 : memref<1x4000xi32, #tpu.memory_space<hbm>> -> memref<4000xi32, #tpu.memory_space<hbm>>
      tpu.wait_dma2 semaphore(%run_scoped3A_558 : memref<!tpu.dma_semaphore, #tpu.memory_space<semaphore_mem>>) src(%dma_wait3A_564 : memref<4000xi32, #tpu.memory_space<hbm>>) dst(%arg5 : memref<4000xi32, #tpu.memory_space<vmem>>)
      tpu.yield
    }) : () -> ()
    %run_scoped3A_420 = arith.constant 1 : i32
    "tpu.region"() ({
      %run_scoped3A_558 = tpu.sem_alloc : memref<!tpu.dma_semaphore, #tpu.memory_space<semaphore_mem>>
      %dma_start3A = tpu.memref_slice %arg3[%run_scoped3A_420, %add3A_419] : memref<2x320000xi32, #tpu.memory_space<hbm>> -> memref<1x4000xi32, #tpu.memory_space<hbm>>
      %dma_start3A_559 = tpu.memref_squeeze %dma_start3A : memref<1x4000xi32, #tpu.memory_space<hbm>> -> memref<4000xi32, #tpu.memory_space<hbm>>
      %dma_start3A_560 = tpu.memref_slice %arg3[%run_scoped3A_420, %add3A_419] : memref<2x320000xi32, #tpu.memory_space<hbm>> -> memref<1x4000xi32, #tpu.memory_space<hbm>>
      %dma_start3A_561 = tpu.memref_squeeze %dma_start3A_560 : memref<1x4000xi32, #tpu.memory_space<hbm>> -> memref<4000xi32, #tpu.memory_space<hbm>>
      tpu.enqueue_dma source(%dma_start3A_561 : memref<4000xi32, #tpu.memory_space<hbm>>) target(%arg6 : memref<4000xi32, #tpu.memory_space<vmem>>) target_semaphore(%run_scoped3A_558 : memref<!tpu.dma_semaphore, #tpu.memory_space<semaphore_mem>>)
      %dma_wait3A = tpu.memref_slice %arg3[%run_scoped3A_420, %add3A_419] : memref<2x320000xi32, #tpu.memory_space<hbm>> -> memref<1x4000xi32, #tpu.memory_space<hbm>>
      %dma_wait3A_562 = tpu.memref_squeeze %dma_wait3A : memref<1x4000xi32, #tpu.memory_space<hbm>> -> memref<4000xi32, #tpu.memory_space<hbm>>
      %dma_wait3A_563 = tpu.memref_slice %arg3[%run_scoped3A_420, %add3A_419] : memref<2x320000xi32, #tpu.memory_space<hbm>> -> memref<1x4000xi32, #tpu.memory_space<hbm>>
      %dma_wait3A_564 = tpu.memref_squeeze %dma_wait3A_563 : memref<1x4000xi32, #tpu.memory_space<hbm>> -> memref<4000xi32, #tpu.memory_space<hbm>>
      tpu.wait_dma2 semaphore(%run_scoped3A_558 : memref<!tpu.dma_semaphore, #tpu.memory_space<semaphore_mem>>) src(%dma_wait3A_564 : memref<4000xi32, #tpu.memory_space<hbm>>) dst(%arg6 : memref<4000xi32, #tpu.memory_space<vmem>>)
      tpu.yield
    }) : () -> ()
    %broadcast_in_dim3A_421 = vector.broadcast %mul3A_0 : i32 to vector<16xi32>
    %scan3A = arith.constant 0 : i32
    %scan3A_422 = arith.constant 0 : i32
    %scan3A_423 = arith.constant 250 : i32
    %scan3A_424 = arith.addi %scan3A_422, %scan3A_423 : i32
    %scan3A_425 = arith.constant 1 : i32
    %scan3A_426 = scf.for %scan3A_558 = %scan3A_422 to %scan3A_424 step %scan3A_425 iter_args(%scan3A_559 = %scan3A) -> (i32)  : i32 {
      %mul3A_560 = arith.constant 16 : i32
      %mul3A_561 = arith.muli %scan3A_558, %mul3A_560 : i32
      %get3A = arith.index_cast %mul3A_561 : i32 to index
      %get3A_562 = tpu.vector_load %arg5[%get3A] {strides = array<i32>} : memref<4000xi32, #tpu.memory_space<vmem>>, vector<16xi32>,
      %mul3A_563 = arith.constant 16 : i32
      %mul3A_564 = arith.muli %scan3A_558, %mul3A_563 : i32
      %get3A_565 = arith.index_cast %mul3A_564 : i32 to index
      %get3A_566 = tpu.vector_load %arg6[%get3A_565] {strides = array<i32>} : memref<4000xi32, #tpu.memory_space<vmem>>, vector<16xi32>,
      %sub3A = arith.subi %get3A_566, %broadcast_in_dim3A_421 : vector<16xi32>
      %ge3A = arith.constant 0 : i32
      %ge3A_567 = vector.broadcast %ge3A : i32 to vector<16xi32>
      %ge3A_568 = arith.cmpi sge, %sub3A, %ge3A_567 : vector<16xi32>
      %lt3A = arith.constant 5000 : i32
      %lt3A_569 = vector.broadcast %lt3A : i32 to vector<16xi32>
      %lt3A_570 = arith.cmpi slt, %sub3A, %lt3A_569 : vector<16xi32>
      %and3A = arith.andi %ge3A_568, %lt3A_570 : vector<16xi1>
      %convert_element_type3A_571 = arith.extui %and3A : vector<16xi1> to vector<16xi32>
      %broadcast_in_dim3A_572 = arith.constant true
      %broadcast_in_dim3A_573 = vector.broadcast %broadcast_in_dim3A_572 : i1 to vector<16xi1>
      %masked_cumsum3A = tpu.scan <sum>, %convert_element_type3A_571 masked %broadcast_in_dim3A_573 : vector<16xi32>, vector<16xi1> -> vector<16xi32>
      %sub3A_574 = arith.constant 1 : i32
      %sub3A_575 = arith.subi %scan3A_559, %sub3A_574 : i32
      %broadcast_in_dim3A_576 = vector.broadcast %sub3A_575 : i32 to vector<16xi32>
      %add3A_577 = arith.addi %broadcast_in_dim3A_576, %masked_cumsum3A : vector<16xi32>
      tpu.vector_store_idx %arg7[%add3A_577], %get3A_562 masked %and3A : memref<20480xi32, #tpu.memory_space<vmem>>[vector<16xi32>], vector<16xi32>, vector<16xi1>
      tpu.vector_store_idx %arg8[%add3A_577], %sub3A masked %and3A : memref<20480xi32, #tpu.memory_space<vmem>>[vector<16xi32>], vector<16xi32>, vector<16xi1>
      %reduce_sum3A = arith.constant true
      %reduce_sum3A_578 = vector.broadcast %reduce_sum3A : i1 to vector<16xi1>
      %reduce_sum3A_579 = tpu.scan <sum>, %convert_element_type3A_571 masked %reduce_sum3A_578 : vector<16xi32>, vector<16xi1> -> vector<16xi32>
      %reduce_sum3A_580 = vector.extract %reduce_sum3A_579[15] : i32 from vector<16xi32>
      %add3A_581 = arith.addi %scan3A_559, %reduce_sum3A_580 : i32
      scf.yield %add3A_581 : i32
    }
    %scan3A_427 = arith.constant 250 : i32
    %mul3A_428 = arith.constant 20000 : i32
    %mul3A_429 = arith.muli %arg1, %mul3A_428 : i32
    %add3A_430 = arith.constant 4000 : i32
    %add3A_431 = arith.addi %mul3A_429, %add3A_430 : i32
    %run_scoped3A_432 = arith.constant 0 : i32
    "tpu.region"() ({
      %run_scoped3A_558 = tpu.sem_alloc : memref<!tpu.dma_semaphore, #tpu.memory_space<semaphore_mem>>
      %dma_start3A = tpu.memref_slice %arg3[%run_scoped3A_432, %add3A_431] : memref<2x320000xi32, #tpu.memory_space<hbm>> -> memref<1x4000xi32, #tpu.memory_space<hbm>>
      %dma_start3A_559 = tpu.memref_squeeze %dma_start3A : memref<1x4000xi32, #tpu.memory_space<hbm>> -> memref<4000xi32, #tpu.memory_space<hbm>>
      %dma_start3A_560 = tpu.memref_slice %arg3[%run_scoped3A_432, %add3A_431] : memref<2x320000xi32, #tpu.memory_space<hbm>> -> memref<1x4000xi32, #tpu.memory_space<hbm>>
      %dma_start3A_561 = tpu.memref_squeeze %dma_start3A_560 : memref<1x4000xi32, #tpu.memory_space<hbm>> -> memref<4000xi32, #tpu.memory_space<hbm>>
      tpu.enqueue_dma source(%dma_start3A_561 : memref<4000xi32, #tpu.memory_space<hbm>>) target(%arg5 : memref<4000xi32, #tpu.memory_space<vmem>>) target_semaphore(%run_scoped3A_558 : memref<!tpu.dma_semaphore, #tpu.memory_space<semaphore_mem>>)
      %dma_wait3A = tpu.memref_slice %arg3[%run_scoped3A_432, %add3A_431] : memref<2x320000xi32, #tpu.memory_space<hbm>> -> memref<1x4000xi32, #tpu.memory_space<hbm>>
      %dma_wait3A_562 = tpu.memref_squeeze %dma_wait3A : memref<1x4000xi32, #tpu.memory_space<hbm>> -> memref<4000xi32, #tpu.memory_space<hbm>>
      %dma_wait3A_563 = tpu.memref_slice %arg3[%run_scoped3A_432, %add3A_431] : memref<2x320000xi32, #tpu.memory_space<hbm>> -> memref<1x4000xi32, #tpu.memory_space<hbm>>
      %dma_wait3A_564 = tpu.memref_squeeze %dma_wait3A_563 : memref<1x4000xi32, #tpu.memory_space<hbm>> -> memref<4000xi32, #tpu.memory_space<hbm>>
      tpu.wait_dma2 semaphore(%run_scoped3A_558 : memref<!tpu.dma_semaphore, #tpu.memory_space<semaphore_mem>>) src(%dma_wait3A_564 : memref<4000xi32, #tpu.memory_space<hbm>>) dst(%arg5 : memref<4000xi32, #tpu.memory_space<vmem>>)
      tpu.yield
    }) : () -> ()
    %run_scoped3A_433 = arith.constant 1 : i32
    "tpu.region"() ({
      %run_scoped3A_558 = tpu.sem_alloc : memref<!tpu.dma_semaphore, #tpu.memory_space<semaphore_mem>>
      %dma_start3A = tpu.memref_slice %arg3[%run_scoped3A_433, %add3A_431] : memref<2x320000xi32, #tpu.memory_space<hbm>> -> memref<1x4000xi32, #tpu.memory_space<hbm>>
      %dma_start3A_559 = tpu.memref_squeeze %dma_start3A : memref<1x4000xi32, #tpu.memory_space<hbm>> -> memref<4000xi32, #tpu.memory_space<hbm>>
      %dma_start3A_560 = tpu.memref_slice %arg3[%run_scoped3A_433, %add3A_431] : memref<2x320000xi32, #tpu.memory_space<hbm>> -> memref<1x4000xi32, #tpu.memory_space<hbm>>
      %dma_start3A_561 = tpu.memref_squeeze %dma_start3A_560 : memref<1x4000xi32, #tpu.memory_space<hbm>> -> memref<4000xi32, #tpu.memory_space<hbm>>
      tpu.enqueue_dma source(%dma_start3A_561 : memref<4000xi32, #tpu.memory_space<hbm>>) target(%arg6 : memref<4000xi32, #tpu.memory_space<vmem>>) target_semaphore(%run_scoped3A_558 : memref<!tpu.dma_semaphore, #tpu.memory_space<semaphore_mem>>)
      %dma_wait3A = tpu.memref_slice %arg3[%run_scoped3A_433, %add3A_431] : memref<2x320000xi32, #tpu.memory_space<hbm>> -> memref<1x4000xi32, #tpu.memory_space<hbm>>
      %dma_wait3A_562 = tpu.memref_squeeze %dma_wait3A : memref<1x4000xi32, #tpu.memory_space<hbm>> -> memref<4000xi32, #tpu.memory_space<hbm>>
      %dma_wait3A_563 = tpu.memref_slice %arg3[%run_scoped3A_433, %add3A_431] : memref<2x320000xi32, #tpu.memory_space<hbm>> -> memref<1x4000xi32, #tpu.memory_space<hbm>>
      %dma_wait3A_564 = tpu.memref_squeeze %dma_wait3A_563 : memref<1x4000xi32, #tpu.memory_space<hbm>> -> memref<4000xi32, #tpu.memory_space<hbm>>
      tpu.wait_dma2 semaphore(%run_scoped3A_558 : memref<!tpu.dma_semaphore, #tpu.memory_space<semaphore_mem>>) src(%dma_wait3A_564 : memref<4000xi32, #tpu.memory_space<hbm>>) dst(%arg6 : memref<4000xi32, #tpu.memory_space<vmem>>)
      tpu.yield
    }) : () -> ()
    %broadcast_in_dim3A_434 = vector.broadcast %mul3A_0 : i32 to vector<16xi32>
    %scan3A_435 = arith.constant 0 : i32
    %scan3A_436 = arith.constant 250 : i32
    %scan3A_437 = arith.addi %scan3A_435, %scan3A_436 : i32
    %scan3A_438 = arith.constant 1 : i32
    %scan3A_439 = scf.for %scan3A_558 = %scan3A_435 to %scan3A_437 step %scan3A_438 iter_args(%scan3A_559 = %scan3A_426) -> (i32)  : i32 {
      %mul3A_560 = arith.constant 16 : i32
      %mul3A_561 = arith.muli %scan3A_558, %mul3A_560 : i32
      %get3A = arith.index_cast %mul3A_561 : i32 to index
      %get3A_562 = tpu.vector_load %arg5[%get3A] {strides = array<i32>} : memref<4000xi32, #tpu.memory_space<vmem>>, vector<16xi32>,
      %mul3A_563 = arith.constant 16 : i32
      %mul3A_564 = arith.muli %scan3A_558, %mul3A_563 : i32
      %get3A_565 = arith.index_cast %mul3A_564 : i32 to index
      %get3A_566 = tpu.vector_load %arg6[%get3A_565] {strides = array<i32>} : memref<4000xi32, #tpu.memory_space<vmem>>, vector<16xi32>,
      %sub3A = arith.subi %get3A_566, %broadcast_in_dim3A_434 : vector<16xi32>
      %ge3A = arith.constant 0 : i32
      %ge3A_567 = vector.broadcast %ge3A : i32 to vector<16xi32>
      %ge3A_568 = arith.cmpi sge, %sub3A, %ge3A_567 : vector<16xi32>
      %lt3A = arith.constant 5000 : i32
      %lt3A_569 = vector.broadcast %lt3A : i32 to vector<16xi32>
      %lt3A_570 = arith.cmpi slt, %sub3A, %lt3A_569 : vector<16xi32>
      %and3A = arith.andi %ge3A_568, %lt3A_570 : vector<16xi1>
      %convert_element_type3A_571 = arith.extui %and3A : vector<16xi1> to vector<16xi32>
      %broadcast_in_dim3A_572 = arith.constant true
      %broadcast_in_dim3A_573 = vector.broadcast %broadcast_in_dim3A_572 : i1 to vector<16xi1>
      %masked_cumsum3A = tpu.scan <sum>, %convert_element_type3A_571 masked %broadcast_in_dim3A_573 : vector<16xi32>, vector<16xi1> -> vector<16xi32>
      %sub3A_574 = arith.constant 1 : i32
      %sub3A_575 = arith.subi %scan3A_559, %sub3A_574 : i32
      %broadcast_in_dim3A_576 = vector.broadcast %sub3A_575 : i32 to vector<16xi32>
      %add3A_577 = arith.addi %broadcast_in_dim3A_576, %masked_cumsum3A : vector<16xi32>
      tpu.vector_store_idx %arg7[%add3A_577], %get3A_562 masked %and3A : memref<20480xi32, #tpu.memory_space<vmem>>[vector<16xi32>], vector<16xi32>, vector<16xi1>
      tpu.vector_store_idx %arg8[%add3A_577], %sub3A masked %and3A : memref<20480xi32, #tpu.memory_space<vmem>>[vector<16xi32>], vector<16xi32>, vector<16xi1>
      %reduce_sum3A = arith.constant true
      %reduce_sum3A_578 = vector.broadcast %reduce_sum3A : i1 to vector<16xi1>
      %reduce_sum3A_579 = tpu.scan <sum>, %convert_element_type3A_571 masked %reduce_sum3A_578 : vector<16xi32>, vector<16xi1> -> vector<16xi32>
      %reduce_sum3A_580 = vector.extract %reduce_sum3A_579[15] : i32 from vector<16xi32>
      %add3A_581 = arith.addi %scan3A_559, %reduce_sum3A_580 : i32
      scf.yield %add3A_581 : i32
    }
    %scan3A_440 = arith.constant 250 : i32
    %mul3A_441 = arith.constant 20000 : i32
    %mul3A_442 = arith.muli %arg1, %mul3A_441 : i32
    %add3A_443 = arith.constant 8000 : i32
    %add3A_444 = arith.addi %mul3A_442, %add3A_443 : i32
    %run_scoped3A_445 = arith.constant 0 : i32
    "tpu.region"() ({
      %run_scoped3A_558 = tpu.sem_alloc : memref<!tpu.dma_semaphore, #tpu.memory_space<semaphore_mem>>
      %dma_start3A = tpu.memref_slice %arg3[%run_scoped3A_445, %add3A_444] : memref<2x320000xi32, #tpu.memory_space<hbm>> -> memref<1x4000xi32, #tpu.memory_space<hbm>>
      %dma_start3A_559 = tpu.memref_squeeze %dma_start3A : memref<1x4000xi32, #tpu.memory_space<hbm>> -> memref<4000xi32, #tpu.memory_space<hbm>>
      %dma_start3A_560 = tpu.memref_slice %arg3[%run_scoped3A_445, %add3A_444] : memref<2x320000xi32, #tpu.memory_space<hbm>> -> memref<1x4000xi32, #tpu.memory_space<hbm>>
      %dma_start3A_561 = tpu.memref_squeeze %dma_start3A_560 : memref<1x4000xi32, #tpu.memory_space<hbm>> -> memref<4000xi32, #tpu.memory_space<hbm>>
      tpu.enqueue_dma source(%dma_start3A_561 : memref<4000xi32, #tpu.memory_space<hbm>>) target(%arg5 : memref<4000xi32, #tpu.memory_space<vmem>>) target_semaphore(%run_scoped3A_558 : memref<!tpu.dma_semaphore, #tpu.memory_space<semaphore_mem>>)
      %dma_wait3A = tpu.memref_slice %arg3[%run_scoped3A_445, %add3A_444] : memref<2x320000xi32, #tpu.memory_space<hbm>> -> memref<1x4000xi32, #tpu.memory_space<hbm>>
      %dma_wait3A_562 = tpu.memref_squeeze %dma_wait3A : memref<1x4000xi32, #tpu.memory_space<hbm>> -> memref<4000xi32, #tpu.memory_space<hbm>>
      %dma_wait3A_563 = tpu.memref_slice %arg3[%run_scoped3A_445, %add3A_444] : memref<2x320000xi32, #tpu.memory_space<hbm>> -> memref<1x4000xi32, #tpu.memory_space<hbm>>
      %dma_wait3A_564 = tpu.memref_squeeze %dma_wait3A_563 : memref<1x4000xi32, #tpu.memory_space<hbm>> -> memref<4000xi32, #tpu.memory_space<hbm>>
      tpu.wait_dma2 semaphore(%run_scoped3A_558 : memref<!tpu.dma_semaphore, #tpu.memory_space<semaphore_mem>>) src(%dma_wait3A_564 : memref<4000xi32, #tpu.memory_space<hbm>>) dst(%arg5 : memref<4000xi32, #tpu.memory_space<vmem>>)
      tpu.yield
    }) : () -> ()
    %run_scoped3A_446 = arith.constant 1 : i32
    "tpu.region"() ({
      %run_scoped3A_558 = tpu.sem_alloc : memref<!tpu.dma_semaphore, #tpu.memory_space<semaphore_mem>>
      %dma_start3A = tpu.memref_slice %arg3[%run_scoped3A_446, %add3A_444] : memref<2x320000xi32, #tpu.memory_space<hbm>> -> memref<1x4000xi32, #tpu.memory_space<hbm>>
      %dma_start3A_559 = tpu.memref_squeeze %dma_start3A : memref<1x4000xi32, #tpu.memory_space<hbm>> -> memref<4000xi32, #tpu.memory_space<hbm>>
      %dma_start3A_560 = tpu.memref_slice %arg3[%run_scoped3A_446, %add3A_444] : memref<2x320000xi32, #tpu.memory_space<hbm>> -> memref<1x4000xi32, #tpu.memory_space<hbm>>
      %dma_start3A_561 = tpu.memref_squeeze %dma_start3A_560 : memref<1x4000xi32, #tpu.memory_space<hbm>> -> memref<4000xi32, #tpu.memory_space<hbm>>
      tpu.enqueue_dma source(%dma_start3A_561 : memref<4000xi32, #tpu.memory_space<hbm>>) target(%arg6 : memref<4000xi32, #tpu.memory_space<vmem>>) target_semaphore(%run_scoped3A_558 : memref<!tpu.dma_semaphore, #tpu.memory_space<semaphore_mem>>)
      %dma_wait3A = tpu.memref_slice %arg3[%run_scoped3A_446, %add3A_444] : memref<2x320000xi32, #tpu.memory_space<hbm>> -> memref<1x4000xi32, #tpu.memory_space<hbm>>
      %dma_wait3A_562 = tpu.memref_squeeze %dma_wait3A : memref<1x4000xi32, #tpu.memory_space<hbm>> -> memref<4000xi32, #tpu.memory_space<hbm>>
      %dma_wait3A_563 = tpu.memref_slice %arg3[%run_scoped3A_446, %add3A_444] : memref<2x320000xi32, #tpu.memory_space<hbm>> -> memref<1x4000xi32, #tpu.memory_space<hbm>>
      %dma_wait3A_564 = tpu.memref_squeeze %dma_wait3A_563 : memref<1x4000xi32, #tpu.memory_space<hbm>> -> memref<4000xi32, #tpu.memory_space<hbm>>
      tpu.wait_dma2 semaphore(%run_scoped3A_558 : memref<!tpu.dma_semaphore, #tpu.memory_space<semaphore_mem>>) src(%dma_wait3A_564 : memref<4000xi32, #tpu.memory_space<hbm>>) dst(%arg6 : memref<4000xi32, #tpu.memory_space<vmem>>)
      tpu.yield
    }) : () -> ()
    %broadcast_in_dim3A_447 = vector.broadcast %mul3A_0 : i32 to vector<16xi32>
    %scan3A_448 = arith.constant 0 : i32
    %scan3A_449 = arith.constant 250 : i32
    %scan3A_450 = arith.addi %scan3A_448, %scan3A_449 : i32
    %scan3A_451 = arith.constant 1 : i32
    %scan3A_452 = scf.for %scan3A_558 = %scan3A_448 to %scan3A_450 step %scan3A_451 iter_args(%scan3A_559 = %scan3A_439) -> (i32)  : i32 {
      %mul3A_560 = arith.constant 16 : i32
      %mul3A_561 = arith.muli %scan3A_558, %mul3A_560 : i32
      %get3A = arith.index_cast %mul3A_561 : i32 to index
      %get3A_562 = tpu.vector_load %arg5[%get3A] {strides = array<i32>} : memref<4000xi32, #tpu.memory_space<vmem>>, vector<16xi32>,
      %mul3A_563 = arith.constant 16 : i32
      %mul3A_564 = arith.muli %scan3A_558, %mul3A_563 : i32
      %get3A_565 = arith.index_cast %mul3A_564 : i32 to index
      %get3A_566 = tpu.vector_load %arg6[%get3A_565] {strides = array<i32>} : memref<4000xi32, #tpu.memory_space<vmem>>, vector<16xi32>,
      %sub3A = arith.subi %get3A_566, %broadcast_in_dim3A_447 : vector<16xi32>
      %ge3A = arith.constant 0 : i32
      %ge3A_567 = vector.broadcast %ge3A : i32 to vector<16xi32>
      %ge3A_568 = arith.cmpi sge, %sub3A, %ge3A_567 : vector<16xi32>
      %lt3A = arith.constant 5000 : i32
      %lt3A_569 = vector.broadcast %lt3A : i32 to vector<16xi32>
      %lt3A_570 = arith.cmpi slt, %sub3A, %lt3A_569 : vector<16xi32>
      %and3A = arith.andi %ge3A_568, %lt3A_570 : vector<16xi1>
      %convert_element_type3A_571 = arith.extui %and3A : vector<16xi1> to vector<16xi32>
      %broadcast_in_dim3A_572 = arith.constant true
      %broadcast_in_dim3A_573 = vector.broadcast %broadcast_in_dim3A_572 : i1 to vector<16xi1>
      %masked_cumsum3A = tpu.scan <sum>, %convert_element_type3A_571 masked %broadcast_in_dim3A_573 : vector<16xi32>, vector<16xi1> -> vector<16xi32>
      %sub3A_574 = arith.constant 1 : i32
      %sub3A_575 = arith.subi %scan3A_559, %sub3A_574 : i32
      %broadcast_in_dim3A_576 = vector.broadcast %sub3A_575 : i32 to vector<16xi32>
      %add3A_577 = arith.addi %broadcast_in_dim3A_576, %masked_cumsum3A : vector<16xi32>
      tpu.vector_store_idx %arg7[%add3A_577], %get3A_562 masked %and3A : memref<20480xi32, #tpu.memory_space<vmem>>[vector<16xi32>], vector<16xi32>, vector<16xi1>
      tpu.vector_store_idx %arg8[%add3A_577], %sub3A masked %and3A : memref<20480xi32, #tpu.memory_space<vmem>>[vector<16xi32>], vector<16xi32>, vector<16xi1>
      %reduce_sum3A = arith.constant true
      %reduce_sum3A_578 = vector.broadcast %reduce_sum3A : i1 to vector<16xi1>
      %reduce_sum3A_579 = tpu.scan <sum>, %convert_element_type3A_571 masked %reduce_sum3A_578 : vector<16xi32>, vector<16xi1> -> vector<16xi32>
      %reduce_sum3A_580 = vector.extract %reduce_sum3A_579[15] : i32 from vector<16xi32>
      %add3A_581 = arith.addi %scan3A_559, %reduce_sum3A_580 : i32
      scf.yield %add3A_581 : i32
    }
    %scan3A_453 = arith.constant 250 : i32
    %mul3A_454 = arith.constant 20000 : i32
    %mul3A_455 = arith.muli %arg1, %mul3A_454 : i32
    %add3A_456 = arith.constant 12000 : i32
    %add3A_457 = arith.addi %mul3A_455, %add3A_456 : i32
    %run_scoped3A_458 = arith.constant 0 : i32
    "tpu.region"() ({
      %run_scoped3A_558 = tpu.sem_alloc : memref<!tpu.dma_semaphore, #tpu.memory_space<semaphore_mem>>
      %dma_start3A = tpu.memref_slice %arg3[%run_scoped3A_458, %add3A_457] : memref<2x320000xi32, #tpu.memory_space<hbm>> -> memref<1x4000xi32, #tpu.memory_space<hbm>>
      %dma_start3A_559 = tpu.memref_squeeze %dma_start3A : memref<1x4000xi32, #tpu.memory_space<hbm>> -> memref<4000xi32, #tpu.memory_space<hbm>>
      %dma_start3A_560 = tpu.memref_slice %arg3[%run_scoped3A_458, %add3A_457] : memref<2x320000xi32, #tpu.memory_space<hbm>> -> memref<1x4000xi32, #tpu.memory_space<hbm>>
      %dma_start3A_561 = tpu.memref_squeeze %dma_start3A_560 : memref<1x4000xi32, #tpu.memory_space<hbm>> -> memref<4000xi32, #tpu.memory_space<hbm>>
      tpu.enqueue_dma source(%dma_start3A_561 : memref<4000xi32, #tpu.memory_space<hbm>>) target(%arg5 : memref<4000xi32, #tpu.memory_space<vmem>>) target_semaphore(%run_scoped3A_558 : memref<!tpu.dma_semaphore, #tpu.memory_space<semaphore_mem>>)
      %dma_wait3A = tpu.memref_slice %arg3[%run_scoped3A_458, %add3A_457] : memref<2x320000xi32, #tpu.memory_space<hbm>> -> memref<1x4000xi32, #tpu.memory_space<hbm>>
      %dma_wait3A_562 = tpu.memref_squeeze %dma_wait3A : memref<1x4000xi32, #tpu.memory_space<hbm>> -> memref<4000xi32, #tpu.memory_space<hbm>>
      %dma_wait3A_563 = tpu.memref_slice %arg3[%run_scoped3A_458, %add3A_457] : memref<2x320000xi32, #tpu.memory_space<hbm>> -> memref<1x4000xi32, #tpu.memory_space<hbm>>
      %dma_wait3A_564 = tpu.memref_squeeze %dma_wait3A_563 : memref<1x4000xi32, #tpu.memory_space<hbm>> -> memref<4000xi32, #tpu.memory_space<hbm>>
      tpu.wait_dma2 semaphore(%run_scoped3A_558 : memref<!tpu.dma_semaphore, #tpu.memory_space<semaphore_mem>>) src(%dma_wait3A_564 : memref<4000xi32, #tpu.memory_space<hbm>>) dst(%arg5 : memref<4000xi32, #tpu.memory_space<vmem>>)
      tpu.yield
    }) : () -> ()
    %run_scoped3A_459 = arith.constant 1 : i32
    "tpu.region"() ({
      %run_scoped3A_558 = tpu.sem_alloc : memref<!tpu.dma_semaphore, #tpu.memory_space<semaphore_mem>>
      %dma_start3A = tpu.memref_slice %arg3[%run_scoped3A_459, %add3A_457] : memref<2x320000xi32, #tpu.memory_space<hbm>> -> memref<1x4000xi32, #tpu.memory_space<hbm>>
      %dma_start3A_559 = tpu.memref_squeeze %dma_start3A : memref<1x4000xi32, #tpu.memory_space<hbm>> -> memref<4000xi32, #tpu.memory_space<hbm>>
      %dma_start3A_560 = tpu.memref_slice %arg3[%run_scoped3A_459, %add3A_457] : memref<2x320000xi32, #tpu.memory_space<hbm>> -> memref<1x4000xi32, #tpu.memory_space<hbm>>
      %dma_start3A_561 = tpu.memref_squeeze %dma_start3A_560 : memref<1x4000xi32, #tpu.memory_space<hbm>> -> memref<4000xi32, #tpu.memory_space<hbm>>
      tpu.enqueue_dma source(%dma_start3A_561 : memref<4000xi32, #tpu.memory_space<hbm>>) target(%arg6 : memref<4000xi32, #tpu.memory_space<vmem>>) target_semaphore(%run_scoped3A_558 : memref<!tpu.dma_semaphore, #tpu.memory_space<semaphore_mem>>)
      %dma_wait3A = tpu.memref_slice %arg3[%run_scoped3A_459, %add3A_457] : memref<2x320000xi32, #tpu.memory_space<hbm>> -> memref<1x4000xi32, #tpu.memory_space<hbm>>
      %dma_wait3A_562 = tpu.memref_squeeze %dma_wait3A : memref<1x4000xi32, #tpu.memory_space<hbm>> -> memref<4000xi32, #tpu.memory_space<hbm>>
      %dma_wait3A_563 = tpu.memref_slice %arg3[%run_scoped3A_459, %add3A_457] : memref<2x320000xi32, #tpu.memory_space<hbm>> -> memref<1x4000xi32, #tpu.memory_space<hbm>>
      %dma_wait3A_564 = tpu.memref_squeeze %dma_wait3A_563 : memref<1x4000xi32, #tpu.memory_space<hbm>> -> memref<4000xi32, #tpu.memory_space<hbm>>
      tpu.wait_dma2 semaphore(%run_scoped3A_558 : memref<!tpu.dma_semaphore, #tpu.memory_space<semaphore_mem>>) src(%dma_wait3A_564 : memref<4000xi32, #tpu.memory_space<hbm>>) dst(%arg6 : memref<4000xi32, #tpu.memory_space<vmem>>)
      tpu.yield
    }) : () -> ()
    %broadcast_in_dim3A_460 = vector.broadcast %mul3A_0 : i32 to vector<16xi32>
    %scan3A_461 = arith.constant 0 : i32
    %scan3A_462 = arith.constant 250 : i32
    %scan3A_463 = arith.addi %scan3A_461, %scan3A_462 : i32
    %scan3A_464 = arith.constant 1 : i32
    %scan3A_465 = scf.for %scan3A_558 = %scan3A_461 to %scan3A_463 step %scan3A_464 iter_args(%scan3A_559 = %scan3A_452) -> (i32)  : i32 {
      %mul3A_560 = arith.constant 16 : i32
      %mul3A_561 = arith.muli %scan3A_558, %mul3A_560 : i32
      %get3A = arith.index_cast %mul3A_561 : i32 to index
      %get3A_562 = tpu.vector_load %arg5[%get3A] {strides = array<i32>} : memref<4000xi32, #tpu.memory_space<vmem>>, vector<16xi32>,
      %mul3A_563 = arith.constant 16 : i32
      %mul3A_564 = arith.muli %scan3A_558, %mul3A_563 : i32
      %get3A_565 = arith.index_cast %mul3A_564 : i32 to index
      %get3A_566 = tpu.vector_load %arg6[%get3A_565] {strides = array<i32>} : memref<4000xi32, #tpu.memory_space<vmem>>, vector<16xi32>,
      %sub3A = arith.subi %get3A_566, %broadcast_in_dim3A_460 : vector<16xi32>
      %ge3A = arith.constant 0 : i32
      %ge3A_567 = vector.broadcast %ge3A : i32 to vector<16xi32>
      %ge3A_568 = arith.cmpi sge, %sub3A, %ge3A_567 : vector<16xi32>
      %lt3A = arith.constant 5000 : i32
      %lt3A_569 = vector.broadcast %lt3A : i32 to vector<16xi32>
      %lt3A_570 = arith.cmpi slt, %sub3A, %lt3A_569 : vector<16xi32>
      %and3A = arith.andi %ge3A_568, %lt3A_570 : vector<16xi1>
      %convert_element_type3A_571 = arith.extui %and3A : vector<16xi1> to vector<16xi32>
      %broadcast_in_dim3A_572 = arith.constant true
      %broadcast_in_dim3A_573 = vector.broadcast %broadcast_in_dim3A_572 : i1 to vector<16xi1>
      %masked_cumsum3A = tpu.scan <sum>, %convert_element_type3A_571 masked %broadcast_in_dim3A_573 : vector<16xi32>, vector<16xi1> -> vector<16xi32>
      %sub3A_574 = arith.constant 1 : i32
      %sub3A_575 = arith.subi %scan3A_559, %sub3A_574 : i32
      %broadcast_in_dim3A_576 = vector.broadcast %sub3A_575 : i32 to vector<16xi32>
      %add3A_577 = arith.addi %broadcast_in_dim3A_576, %masked_cumsum3A : vector<16xi32>
      tpu.vector_store_idx %arg7[%add3A_577], %get3A_562 masked %and3A : memref<20480xi32, #tpu.memory_space<vmem>>[vector<16xi32>], vector<16xi32>, vector<16xi1>
      tpu.vector_store_idx %arg8[%add3A_577], %sub3A masked %and3A : memref<20480xi32, #tpu.memory_space<vmem>>[vector<16xi32>], vector<16xi32>, vector<16xi1>
      %reduce_sum3A = arith.constant true
      %reduce_sum3A_578 = vector.broadcast %reduce_sum3A : i1 to vector<16xi1>
      %reduce_sum3A_579 = tpu.scan <sum>, %convert_element_type3A_571 masked %reduce_sum3A_578 : vector<16xi32>, vector<16xi1> -> vector<16xi32>
      %reduce_sum3A_580 = vector.extract %reduce_sum3A_579[15] : i32 from vector<16xi32>
      %add3A_581 = arith.addi %scan3A_559, %reduce_sum3A_580 : i32
      scf.yield %add3A_581 : i32
    }
    %scan3A_466 = arith.constant 250 : i32
    %mul3A_467 = arith.constant 20000 : i32
    %mul3A_468 = arith.muli %arg1, %mul3A_467 : i32
    %add3A_469 = arith.constant 16000 : i32
    %add3A_470 = arith.addi %mul3A_468, %add3A_469 : i32
    %run_scoped3A_471 = arith.constant 0 : i32
    "tpu.region"() ({
      %run_scoped3A_558 = tpu.sem_alloc : memref<!tpu.dma_semaphore, #tpu.memory_space<semaphore_mem>>
      %dma_start3A = tpu.memref_slice %arg3[%run_scoped3A_471, %add3A_470] : memref<2x320000xi32, #tpu.memory_space<hbm>> -> memref<1x4000xi32, #tpu.memory_space<hbm>>
      %dma_start3A_559 = tpu.memref_squeeze %dma_start3A : memref<1x4000xi32, #tpu.memory_space<hbm>> -> memref<4000xi32, #tpu.memory_space<hbm>>
      %dma_start3A_560 = tpu.memref_slice %arg3[%run_scoped3A_471, %add3A_470] : memref<2x320000xi32, #tpu.memory_space<hbm>> -> memref<1x4000xi32, #tpu.memory_space<hbm>>
      %dma_start3A_561 = tpu.memref_squeeze %dma_start3A_560 : memref<1x4000xi32, #tpu.memory_space<hbm>> -> memref<4000xi32, #tpu.memory_space<hbm>>
      tpu.enqueue_dma source(%dma_start3A_561 : memref<4000xi32, #tpu.memory_space<hbm>>) target(%arg5 : memref<4000xi32, #tpu.memory_space<vmem>>) target_semaphore(%run_scoped3A_558 : memref<!tpu.dma_semaphore, #tpu.memory_space<semaphore_mem>>)
      %dma_wait3A = tpu.memref_slice %arg3[%run_scoped3A_471, %add3A_470] : memref<2x320000xi32, #tpu.memory_space<hbm>> -> memref<1x4000xi32, #tpu.memory_space<hbm>>
      %dma_wait3A_562 = tpu.memref_squeeze %dma_wait3A : memref<1x4000xi32, #tpu.memory_space<hbm>> -> memref<4000xi32, #tpu.memory_space<hbm>>
      %dma_wait3A_563 = tpu.memref_slice %arg3[%run_scoped3A_471, %add3A_470] : memref<2x320000xi32, #tpu.memory_space<hbm>> -> memref<1x4000xi32, #tpu.memory_space<hbm>>
      %dma_wait3A_564 = tpu.memref_squeeze %dma_wait3A_563 : memref<1x4000xi32, #tpu.memory_space<hbm>> -> memref<4000xi32, #tpu.memory_space<hbm>>
      tpu.wait_dma2 semaphore(%run_scoped3A_558 : memref<!tpu.dma_semaphore, #tpu.memory_space<semaphore_mem>>) src(%dma_wait3A_564 : memref<4000xi32, #tpu.memory_space<hbm>>) dst(%arg5 : memref<4000xi32, #tpu.memory_space<vmem>>)
      tpu.yield
    }) : () -> ()
    %run_scoped3A_472 = arith.constant 1 : i32
    "tpu.region"() ({
      %run_scoped3A_558 = tpu.sem_alloc : memref<!tpu.dma_semaphore, #tpu.memory_space<semaphore_mem>>
      %dma_start3A = tpu.memref_slice %arg3[%run_scoped3A_472, %add3A_470] : memref<2x320000xi32, #tpu.memory_space<hbm>> -> memref<1x4000xi32, #tpu.memory_space<hbm>>
      %dma_start3A_559 = tpu.memref_squeeze %dma_start3A : memref<1x4000xi32, #tpu.memory_space<hbm>> -> memref<4000xi32, #tpu.memory_space<hbm>>
      %dma_start3A_560 = tpu.memref_slice %arg3[%run_scoped3A_472, %add3A_470] : memref<2x320000xi32, #tpu.memory_space<hbm>> -> memref<1x4000xi32, #tpu.memory_space<hbm>>
      %dma_start3A_561 = tpu.memref_squeeze %dma_start3A_560 : memref<1x4000xi32, #tpu.memory_space<hbm>> -> memref<4000xi32, #tpu.memory_space<hbm>>
      tpu.enqueue_dma source(%dma_start3A_561 : memref<4000xi32, #tpu.memory_space<hbm>>) target(%arg6 : memref<4000xi32, #tpu.memory_space<vmem>>) target_semaphore(%run_scoped3A_558 : memref<!tpu.dma_semaphore, #tpu.memory_space<semaphore_mem>>)
      %dma_wait3A = tpu.memref_slice %arg3[%run_scoped3A_472, %add3A_470] : memref<2x320000xi32, #tpu.memory_space<hbm>> -> memref<1x4000xi32, #tpu.memory_space<hbm>>
      %dma_wait3A_562 = tpu.memref_squeeze %dma_wait3A : memref<1x4000xi32, #tpu.memory_space<hbm>> -> memref<4000xi32, #tpu.memory_space<hbm>>
      %dma_wait3A_563 = tpu.memref_slice %arg3[%run_scoped3A_472, %add3A_470] : memref<2x320000xi32, #tpu.memory_space<hbm>> -> memref<1x4000xi32, #tpu.memory_space<hbm>>
      %dma_wait3A_564 = tpu.memref_squeeze %dma_wait3A_563 : memref<1x4000xi32, #tpu.memory_space<hbm>> -> memref<4000xi32, #tpu.memory_space<hbm>>
      tpu.wait_dma2 semaphore(%run_scoped3A_558 : memref<!tpu.dma_semaphore, #tpu.memory_space<semaphore_mem>>) src(%dma_wait3A_564 : memref<4000xi32, #tpu.memory_space<hbm>>) dst(%arg6 : memref<4000xi32, #tpu.memory_space<vmem>>)
      tpu.yield
    }) : () -> ()
    %broadcast_in_dim3A_473 = vector.broadcast %mul3A_0 : i32 to vector<16xi32>
    %scan3A_474 = arith.constant 0 : i32
    %scan3A_475 = arith.constant 250 : i32
    %scan3A_476 = arith.addi %scan3A_474, %scan3A_475 : i32
    %scan3A_477 = arith.constant 1 : i32
    %scan3A_478 = scf.for %scan3A_558 = %scan3A_474 to %scan3A_476 step %scan3A_477 iter_args(%scan3A_559 = %scan3A_465) -> (i32)  : i32 {
      %mul3A_560 = arith.constant 16 : i32
      %mul3A_561 = arith.muli %scan3A_558, %mul3A_560 : i32
      %get3A = arith.index_cast %mul3A_561 : i32 to index
      %get3A_562 = tpu.vector_load %arg5[%get3A] {strides = array<i32>} : memref<4000xi32, #tpu.memory_space<vmem>>, vector<16xi32>,
      %mul3A_563 = arith.constant 16 : i32
      %mul3A_564 = arith.muli %scan3A_558, %mul3A_563 : i32
      %get3A_565 = arith.index_cast %mul3A_564 : i32 to index
      %get3A_566 = tpu.vector_load %arg6[%get3A_565] {strides = array<i32>} : memref<4000xi32, #tpu.memory_space<vmem>>, vector<16xi32>,
      %sub3A = arith.subi %get3A_566, %broadcast_in_dim3A_473 : vector<16xi32>
      %ge3A = arith.constant 0 : i32
      %ge3A_567 = vector.broadcast %ge3A : i32 to vector<16xi32>
      %ge3A_568 = arith.cmpi sge, %sub3A, %ge3A_567 : vector<16xi32>
      %lt3A = arith.constant 5000 : i32
      %lt3A_569 = vector.broadcast %lt3A : i32 to vector<16xi32>
      %lt3A_570 = arith.cmpi slt, %sub3A, %lt3A_569 : vector<16xi32>
      %and3A = arith.andi %ge3A_568, %lt3A_570 : vector<16xi1>
      %convert_element_type3A_571 = arith.extui %and3A : vector<16xi1> to vector<16xi32>
      %broadcast_in_dim3A_572 = arith.constant true
      %broadcast_in_dim3A_573 = vector.broadcast %broadcast_in_dim3A_572 : i1 to vector<16xi1>
      %masked_cumsum3A = tpu.scan <sum>, %convert_element_type3A_571 masked %broadcast_in_dim3A_573 : vector<16xi32>, vector<16xi1> -> vector<16xi32>
      %sub3A_574 = arith.constant 1 : i32
      %sub3A_575 = arith.subi %scan3A_559, %sub3A_574 : i32
      %broadcast_in_dim3A_576 = vector.broadcast %sub3A_575 : i32 to vector<16xi32>
      %add3A_577 = arith.addi %broadcast_in_dim3A_576, %masked_cumsum3A : vector<16xi32>
      tpu.vector_store_idx %arg7[%add3A_577], %get3A_562 masked %and3A : memref<20480xi32, #tpu.memory_space<vmem>>[vector<16xi32>], vector<16xi32>, vector<16xi1>
      tpu.vector_store_idx %arg8[%add3A_577], %sub3A masked %and3A : memref<20480xi32, #tpu.memory_space<vmem>>[vector<16xi32>], vector<16xi32>, vector<16xi1>
      %reduce_sum3A = arith.constant true
      %reduce_sum3A_578 = vector.broadcast %reduce_sum3A : i1 to vector<16xi1>
      %reduce_sum3A_579 = tpu.scan <sum>, %convert_element_type3A_571 masked %reduce_sum3A_578 : vector<16xi32>, vector<16xi1> -> vector<16xi32>
      %reduce_sum3A_580 = vector.extract %reduce_sum3A_579[15] : i32 from vector<16xi32>
      %add3A_581 = arith.addi %scan3A_559, %reduce_sum3A_580 : i32
      scf.yield %add3A_581 : i32
    }
    %scan3A_479 = arith.constant 250 : i32
    %broadcast_in_dim3A_480 = arith.constant 0 : i32
    %broadcast_in_dim3A_481 = vector.broadcast %broadcast_in_dim3A_480 : i32 to vector<16xi32>
    %broadcast_in_dim3A_482 = arith.constant 5000 : i32
    %broadcast_in_dim3A_483 = vector.broadcast %broadcast_in_dim3A_482 : i32 to vector<16xi32>
    %add3A_484 = arith.constant 0 : i32
    %add3A_485 = arith.addi %scan3A_478, %add3A_484 : i32
    %swap3A_486 = arith.index_cast %add3A_485 : i32 to index
    %swap3A_487 = tpu.vector_load %arg7[%swap3A_486] {strides = array<i32>} : memref<20480xi32, #tpu.memory_space<vmem>>, vector<16xi32>,
    tpu.vector_store %arg7[%swap3A_486], %broadcast_in_dim3A_481 {strides = array<i32>} : memref<20480xi32, #tpu.memory_space<vmem>>, vector<16xi32>,
    %add3A_488 = arith.constant 0 : i32
    %add3A_489 = arith.addi %scan3A_478, %add3A_488 : i32
    %swap3A_490 = arith.index_cast %add3A_489 : i32 to index
    %swap3A_491 = tpu.vector_load %arg8[%swap3A_490] {strides = array<i32>} : memref<20480xi32, #tpu.memory_space<vmem>>, vector<16xi32>,
    tpu.vector_store %arg8[%swap3A_490], %broadcast_in_dim3A_483 {strides = array<i32>} : memref<20480xi32, #tpu.memory_space<vmem>>, vector<16xi32>,
    %add3A_492 = arith.constant 16 : i32
    %add3A_493 = arith.addi %scan3A_478, %add3A_492 : i32
    %swap3A_494 = arith.index_cast %add3A_493 : i32 to index
    %swap3A_495 = tpu.vector_load %arg7[%swap3A_494] {strides = array<i32>} : memref<20480xi32, #tpu.memory_space<vmem>>, vector<16xi32>,
    tpu.vector_store %arg7[%swap3A_494], %broadcast_in_dim3A_481 {strides = array<i32>} : memref<20480xi32, #tpu.memory_space<vmem>>, vector<16xi32>,
    %add3A_496 = arith.constant 16 : i32
    %add3A_497 = arith.addi %scan3A_478, %add3A_496 : i32
    %swap3A_498 = arith.index_cast %add3A_497 : i32 to index
    %swap3A_499 = tpu.vector_load %arg8[%swap3A_498] {strides = array<i32>} : memref<20480xi32, #tpu.memory_space<vmem>>, vector<16xi32>,
    tpu.vector_store %arg8[%swap3A_498], %broadcast_in_dim3A_483 {strides = array<i32>} : memref<20480xi32, #tpu.memory_space<vmem>>, vector<16xi32>,
    %add3A_500 = arith.constant 32 : i32
    %add3A_501 = arith.addi %scan3A_478, %add3A_500 : i32
    %swap3A_502 = arith.index_cast %add3A_501 : i32 to index
    %swap3A_503 = tpu.vector_load %arg7[%swap3A_502] {strides = array<i32>} : memref<20480xi32, #tpu.memory_space<vmem>>, vector<16xi32>,
    tpu.vector_store %arg7[%swap3A_502], %broadcast_in_dim3A_481 {strides = array<i32>} : memref<20480xi32, #tpu.memory_space<vmem>>, vector<16xi32>,
    %add3A_504 = arith.constant 32 : i32
    %add3A_505 = arith.addi %scan3A_478, %add3A_504 : i32
    %swap3A_506 = arith.index_cast %add3A_505 : i32 to index
    %swap3A_507 = tpu.vector_load %arg8[%swap3A_506] {strides = array<i32>} : memref<20480xi32, #tpu.memory_space<vmem>>, vector<16xi32>,
    tpu.vector_store %arg8[%swap3A_506], %broadcast_in_dim3A_483 {strides = array<i32>} : memref<20480xi32, #tpu.memory_space<vmem>>, vector<16xi32>,
    %add3A_508 = arith.constant 48 : i32
    %add3A_509 = arith.addi %scan3A_478, %add3A_508 : i32
    %swap3A_510 = arith.index_cast %add3A_509 : i32 to index
    %swap3A_511 = tpu.vector_load %arg7[%swap3A_510] {strides = array<i32>} : memref<20480xi32, #tpu.memory_space<vmem>>, vector<16xi32>,
    tpu.vector_store %arg7[%swap3A_510], %broadcast_in_dim3A_481 {strides = array<i32>} : memref<20480xi32, #tpu.memory_space<vmem>>, vector<16xi32>,
    %add3A_512 = arith.constant 48 : i32
    %add3A_513 = arith.addi %scan3A_478, %add3A_512 : i32
    %swap3A_514 = arith.index_cast %add3A_513 : i32 to index
    %swap3A_515 = tpu.vector_load %arg8[%swap3A_514] {strides = array<i32>} : memref<20480xi32, #tpu.memory_space<vmem>>, vector<16xi32>,
    tpu.vector_store %arg8[%swap3A_514], %broadcast_in_dim3A_483 {strides = array<i32>} : memref<20480xi32, #tpu.memory_space<vmem>>, vector<16xi32>,
    %add3A_516 = arith.constant 63 : i32
    %add3A_517 = arith.addi %scan3A_478, %add3A_516 : i32
    %div3A = arith.constant 64 : i32
    %div3A_518 = arith.divsi %add3A_517, %div3A : i32
    %barrier3A = arith.constant 0 : index
    tpu.barrier barrier_id(%barrier3A)
    %gt3A = arith.constant 0 : i32
    %gt3A_519 = arith.cmpi sgt, %div3A_518, %gt3A : i32
    %convert_element_type3A = arith.extui %gt3A_519 : i1 to i32
    %cond3A = arith.constant 0 : i32
    %cond3A_520 = arith.cmpi ne, %convert_element_type3A, %cond3A : i32
    scf.if %cond3A_520 {
      %dma_start3A = arith.constant 0 : i32
      %dma_start3A_558 = arith.constant 0 : i32
      %dma_start3A_559 = arith.constant 0 : i32
      %dma_start3A_560 = tpu.memref_slice %arg9[%dma_start3A, %dma_start3A_558, %dma_start3A_559] : memref<4x64x128xf32, #tpu.memory_space<vmem>> -> memref<1x64x128xf32, #tpu.memory_space<vmem>>
      %dma_start3A_561 = tpu.memref_squeeze %dma_start3A_560 : memref<1x64x128xf32, #tpu.memory_space<vmem>> -> memref<64x128xf32, #tpu.memory_space<vmem>>
      %dma_start3A_562 = arith.constant 0 : i32
      %dma_start3A_563 = tpu.memref_slice %arg7[%dma_start3A_562] : memref<20480xi32, #tpu.memory_space<vmem>> -> memref<64xi32, #tpu.memory_space<vmem>>
      %dma_start3A_564 = arith.constant 0 : i32
      %dma_start3A_565 = arith.constant 0 : i32
      %dma_start3A_566 = tpu.memref_slice %arg2[%dma_start3A_564, %dma_start3A_565] : memref<10000x128xf32, #tpu.memory_space<hbm>> -> memref<10000x128xf32, #tpu.memory_space<hbm>>
      tpu.enqueue_indirect_dma source(%dma_start3A_566 : memref<10000x128xf32, #tpu.memory_space<hbm>>) target(%dma_start3A_561 : memref<64x128xf32, #tpu.memory_space<vmem>>) offsets(%dma_start3A_563 : memref<64xi32, #tpu.memory_space<vmem>>) semaphore(%arg13 : memref<!tpu.dma_semaphore, #tpu.memory_space<semaphore_mem>>)
    } else {
    }
    %gt3A_521 = arith.constant 1 : i32
    %gt3A_522 = arith.cmpi sgt, %div3A_518, %gt3A_521 : i32
    %convert_element_type3A_523 = arith.extui %gt3A_522 : i1 to i32
    %cond3A_524 = arith.constant 0 : i32
    %cond3A_525 = arith.cmpi ne, %convert_element_type3A_523, %cond3A_524 : i32
    scf.if %cond3A_525 {
      %dma_start3A = arith.constant 1 : i32
      %dma_start3A_558 = arith.constant 0 : i32
      %dma_start3A_559 = arith.constant 0 : i32
      %dma_start3A_560 = tpu.memref_slice %arg9[%dma_start3A, %dma_start3A_558, %dma_start3A_559] : memref<4x64x128xf32, #tpu.memory_space<vmem>> -> memref<1x64x128xf32, #tpu.memory_space<vmem>>
      %dma_start3A_561 = tpu.memref_squeeze %dma_start3A_560 : memref<1x64x128xf32, #tpu.memory_space<vmem>> -> memref<64x128xf32, #tpu.memory_space<vmem>>
      %dma_start3A_562 = arith.constant 64 : i32
      %dma_start3A_563 = tpu.memref_slice %arg7[%dma_start3A_562] : memref<20480xi32, #tpu.memory_space<vmem>> -> memref<64xi32, #tpu.memory_space<vmem>>
      %dma_start3A_564 = arith.constant 0 : i32
      %dma_start3A_565 = arith.constant 0 : i32
      %dma_start3A_566 = tpu.memref_slice %arg2[%dma_start3A_564, %dma_start3A_565] : memref<10000x128xf32, #tpu.memory_space<hbm>> -> memref<10000x128xf32, #tpu.memory_space<hbm>>
      tpu.enqueue_indirect_dma source(%dma_start3A_566 : memref<10000x128xf32, #tpu.memory_space<hbm>>) target(%dma_start3A_561 : memref<64x128xf32, #tpu.memory_space<vmem>>) offsets(%dma_start3A_563 : memref<64xi32, #tpu.memory_space<vmem>>) semaphore(%arg14 : memref<!tpu.dma_semaphore, #tpu.memory_space<semaphore_mem>>)
    } else {
    }
    %gt3A_526 = arith.constant 2 : i32
    %gt3A_527 = arith.cmpi sgt, %div3A_518, %gt3A_526 : i32
    %convert_element_type3A_528 = arith.extui %gt3A_527 : i1 to i32
    %cond3A_529 = arith.constant 0 : i32
    %cond3A_530 = arith.cmpi ne, %convert_element_type3A_528, %cond3A_529 : i32
    scf.if %cond3A_530 {
      %dma_start3A = arith.constant 2 : i32
      %dma_start3A_558 = arith.constant 0 : i32
      %dma_start3A_559 = arith.constant 0 : i32
      %dma_start3A_560 = tpu.memref_slice %arg9[%dma_start3A, %dma_start3A_558, %dma_start3A_559] : memref<4x64x128xf32, #tpu.memory_space<vmem>> -> memref<1x64x128xf32, #tpu.memory_space<vmem>>
      %dma_start3A_561 = tpu.memref_squeeze %dma_start3A_560 : memref<1x64x128xf32, #tpu.memory_space<vmem>> -> memref<64x128xf32, #tpu.memory_space<vmem>>
      %dma_start3A_562 = arith.constant 128 : i32
      %dma_start3A_563 = tpu.memref_slice %arg7[%dma_start3A_562] : memref<20480xi32, #tpu.memory_space<vmem>> -> memref<64xi32, #tpu.memory_space<vmem>>
      %dma_start3A_564 = arith.constant 0 : i32
      %dma_start3A_565 = arith.constant 0 : i32
      %dma_start3A_566 = tpu.memref_slice %arg2[%dma_start3A_564, %dma_start3A_565] : memref<10000x128xf32, #tpu.memory_space<hbm>> -> memref<10000x128xf32, #tpu.memory_space<hbm>>
      tpu.enqueue_indirect_dma source(%dma_start3A_566 : memref<10000x128xf32, #tpu.memory_space<hbm>>) target(%dma_start3A_561 : memref<64x128xf32, #tpu.memory_space<vmem>>) offsets(%dma_start3A_563 : memref<64xi32, #tpu.memory_space<vmem>>) semaphore(%arg15 : memref<!tpu.dma_semaphore, #tpu.memory_space<semaphore_mem>>)
    } else {
    }
    %gt3A_531 = arith.constant 3 : i32
    %gt3A_532 = arith.cmpi sgt, %div3A_518, %gt3A_531 : i32
    %convert_element_type3A_533 = arith.extui %gt3A_532 : i1 to i32
    %cond3A_534 = arith.constant 0 : i32
    %cond3A_535 = arith.cmpi ne, %convert_element_type3A_533, %cond3A_534 : i32
    scf.if %cond3A_535 {
      %dma_start3A = arith.constant 3 : i32
      %dma_start3A_558 = arith.constant 0 : i32
      %dma_start3A_559 = arith.constant 0 : i32
      %dma_start3A_560 = tpu.memref_slice %arg9[%dma_start3A, %dma_start3A_558, %dma_start3A_559] : memref<4x64x128xf32, #tpu.memory_space<vmem>> -> memref<1x64x128xf32, #tpu.memory_space<vmem>>
      %dma_start3A_561 = tpu.memref_squeeze %dma_start3A_560 : memref<1x64x128xf32, #tpu.memory_space<vmem>> -> memref<64x128xf32, #tpu.memory_space<vmem>>
      %dma_start3A_562 = arith.constant 192 : i32
      %dma_start3A_563 = tpu.memref_slice %arg7[%dma_start3A_562] : memref<20480xi32, #tpu.memory_space<vmem>> -> memref<64xi32, #tpu.memory_space<vmem>>
      %dma_start3A_564 = arith.constant 0 : i32
      %dma_start3A_565 = arith.constant 0 : i32
      %dma_start3A_566 = tpu.memref_slice %arg2[%dma_start3A_564, %dma_start3A_565] : memref<10000x128xf32, #tpu.memory_space<hbm>> -> memref<10000x128xf32, #tpu.memory_space<hbm>>
      tpu.enqueue_indirect_dma source(%dma_start3A_566 : memref<10000x128xf32, #tpu.memory_space<hbm>>) target(%dma_start3A_561 : memref<64x128xf32, #tpu.memory_space<vmem>>) offsets(%dma_start3A_563 : memref<64xi32, #tpu.memory_space<vmem>>) semaphore(%arg16 : memref<!tpu.dma_semaphore, #tpu.memory_space<semaphore_mem>>)
    } else {
    }
    %add3A_536 = arith.constant 1 : i32
    %add3A_537 = arith.addi %div3A_518, %add3A_536 : i32
    %add3A_538 = arith.constant 3 : i32
    %add3A_539 = arith.addi %add3A_537, %add3A_538 : i32
    %div3A_540 = arith.constant 4 : i32
    %div3A_541 = arith.divsi %add3A_539, %div3A_540 : i32
    %while3A = arith.constant 0 : i32
    %while3A_542 = arith.constant 0 : i32
    %while3A_543 = arith.subi %div3A_541, %while3A : i32
    %while3A_544 = arith.addi %while3A, %while3A_543 : i32
    %while3A_545 = arith.constant 1 : i32
    %while3A_546 = arith.divsi %while3A_543, %while3A_545 : i32
    %while3A_547 = arith.muli %while3A_546, %while3A_545 : i32
    %while3A_548 = arith.addi %while3A, %while3A_547 : i32
    %while3A_549 = arith.constant 1 : i32
    %while3A_550 = scf.for %while3A_558 = %while3A to %while3A_548 step %while3A_549 iter_args(%while3A_559 = %while3A_542) -> (i32)  : i32 {
      %mul3A_560 = arith.constant 4 : i32
      %mul3A_561 = arith.muli %while3A_558, %mul3A_560 : i32
      %add3A_562 = arith.constant 0 : i32
      %add3A_563 = arith.addi %mul3A_561, %add3A_562 : i32
      %lt3A = arith.cmpi slt, %add3A_563, %div3A_518 : i32
      %convert_element_type3A_564 = arith.extui %lt3A : i1 to i32
      %cond3A_565 = arith.constant 0 : i32
      %cond3A_566 = arith.cmpi ne, %convert_element_type3A_564, %cond3A_565 : i32
      scf.if %cond3A_566 {
        %mul3A_669 = arith.constant 64 : i32
        %mul3A_670 = arith.muli %add3A_563, %mul3A_669 : i32
        %dma_wait3A = arith.constant 0 : i32
        %dma_wait3A_671 = arith.constant 0 : i32
        %dma_wait3A_672 = arith.constant 0 : i32
        %dma_wait3A_673 = tpu.memref_slice %arg9[%dma_wait3A, %dma_wait3A_671, %dma_wait3A_672] : memref<4x64x128xf32, #tpu.memory_space<vmem>> -> memref<1x64x128xf32, #tpu.memory_space<vmem>>
        %dma_wait3A_674 = tpu.memref_squeeze %dma_wait3A_673 : memref<1x64x128xf32, #tpu.memory_space<vmem>> -> memref<64x128xf32, #tpu.memory_space<vmem>>
        %dma_wait3A_675 = tpu.memref_slice %arg7[%mul3A_670] : memref<20480xi32, #tpu.memory_space<vmem>> -> memref<64xi32, #tpu.memory_space<vmem>>
        %dma_wait3A_676 = arith.constant 0 : i32
        %dma_wait3A_677 = arith.constant 0 : i32
        %dma_wait3A_678 = tpu.memref_slice %arg2[%dma_wait3A_676, %dma_wait3A_677] : memref<10000x128xf32, #tpu.memory_space<hbm>> -> memref<10000x128xf32, #tpu.memory_space<hbm>>
        tpu.wait_indirect_dma semaphore(%arg13 : memref<!tpu.dma_semaphore, #tpu.memory_space<semaphore_mem>>) src(%dma_wait3A_678 : memref<10000x128xf32, #tpu.memory_space<hbm>>) dst(%dma_wait3A_674 : memref<64x128xf32, #tpu.memory_space<vmem>>)
        %mul3A_679 = arith.constant 64 : i32
        %mul3A_680 = arith.muli %add3A_563, %mul3A_679 : i32
        %add3A_681 = arith.constant 0 : i32
        %add3A_682 = arith.addi %mul3A_680, %add3A_681 : i32
        %get3A = arith.index_cast %add3A_682 : i32 to index
        %get3A_683 = tpu.vector_load %arg8[%get3A] {strides = array<i32>} : memref<20480xi32, #tpu.memory_space<vmem>>, vector<16xi32>,
        %swap3A_684 = arith.constant 0 : i32
        %swap3A_685 = arith.index_cast %swap3A_684 : i32 to index
        %swap3A_686 = arith.constant 0 : index
        %swap3A_687 = tpu.vector_load %arg10[%swap3A_685, %swap3A_686] {strides = array<i32>} : memref<4x64xi32, #tpu.memory_space<vmem>>, vector<16xi32>,
        tpu.vector_store %arg10[%swap3A_685, %swap3A_686], %get3A_683 {strides = array<i32>} : memref<4x64xi32, #tpu.memory_space<vmem>>, vector<16xi32>,
        %mul3A_688 = arith.constant 64 : i32
        %mul3A_689 = arith.muli %add3A_563, %mul3A_688 : i32
        %add3A_690 = arith.constant 16 : i32
        %add3A_691 = arith.addi %mul3A_689, %add3A_690 : i32
        %get3A_692 = arith.index_cast %add3A_691 : i32 to index
        %get3A_693 = tpu.vector_load %arg8[%get3A_692] {strides = array<i32>} : memref<20480xi32, #tpu.memory_space<vmem>>, vector<16xi32>,
        %swap3A_694 = arith.constant 0 : i32
        %swap3A_695 = arith.index_cast %swap3A_694 : i32 to index
        %swap3A_696 = arith.constant 16 : index
        %swap3A_697 = tpu.vector_load %arg10[%swap3A_695, %swap3A_696] {strides = array<i32>} : memref<4x64xi32, #tpu.memory_space<vmem>>, vector<16xi32>,
        tpu.vector_store %arg10[%swap3A_695, %swap3A_696], %get3A_693 {strides = array<i32>} : memref<4x64xi32, #tpu.memory_space<vmem>>, vector<16xi32>,
        %mul3A_698 = arith.constant 64 : i32
        %mul3A_699 = arith.muli %add3A_563, %mul3A_698 : i32
        %add3A_700 = arith.constant 32 : i32
        %add3A_701 = arith.addi %mul3A_699, %add3A_700 : i32
        %get3A_702 = arith.index_cast %add3A_701 : i32 to index
        %get3A_703 = tpu.vector_load %arg8[%get3A_702] {strides = array<i32>} : memref<20480xi32, #tpu.memory_space<vmem>>, vector<16xi32>,
        %swap3A_704 = arith.constant 0 : i32
        %swap3A_705 = arith.index_cast %swap3A_704 : i32 to index
        %swap3A_706 = arith.constant 32 : index
        %swap3A_707 = tpu.vector_load %arg10[%swap3A_705, %swap3A_706] {strides = array<i32>} : memref<4x64xi32, #tpu.memory_space<vmem>>, vector<16xi32>,
        tpu.vector_store %arg10[%swap3A_705, %swap3A_706], %get3A_703 {strides = array<i32>} : memref<4x64xi32, #tpu.memory_space<vmem>>, vector<16xi32>,
        %mul3A_708 = arith.constant 64 : i32
        %mul3A_709 = arith.muli %add3A_563, %mul3A_708 : i32
        %add3A_710 = arith.constant 48 : i32
        %add3A_711 = arith.addi %mul3A_709, %add3A_710 : i32
        %get3A_712 = arith.index_cast %add3A_711 : i32 to index
        %get3A_713 = tpu.vector_load %arg8[%get3A_712] {strides = array<i32>} : memref<20480xi32, #tpu.memory_space<vmem>>, vector<16xi32>,
        %swap3A_714 = arith.constant 0 : i32
        %swap3A_715 = arith.index_cast %swap3A_714 : i32 to index
        %swap3A_716 = arith.constant 48 : index
        %swap3A_717 = tpu.vector_load %arg10[%swap3A_715, %swap3A_716] {strides = array<i32>} : memref<4x64xi32, #tpu.memory_space<vmem>>, vector<16xi32>,
        tpu.vector_store %arg10[%swap3A_715, %swap3A_716], %get3A_713 {strides = array<i32>} : memref<4x64xi32, #tpu.memory_space<vmem>>, vector<16xi32>,
        %dma_start3A = arith.constant 0 : i32
        %dma_start3A_718 = arith.constant 0 : i32
        %dma_start3A_719 = arith.constant 0 : i32
        %dma_start3A_720 = arith.constant 0 : i32
        %dma_start3A_721 = tpu.memref_slice %arg9[%dma_start3A, %dma_start3A_719, %dma_start3A_720] : memref<4x64x128xf32, #tpu.memory_space<vmem>> -> memref<1x64x128xf32, #tpu.memory_space<vmem>>
        %dma_start3A_722 = tpu.memref_squeeze %dma_start3A_721 : memref<1x64x128xf32, #tpu.memory_space<vmem>> -> memref<64x128xf32, #tpu.memory_space<vmem>>
        %dma_start3A_723 = arith.constant 0 : i32
        %dma_start3A_724 = tpu.memref_slice %arg10[%dma_start3A_718, %dma_start3A_723] : memref<4x64xi32, #tpu.memory_space<vmem>> -> memref<1x64xi32, #tpu.memory_space<vmem>>
        %dma_start3A_725 = tpu.memref_squeeze %dma_start3A_724 : memref<1x64xi32, #tpu.memory_space<vmem>> -> memref<64xi32, #tpu.memory_space<vmem>>
        %dma_start3A_726 = arith.constant 0 : i32
        %dma_start3A_727 = arith.constant 0 : i32
        %dma_start3A_728 = tpu.memref_slice %arg12[%dma_start3A_726, %dma_start3A_727] : memref<5120x128xf32, #tpu.memory_space<vmem_shared>> -> memref<5120x128xf32, #tpu.memory_space<vmem_shared>>
        tpu.enqueue_indirect_dma source(%dma_start3A_722 : memref<64x128xf32, #tpu.memory_space<vmem>>) target(%dma_start3A_728 : memref<5120x128xf32, #tpu.memory_space<vmem_shared>>) offsets(%dma_start3A_725 : memref<64xi32, #tpu.memory_space<vmem>>) semaphore(%arg17 : memref<!tpu.dma_semaphore, #tpu.memory_space<semaphore_mem>>) {add = true}
      } else {
      }
      %ge3A = arith.constant 1 : i32
      %ge3A_567 = arith.cmpi sge, %add3A_563, %ge3A : i32
      %sub3A = arith.constant 1 : i32
      %sub3A_568 = arith.subi %add3A_563, %sub3A : i32
      %lt3A_569 = arith.cmpi slt, %sub3A_568, %div3A_518 : i32
      %and3A = arith.andi %ge3A_567, %lt3A_569 : i1
      %convert_element_type3A_570 = arith.extui %and3A : i1 to i32
      %cond3A_571 = arith.constant 0 : i32
      %cond3A_572 = arith.cmpi ne, %convert_element_type3A_570, %cond3A_571 : i32
      scf.if %cond3A_572 {
        %sub3A_669 = arith.constant 1 : i32
        %sub3A_670 = arith.subi %add3A_563, %sub3A_669 : i32
        %dma_wait3A = arith.constant 3 : i32
        %dma_wait3A_671 = arith.constant 3 : i32
        %dma_wait3A_672 = arith.constant 0 : i32
        %dma_wait3A_673 = arith.constant 0 : i32
        %dma_wait3A_674 = tpu.memref_slice %arg9[%dma_wait3A, %dma_wait3A_672, %dma_wait3A_673] : memref<4x64x128xf32, #tpu.memory_space<vmem>> -> memref<1x64x128xf32, #tpu.memory_space<vmem>>
        %dma_wait3A_675 = tpu.memref_squeeze %dma_wait3A_674 : memref<1x64x128xf32, #tpu.memory_space<vmem>> -> memref<64x128xf32, #tpu.memory_space<vmem>>
        %dma_wait3A_676 = arith.constant 0 : i32
        %dma_wait3A_677 = tpu.memref_slice %arg10[%dma_wait3A_671, %dma_wait3A_676] : memref<4x64xi32, #tpu.memory_space<vmem>> -> memref<1x64xi32, #tpu.memory_space<vmem>>
        %dma_wait3A_678 = tpu.memref_squeeze %dma_wait3A_677 : memref<1x64xi32, #tpu.memory_space<vmem>> -> memref<64xi32, #tpu.memory_space<vmem>>
        %dma_wait3A_679 = arith.constant 0 : i32
        %dma_wait3A_680 = arith.constant 0 : i32
        %dma_wait3A_681 = tpu.memref_slice %arg12[%dma_wait3A_679, %dma_wait3A_680] : memref<5120x128xf32, #tpu.memory_space<vmem_shared>> -> memref<5120x128xf32, #tpu.memory_space<vmem_shared>>
        tpu.wait_indirect_dma semaphore(%arg20 : memref<!tpu.dma_semaphore, #tpu.memory_space<semaphore_mem>>) src(%dma_wait3A_675 : memref<64x128xf32, #tpu.memory_space<vmem>>) dst(%dma_wait3A_681 : memref<5120x128xf32, #tpu.memory_space<vmem_shared>>)
      } else {
      }
      %ge3A_573 = arith.constant 1 : i32
      %ge3A_574 = arith.cmpi sge, %add3A_563, %ge3A_573 : i32
      %sub3A_575 = arith.constant 1 : i32
      %sub3A_576 = arith.subi %add3A_563, %sub3A_575 : i32
      %add3A_577 = arith.constant 4 : i32
      %add3A_578 = arith.addi %sub3A_576, %add3A_577 : i32
      %lt3A_579 = arith.cmpi slt, %add3A_578, %div3A_518 : i32
      %and3A_580 = arith.andi %ge3A_574, %lt3A_579 : i1
      %convert_element_type3A_581 = arith.extui %and3A_580 : i1 to i32
      %cond3A_582 = arith.constant 0 : i32
      %cond3A_583 = arith.cmpi ne, %convert_element_type3A_581, %cond3A_582 : i32
      scf.if %cond3A_583 {
        %sub3A_669 = arith.constant 1 : i32
        %sub3A_670 = arith.subi %add3A_563, %sub3A_669 : i32
        %add3A_671 = arith.constant 4 : i32
        %add3A_672 = arith.addi %sub3A_670, %add3A_671 : i32
        %mul3A_673 = arith.constant 64 : i32
        %mul3A_674 = arith.muli %add3A_672, %mul3A_673 : i32
        %dma_start3A = arith.constant 3 : i32
        %dma_start3A_675 = arith.constant 0 : i32
        %dma_start3A_676 = arith.constant 0 : i32
        %dma_start3A_677 = tpu.memref_slice %arg9[%dma_start3A, %dma_start3A_675, %dma_start3A_676] : memref<4x64x128xf32, #tpu.memory_space<vmem>> -> memref<1x64x128xf32, #tpu.memory_space<vmem>>
        %dma_start3A_678 = tpu.memref_squeeze %dma_start3A_677 : memref<1x64x128xf32, #tpu.memory_space<vmem>> -> memref<64x128xf32, #tpu.memory_space<vmem>>
        %dma_start3A_679 = tpu.memref_slice %arg7[%mul3A_674] : memref<20480xi32, #tpu.memory_space<vmem>> -> memref<64xi32, #tpu.memory_space<vmem>>
        %dma_start3A_680 = arith.constant 0 : i32
        %dma_start3A_681 = arith.constant 0 : i32
        %dma_start3A_682 = tpu.memref_slice %arg2[%dma_start3A_680, %dma_start3A_681] : memref<10000x128xf32, #tpu.memory_space<hbm>> -> memref<10000x128xf32, #tpu.memory_space<hbm>>
        tpu.enqueue_indirect_dma source(%dma_start3A_682 : memref<10000x128xf32, #tpu.memory_space<hbm>>) target(%dma_start3A_678 : memref<64x128xf32, #tpu.memory_space<vmem>>) offsets(%dma_start3A_679 : memref<64xi32, #tpu.memory_space<vmem>>) semaphore(%arg16 : memref<!tpu.dma_semaphore, #tpu.memory_space<semaphore_mem>>)
      } else {
      }
      %mul3A_584 = arith.constant 4 : i32
      %mul3A_585 = arith.muli %while3A_558, %mul3A_584 : i32
      %add3A_586 = arith.constant 1 : i32
      %add3A_587 = arith.addi %mul3A_585, %add3A_586 : i32
      %lt3A_588 = arith.cmpi slt, %add3A_587, %div3A_518 : i32
      %convert_element_type3A_589 = arith.extui %lt3A_588 : i1 to i32
      %cond3A_590 = arith.constant 0 : i32
      %cond3A_591 = arith.cmpi ne, %convert_element_type3A_589, %cond3A_590 : i32
      scf.if %cond3A_591 {
        %mul3A_669 = arith.constant 64 : i32
        %mul3A_670 = arith.muli %add3A_587, %mul3A_669 : i32
        %dma_wait3A = arith.constant 1 : i32
        %dma_wait3A_671 = arith.constant 0 : i32
        %dma_wait3A_672 = arith.constant 0 : i32
        %dma_wait3A_673 = tpu.memref_slice %arg9[%dma_wait3A, %dma_wait3A_671, %dma_wait3A_672] : memref<4x64x128xf32, #tpu.memory_space<vmem>> -> memref<1x64x128xf32, #tpu.memory_space<vmem>>
        %dma_wait3A_674 = tpu.memref_squeeze %dma_wait3A_673 : memref<1x64x128xf32, #tpu.memory_space<vmem>> -> memref<64x128xf32, #tpu.memory_space<vmem>>
        %dma_wait3A_675 = tpu.memref_slice %arg7[%mul3A_670] : memref<20480xi32, #tpu.memory_space<vmem>> -> memref<64xi32, #tpu.memory_space<vmem>>
        %dma_wait3A_676 = arith.constant 0 : i32
        %dma_wait3A_677 = arith.constant 0 : i32
        %dma_wait3A_678 = tpu.memref_slice %arg2[%dma_wait3A_676, %dma_wait3A_677] : memref<10000x128xf32, #tpu.memory_space<hbm>> -> memref<10000x128xf32, #tpu.memory_space<hbm>>
        tpu.wait_indirect_dma semaphore(%arg14 : memref<!tpu.dma_semaphore, #tpu.memory_space<semaphore_mem>>) src(%dma_wait3A_678 : memref<10000x128xf32, #tpu.memory_space<hbm>>) dst(%dma_wait3A_674 : memref<64x128xf32, #tpu.memory_space<vmem>>)
        %mul3A_679 = arith.constant 64 : i32
        %mul3A_680 = arith.muli %add3A_587, %mul3A_679 : i32
        %add3A_681 = arith.constant 0 : i32
        %add3A_682 = arith.addi %mul3A_680, %add3A_681 : i32
        %get3A = arith.index_cast %add3A_682 : i32 to index
        %get3A_683 = tpu.vector_load %arg8[%get3A] {strides = array<i32>} : memref<20480xi32, #tpu.memory_space<vmem>>, vector<16xi32>,
        %swap3A_684 = arith.constant 1 : i32
        %swap3A_685 = arith.index_cast %swap3A_684 : i32 to index
        %swap3A_686 = arith.constant 0 : index
        %swap3A_687 = tpu.vector_load %arg10[%swap3A_685, %swap3A_686] {strides = array<i32>} : memref<4x64xi32, #tpu.memory_space<vmem>>, vector<16xi32>,
        tpu.vector_store %arg10[%swap3A_685, %swap3A_686], %get3A_683 {strides = array<i32>} : memref<4x64xi32, #tpu.memory_space<vmem>>, vector<16xi32>,
        %mul3A_688 = arith.constant 64 : i32
        %mul3A_689 = arith.muli %add3A_587, %mul3A_688 : i32
        %add3A_690 = arith.constant 16 : i32
        %add3A_691 = arith.addi %mul3A_689, %add3A_690 : i32
        %get3A_692 = arith.index_cast %add3A_691 : i32 to index
        %get3A_693 = tpu.vector_load %arg8[%get3A_692] {strides = array<i32>} : memref<20480xi32, #tpu.memory_space<vmem>>, vector<16xi32>,
        %swap3A_694 = arith.constant 1 : i32
        %swap3A_695 = arith.index_cast %swap3A_694 : i32 to index
        %swap3A_696 = arith.constant 16 : index
        %swap3A_697 = tpu.vector_load %arg10[%swap3A_695, %swap3A_696] {strides = array<i32>} : memref<4x64xi32, #tpu.memory_space<vmem>>, vector<16xi32>,
        tpu.vector_store %arg10[%swap3A_695, %swap3A_696], %get3A_693 {strides = array<i32>} : memref<4x64xi32, #tpu.memory_space<vmem>>, vector<16xi32>,
        %mul3A_698 = arith.constant 64 : i32
        %mul3A_699 = arith.muli %add3A_587, %mul3A_698 : i32
        %add3A_700 = arith.constant 32 : i32
        %add3A_701 = arith.addi %mul3A_699, %add3A_700 : i32
        %get3A_702 = arith.index_cast %add3A_701 : i32 to index
        %get3A_703 = tpu.vector_load %arg8[%get3A_702] {strides = array<i32>} : memref<20480xi32, #tpu.memory_space<vmem>>, vector<16xi32>,
        %swap3A_704 = arith.constant 1 : i32
        %swap3A_705 = arith.index_cast %swap3A_704 : i32 to index
        %swap3A_706 = arith.constant 32 : index
        %swap3A_707 = tpu.vector_load %arg10[%swap3A_705, %swap3A_706] {strides = array<i32>} : memref<4x64xi32, #tpu.memory_space<vmem>>, vector<16xi32>,
        tpu.vector_store %arg10[%swap3A_705, %swap3A_706], %get3A_703 {strides = array<i32>} : memref<4x64xi32, #tpu.memory_space<vmem>>, vector<16xi32>,
        %mul3A_708 = arith.constant 64 : i32
        %mul3A_709 = arith.muli %add3A_587, %mul3A_708 : i32
        %add3A_710 = arith.constant 48 : i32
        %add3A_711 = arith.addi %mul3A_709, %add3A_710 : i32
        %get3A_712 = arith.index_cast %add3A_711 : i32 to index
        %get3A_713 = tpu.vector_load %arg8[%get3A_712] {strides = array<i32>} : memref<20480xi32, #tpu.memory_space<vmem>>, vector<16xi32>,
        %swap3A_714 = arith.constant 1 : i32
        %swap3A_715 = arith.index_cast %swap3A_714 : i32 to index
        %swap3A_716 = arith.constant 48 : index
        %swap3A_717 = tpu.vector_load %arg10[%swap3A_715, %swap3A_716] {strides = array<i32>} : memref<4x64xi32, #tpu.memory_space<vmem>>, vector<16xi32>,
        tpu.vector_store %arg10[%swap3A_715, %swap3A_716], %get3A_713 {strides = array<i32>} : memref<4x64xi32, #tpu.memory_space<vmem>>, vector<16xi32>,
        %dma_start3A = arith.constant 1 : i32
        %dma_start3A_718 = arith.constant 1 : i32
        %dma_start3A_719 = arith.constant 0 : i32
        %dma_start3A_720 = arith.constant 0 : i32
        %dma_start3A_721 = tpu.memref_slice %arg9[%dma_start3A, %dma_start3A_719, %dma_start3A_720] : memref<4x64x128xf32, #tpu.memory_space<vmem>> -> memref<1x64x128xf32, #tpu.memory_space<vmem>>
        %dma_start3A_722 = tpu.memref_squeeze %dma_start3A_721 : memref<1x64x128xf32, #tpu.memory_space<vmem>> -> memref<64x128xf32, #tpu.memory_space<vmem>>
        %dma_start3A_723 = arith.constant 0 : i32
        %dma_start3A_724 = tpu.memref_slice %arg10[%dma_start3A_718, %dma_start3A_723] : memref<4x64xi32, #tpu.memory_space<vmem>> -> memref<1x64xi32, #tpu.memory_space<vmem>>
        %dma_start3A_725 = tpu.memref_squeeze %dma_start3A_724 : memref<1x64xi32, #tpu.memory_space<vmem>> -> memref<64xi32, #tpu.memory_space<vmem>>
        %dma_start3A_726 = arith.constant 0 : i32
        %dma_start3A_727 = arith.constant 0 : i32
        %dma_start3A_728 = tpu.memref_slice %arg12[%dma_start3A_726, %dma_start3A_727] : memref<5120x128xf32, #tpu.memory_space<vmem_shared>> -> memref<5120x128xf32, #tpu.memory_space<vmem_shared>>
        tpu.enqueue_indirect_dma source(%dma_start3A_722 : memref<64x128xf32, #tpu.memory_space<vmem>>) target(%dma_start3A_728 : memref<5120x128xf32, #tpu.memory_space<vmem_shared>>) offsets(%dma_start3A_725 : memref<64xi32, #tpu.memory_space<vmem>>) semaphore(%arg18 : memref<!tpu.dma_semaphore, #tpu.memory_space<semaphore_mem>>) {add = true}
      } else {
      }
      %ge3A_592 = arith.constant 1 : i32
      %ge3A_593 = arith.cmpi sge, %add3A_587, %ge3A_592 : i32
      %sub3A_594 = arith.constant 1 : i32
      %sub3A_595 = arith.subi %add3A_587, %sub3A_594 : i32
      %lt3A_596 = arith.cmpi slt, %sub3A_595, %div3A_518 : i32
      %and3A_597 = arith.andi %ge3A_593, %lt3A_596 : i1
      %convert_element_type3A_598 = arith.extui %and3A_597 : i1 to i32
      %cond3A_599 = arith.constant 0 : i32
      %cond3A_600 = arith.cmpi ne, %convert_element_type3A_598, %cond3A_599 : i32
      scf.if %cond3A_600 {
        %sub3A_669 = arith.constant 1 : i32
        %sub3A_670 = arith.subi %add3A_587, %sub3A_669 : i32
        %dma_wait3A = arith.constant 0 : i32
        %dma_wait3A_671 = arith.constant 0 : i32
        %dma_wait3A_672 = arith.constant 0 : i32
        %dma_wait3A_673 = arith.constant 0 : i32
        %dma_wait3A_674 = tpu.memref_slice %arg9[%dma_wait3A, %dma_wait3A_672, %dma_wait3A_673] : memref<4x64x128xf32, #tpu.memory_space<vmem>> -> memref<1x64x128xf32, #tpu.memory_space<vmem>>
        %dma_wait3A_675 = tpu.memref_squeeze %dma_wait3A_674 : memref<1x64x128xf32, #tpu.memory_space<vmem>> -> memref<64x128xf32, #tpu.memory_space<vmem>>
        %dma_wait3A_676 = arith.constant 0 : i32
        %dma_wait3A_677 = tpu.memref_slice %arg10[%dma_wait3A_671, %dma_wait3A_676] : memref<4x64xi32, #tpu.memory_space<vmem>> -> memref<1x64xi32, #tpu.memory_space<vmem>>
        %dma_wait3A_678 = tpu.memref_squeeze %dma_wait3A_677 : memref<1x64xi32, #tpu.memory_space<vmem>> -> memref<64xi32, #tpu.memory_space<vmem>>
        %dma_wait3A_679 = arith.constant 0 : i32
        %dma_wait3A_680 = arith.constant 0 : i32
        %dma_wait3A_681 = tpu.memref_slice %arg12[%dma_wait3A_679, %dma_wait3A_680] : memref<5120x128xf32, #tpu.memory_space<vmem_shared>> -> memref<5120x128xf32, #tpu.memory_space<vmem_shared>>
        tpu.wait_indirect_dma semaphore(%arg17 : memref<!tpu.dma_semaphore, #tpu.memory_space<semaphore_mem>>) src(%dma_wait3A_675 : memref<64x128xf32, #tpu.memory_space<vmem>>) dst(%dma_wait3A_681 : memref<5120x128xf32, #tpu.memory_space<vmem_shared>>)
      } else {
      }
      %ge3A_601 = arith.constant 1 : i32
      %ge3A_602 = arith.cmpi sge, %add3A_587, %ge3A_601 : i32
      %sub3A_603 = arith.constant 1 : i32
      %sub3A_604 = arith.subi %add3A_587, %sub3A_603 : i32
      %add3A_605 = arith.constant 4 : i32
      %add3A_606 = arith.addi %sub3A_604, %add3A_605 : i32
      %lt3A_607 = arith.cmpi slt, %add3A_606, %div3A_518 : i32
      %and3A_608 = arith.andi %ge3A_602, %lt3A_607 : i1
      %convert_element_type3A_609 = arith.extui %and3A_608 : i1 to i32
      %cond3A_610 = arith.constant 0 : i32
      %cond3A_611 = arith.cmpi ne, %convert_element_type3A_609, %cond3A_610 : i32
      scf.if %cond3A_611 {
        %sub3A_669 = arith.constant 1 : i32
        %sub3A_670 = arith.subi %add3A_587, %sub3A_669 : i32
        %add3A_671 = arith.constant 4 : i32
        %add3A_672 = arith.addi %sub3A_670, %add3A_671 : i32
        %mul3A_673 = arith.constant 64 : i32
        %mul3A_674 = arith.muli %add3A_672, %mul3A_673 : i32
        %dma_start3A = arith.constant 0 : i32
        %dma_start3A_675 = arith.constant 0 : i32
        %dma_start3A_676 = arith.constant 0 : i32
        %dma_start3A_677 = tpu.memref_slice %arg9[%dma_start3A, %dma_start3A_675, %dma_start3A_676] : memref<4x64x128xf32, #tpu.memory_space<vmem>> -> memref<1x64x128xf32, #tpu.memory_space<vmem>>
        %dma_start3A_678 = tpu.memref_squeeze %dma_start3A_677 : memref<1x64x128xf32, #tpu.memory_space<vmem>> -> memref<64x128xf32, #tpu.memory_space<vmem>>
        %dma_start3A_679 = tpu.memref_slice %arg7[%mul3A_674] : memref<20480xi32, #tpu.memory_space<vmem>> -> memref<64xi32, #tpu.memory_space<vmem>>
        %dma_start3A_680 = arith.constant 0 : i32
        %dma_start3A_681 = arith.constant 0 : i32
        %dma_start3A_682 = tpu.memref_slice %arg2[%dma_start3A_680, %dma_start3A_681] : memref<10000x128xf32, #tpu.memory_space<hbm>> -> memref<10000x128xf32, #tpu.memory_space<hbm>>
        tpu.enqueue_indirect_dma source(%dma_start3A_682 : memref<10000x128xf32, #tpu.memory_space<hbm>>) target(%dma_start3A_678 : memref<64x128xf32, #tpu.memory_space<vmem>>) offsets(%dma_start3A_679 : memref<64xi32, #tpu.memory_space<vmem>>) semaphore(%arg13 : memref<!tpu.dma_semaphore, #tpu.memory_space<semaphore_mem>>)
      } else {
      }
      %mul3A_612 = arith.constant 4 : i32
      %mul3A_613 = arith.muli %while3A_558, %mul3A_612 : i32
      %add3A_614 = arith.constant 2 : i32
      %add3A_615 = arith.addi %mul3A_613, %add3A_614 : i32
      %lt3A_616 = arith.cmpi slt, %add3A_615, %div3A_518 : i32
      %convert_element_type3A_617 = arith.extui %lt3A_616 : i1 to i32
      %cond3A_618 = arith.constant 0 : i32
      %cond3A_619 = arith.cmpi ne, %convert_element_type3A_617, %cond3A_618 : i32
      scf.if %cond3A_619 {
        %mul3A_669 = arith.constant 64 : i32
        %mul3A_670 = arith.muli %add3A_615, %mul3A_669 : i32
        %dma_wait3A = arith.constant 2 : i32
        %dma_wait3A_671 = arith.constant 0 : i32
        %dma_wait3A_672 = arith.constant 0 : i32
        %dma_wait3A_673 = tpu.memref_slice %arg9[%dma_wait3A, %dma_wait3A_671, %dma_wait3A_672] : memref<4x64x128xf32, #tpu.memory_space<vmem>> -> memref<1x64x128xf32, #tpu.memory_space<vmem>>
        %dma_wait3A_674 = tpu.memref_squeeze %dma_wait3A_673 : memref<1x64x128xf32, #tpu.memory_space<vmem>> -> memref<64x128xf32, #tpu.memory_space<vmem>>
        %dma_wait3A_675 = tpu.memref_slice %arg7[%mul3A_670] : memref<20480xi32, #tpu.memory_space<vmem>> -> memref<64xi32, #tpu.memory_space<vmem>>
        %dma_wait3A_676 = arith.constant 0 : i32
        %dma_wait3A_677 = arith.constant 0 : i32
        %dma_wait3A_678 = tpu.memref_slice %arg2[%dma_wait3A_676, %dma_wait3A_677] : memref<10000x128xf32, #tpu.memory_space<hbm>> -> memref<10000x128xf32, #tpu.memory_space<hbm>>
        tpu.wait_indirect_dma semaphore(%arg15 : memref<!tpu.dma_semaphore, #tpu.memory_space<semaphore_mem>>) src(%dma_wait3A_678 : memref<10000x128xf32, #tpu.memory_space<hbm>>) dst(%dma_wait3A_674 : memref<64x128xf32, #tpu.memory_space<vmem>>)
        %mul3A_679 = arith.constant 64 : i32
        %mul3A_680 = arith.muli %add3A_615, %mul3A_679 : i32
        %add3A_681 = arith.constant 0 : i32
        %add3A_682 = arith.addi %mul3A_680, %add3A_681 : i32
        %get3A = arith.index_cast %add3A_682 : i32 to index
        %get3A_683 = tpu.vector_load %arg8[%get3A] {strides = array<i32>} : memref<20480xi32, #tpu.memory_space<vmem>>, vector<16xi32>,
        %swap3A_684 = arith.constant 2 : i32
        %swap3A_685 = arith.index_cast %swap3A_684 : i32 to index
        %swap3A_686 = arith.constant 0 : index
        %swap3A_687 = tpu.vector_load %arg10[%swap3A_685, %swap3A_686] {strides = array<i32>} : memref<4x64xi32, #tpu.memory_space<vmem>>, vector<16xi32>,
        tpu.vector_store %arg10[%swap3A_685, %swap3A_686], %get3A_683 {strides = array<i32>} : memref<4x64xi32, #tpu.memory_space<vmem>>, vector<16xi32>,
        %mul3A_688 = arith.constant 64 : i32
        %mul3A_689 = arith.muli %add3A_615, %mul3A_688 : i32
        %add3A_690 = arith.constant 16 : i32
        %add3A_691 = arith.addi %mul3A_689, %add3A_690 : i32
        %get3A_692 = arith.index_cast %add3A_691 : i32 to index
        %get3A_693 = tpu.vector_load %arg8[%get3A_692] {strides = array<i32>} : memref<20480xi32, #tpu.memory_space<vmem>>, vector<16xi32>,
        %swap3A_694 = arith.constant 2 : i32
        %swap3A_695 = arith.index_cast %swap3A_694 : i32 to index
        %swap3A_696 = arith.constant 16 : index
        %swap3A_697 = tpu.vector_load %arg10[%swap3A_695, %swap3A_696] {strides = array<i32>} : memref<4x64xi32, #tpu.memory_space<vmem>>, vector<16xi32>,
        tpu.vector_store %arg10[%swap3A_695, %swap3A_696], %get3A_693 {strides = array<i32>} : memref<4x64xi32, #tpu.memory_space<vmem>>, vector<16xi32>,
        %mul3A_698 = arith.constant 64 : i32
        %mul3A_699 = arith.muli %add3A_615, %mul3A_698 : i32
        %add3A_700 = arith.constant 32 : i32
        %add3A_701 = arith.addi %mul3A_699, %add3A_700 : i32
        %get3A_702 = arith.index_cast %add3A_701 : i32 to index
        %get3A_703 = tpu.vector_load %arg8[%get3A_702] {strides = array<i32>} : memref<20480xi32, #tpu.memory_space<vmem>>, vector<16xi32>,
        %swap3A_704 = arith.constant 2 : i32
        %swap3A_705 = arith.index_cast %swap3A_704 : i32 to index
        %swap3A_706 = arith.constant 32 : index
        %swap3A_707 = tpu.vector_load %arg10[%swap3A_705, %swap3A_706] {strides = array<i32>} : memref<4x64xi32, #tpu.memory_space<vmem>>, vector<16xi32>,
        tpu.vector_store %arg10[%swap3A_705, %swap3A_706], %get3A_703 {strides = array<i32>} : memref<4x64xi32, #tpu.memory_space<vmem>>, vector<16xi32>,
        %mul3A_708 = arith.constant 64 : i32
        %mul3A_709 = arith.muli %add3A_615, %mul3A_708 : i32
        %add3A_710 = arith.constant 48 : i32
        %add3A_711 = arith.addi %mul3A_709, %add3A_710 : i32
        %get3A_712 = arith.index_cast %add3A_711 : i32 to index
        %get3A_713 = tpu.vector_load %arg8[%get3A_712] {strides = array<i32>} : memref<20480xi32, #tpu.memory_space<vmem>>, vector<16xi32>,
        %swap3A_714 = arith.constant 2 : i32
        %swap3A_715 = arith.index_cast %swap3A_714 : i32 to index
        %swap3A_716 = arith.constant 48 : index
        %swap3A_717 = tpu.vector_load %arg10[%swap3A_715, %swap3A_716] {strides = array<i32>} : memref<4x64xi32, #tpu.memory_space<vmem>>, vector<16xi32>,
        tpu.vector_store %arg10[%swap3A_715, %swap3A_716], %get3A_713 {strides = array<i32>} : memref<4x64xi32, #tpu.memory_space<vmem>>, vector<16xi32>,
        %dma_start3A = arith.constant 2 : i32
        %dma_start3A_718 = arith.constant 2 : i32
        %dma_start3A_719 = arith.constant 0 : i32
        %dma_start3A_720 = arith.constant 0 : i32
        %dma_start3A_721 = tpu.memref_slice %arg9[%dma_start3A, %dma_start3A_719, %dma_start3A_720] : memref<4x64x128xf32, #tpu.memory_space<vmem>> -> memref<1x64x128xf32, #tpu.memory_space<vmem>>
        %dma_start3A_722 = tpu.memref_squeeze %dma_start3A_721 : memref<1x64x128xf32, #tpu.memory_space<vmem>> -> memref<64x128xf32, #tpu.memory_space<vmem>>
        %dma_start3A_723 = arith.constant 0 : i32
        %dma_start3A_724 = tpu.memref_slice %arg10[%dma_start3A_718, %dma_start3A_723] : memref<4x64xi32, #tpu.memory_space<vmem>> -> memref<1x64xi32, #tpu.memory_space<vmem>>
        %dma_start3A_725 = tpu.memref_squeeze %dma_start3A_724 : memref<1x64xi32, #tpu.memory_space<vmem>> -> memref<64xi32, #tpu.memory_space<vmem>>
        %dma_start3A_726 = arith.constant 0 : i32
        %dma_start3A_727 = arith.constant 0 : i32
        %dma_start3A_728 = tpu.memref_slice %arg12[%dma_start3A_726, %dma_start3A_727] : memref<5120x128xf32, #tpu.memory_space<vmem_shared>> -> memref<5120x128xf32, #tpu.memory_space<vmem_shared>>
        tpu.enqueue_indirect_dma source(%dma_start3A_722 : memref<64x128xf32, #tpu.memory_space<vmem>>) target(%dma_start3A_728 : memref<5120x128xf32, #tpu.memory_space<vmem_shared>>) offsets(%dma_start3A_725 : memref<64xi32, #tpu.memory_space<vmem>>) semaphore(%arg19 : memref<!tpu.dma_semaphore, #tpu.memory_space<semaphore_mem>>) {add = true}
      } else {
      }
      %ge3A_620 = arith.constant 1 : i32
      %ge3A_621 = arith.cmpi sge, %add3A_615, %ge3A_620 : i32
      %sub3A_622 = arith.constant 1 : i32
      %sub3A_623 = arith.subi %add3A_615, %sub3A_622 : i32
      %lt3A_624 = arith.cmpi slt, %sub3A_623, %div3A_518 : i32
      %and3A_625 = arith.andi %ge3A_621, %lt3A_624 : i1
      %convert_element_type3A_626 = arith.extui %and3A_625 : i1 to i32
      %cond3A_627 = arith.constant 0 : i32
      %cond3A_628 = arith.cmpi ne, %convert_element_type3A_626, %cond3A_627 : i32
      scf.if %cond3A_628 {
        %sub3A_669 = arith.constant 1 : i32
        %sub3A_670 = arith.subi %add3A_615, %sub3A_669 : i32
        %dma_wait3A = arith.constant 1 : i32
        %dma_wait3A_671 = arith.constant 1 : i32
        %dma_wait3A_672 = arith.constant 0 : i32
        %dma_wait3A_673 = arith.constant 0 : i32
        %dma_wait3A_674 = tpu.memref_slice %arg9[%dma_wait3A, %dma_wait3A_672, %dma_wait3A_673] : memref<4x64x128xf32, #tpu.memory_space<vmem>> -> memref<1x64x128xf32, #tpu.memory_space<vmem>>
        %dma_wait3A_675 = tpu.memref_squeeze %dma_wait3A_674 : memref<1x64x128xf32, #tpu.memory_space<vmem>> -> memref<64x128xf32, #tpu.memory_space<vmem>>
        %dma_wait3A_676 = arith.constant 0 : i32
        %dma_wait3A_677 = tpu.memref_slice %arg10[%dma_wait3A_671, %dma_wait3A_676] : memref<4x64xi32, #tpu.memory_space<vmem>> -> memref<1x64xi32, #tpu.memory_space<vmem>>
        %dma_wait3A_678 = tpu.memref_squeeze %dma_wait3A_677 : memref<1x64xi32, #tpu.memory_space<vmem>> -> memref<64xi32, #tpu.memory_space<vmem>>
        %dma_wait3A_679 = arith.constant 0 : i32
        %dma_wait3A_680 = arith.constant 0 : i32
        %dma_wait3A_681 = tpu.memref_slice %arg12[%dma_wait3A_679, %dma_wait3A_680] : memref<5120x128xf32, #tpu.memory_space<vmem_shared>> -> memref<5120x128xf32, #tpu.memory_space<vmem_shared>>
        tpu.wait_indirect_dma semaphore(%arg18 : memref<!tpu.dma_semaphore, #tpu.memory_space<semaphore_mem>>) src(%dma_wait3A_675 : memref<64x128xf32, #tpu.memory_space<vmem>>) dst(%dma_wait3A_681 : memref<5120x128xf32, #tpu.memory_space<vmem_shared>>)
      } else {
      }
      %ge3A_629 = arith.constant 1 : i32
      %ge3A_630 = arith.cmpi sge, %add3A_615, %ge3A_629 : i32
      %sub3A_631 = arith.constant 1 : i32
      %sub3A_632 = arith.subi %add3A_615, %sub3A_631 : i32
      %add3A_633 = arith.constant 4 : i32
      %add3A_634 = arith.addi %sub3A_632, %add3A_633 : i32
      %lt3A_635 = arith.cmpi slt, %add3A_634, %div3A_518 : i32
      %and3A_636 = arith.andi %ge3A_630, %lt3A_635 : i1
      %convert_element_type3A_637 = arith.extui %and3A_636 : i1 to i32
      %cond3A_638 = arith.constant 0 : i32
      %cond3A_639 = arith.cmpi ne, %convert_element_type3A_637, %cond3A_638 : i32
      scf.if %cond3A_639 {
        %sub3A_669 = arith.constant 1 : i32
        %sub3A_670 = arith.subi %add3A_615, %sub3A_669 : i32
        %add3A_671 = arith.constant 4 : i32
        %add3A_672 = arith.addi %sub3A_670, %add3A_671 : i32
        %mul3A_673 = arith.constant 64 : i32
        %mul3A_674 = arith.muli %add3A_672, %mul3A_673 : i32
        %dma_start3A = arith.constant 1 : i32
        %dma_start3A_675 = arith.constant 0 : i32
        %dma_start3A_676 = arith.constant 0 : i32
        %dma_start3A_677 = tpu.memref_slice %arg9[%dma_start3A, %dma_start3A_675, %dma_start3A_676] : memref<4x64x128xf32, #tpu.memory_space<vmem>> -> memref<1x64x128xf32, #tpu.memory_space<vmem>>
        %dma_start3A_678 = tpu.memref_squeeze %dma_start3A_677 : memref<1x64x128xf32, #tpu.memory_space<vmem>> -> memref<64x128xf32, #tpu.memory_space<vmem>>
        %dma_start3A_679 = tpu.memref_slice %arg7[%mul3A_674] : memref<20480xi32, #tpu.memory_space<vmem>> -> memref<64xi32, #tpu.memory_space<vmem>>
        %dma_start3A_680 = arith.constant 0 : i32
        %dma_start3A_681 = arith.constant 0 : i32
        %dma_start3A_682 = tpu.memref_slice %arg2[%dma_start3A_680, %dma_start3A_681] : memref<10000x128xf32, #tpu.memory_space<hbm>> -> memref<10000x128xf32, #tpu.memory_space<hbm>>
        tpu.enqueue_indirect_dma source(%dma_start3A_682 : memref<10000x128xf32, #tpu.memory_space<hbm>>) target(%dma_start3A_678 : memref<64x128xf32, #tpu.memory_space<vmem>>) offsets(%dma_start3A_679 : memref<64xi32, #tpu.memory_space<vmem>>) semaphore(%arg14 : memref<!tpu.dma_semaphore, #tpu.memory_space<semaphore_mem>>)
      } else {
      }
      %mul3A_640 = arith.constant 4 : i32
      %mul3A_641 = arith.muli %while3A_558, %mul3A_640 : i32
      %add3A_642 = arith.constant 3 : i32
      %add3A_643 = arith.addi %mul3A_641, %add3A_642 : i32
      %lt3A_644 = arith.cmpi slt, %add3A_643, %div3A_518 : i32
      %convert_element_type3A_645 = arith.extui %lt3A_644 : i1 to i32
      %cond3A_646 = arith.constant 0 : i32
      %cond3A_647 = arith.cmpi ne, %convert_element_type3A_645, %cond3A_646 : i32
      scf.if %cond3A_647 {
        %mul3A_669 = arith.constant 64 : i32
        %mul3A_670 = arith.muli %add3A_643, %mul3A_669 : i32
        %dma_wait3A = arith.constant 3 : i32
        %dma_wait3A_671 = arith.constant 0 : i32
        %dma_wait3A_672 = arith.constant 0 : i32
        %dma_wait3A_673 = tpu.memref_slice %arg9[%dma_wait3A, %dma_wait3A_671, %dma_wait3A_672] : memref<4x64x128xf32, #tpu.memory_space<vmem>> -> memref<1x64x128xf32, #tpu.memory_space<vmem>>
        %dma_wait3A_674 = tpu.memref_squeeze %dma_wait3A_673 : memref<1x64x128xf32, #tpu.memory_space<vmem>> -> memref<64x128xf32, #tpu.memory_space<vmem>>
        %dma_wait3A_675 = tpu.memref_slice %arg7[%mul3A_670] : memref<20480xi32, #tpu.memory_space<vmem>> -> memref<64xi32, #tpu.memory_space<vmem>>
        %dma_wait3A_676 = arith.constant 0 : i32
        %dma_wait3A_677 = arith.constant 0 : i32
        %dma_wait3A_678 = tpu.memref_slice %arg2[%dma_wait3A_676, %dma_wait3A_677] : memref<10000x128xf32, #tpu.memory_space<hbm>> -> memref<10000x128xf32, #tpu.memory_space<hbm>>
        tpu.wait_indirect_dma semaphore(%arg16 : memref<!tpu.dma_semaphore, #tpu.memory_space<semaphore_mem>>) src(%dma_wait3A_678 : memref<10000x128xf32, #tpu.memory_space<hbm>>) dst(%dma_wait3A_674 : memref<64x128xf32, #tpu.memory_space<vmem>>)
        %mul3A_679 = arith.constant 64 : i32
        %mul3A_680 = arith.muli %add3A_643, %mul3A_679 : i32
        %add3A_681 = arith.constant 0 : i32
        %add3A_682 = arith.addi %mul3A_680, %add3A_681 : i32
        %get3A = arith.index_cast %add3A_682 : i32 to index
        %get3A_683 = tpu.vector_load %arg8[%get3A] {strides = array<i32>} : memref<20480xi32, #tpu.memory_space<vmem>>, vector<16xi32>,
        %swap3A_684 = arith.constant 3 : i32
        %swap3A_685 = arith.index_cast %swap3A_684 : i32 to index
        %swap3A_686 = arith.constant 0 : index
        %swap3A_687 = tpu.vector_load %arg10[%swap3A_685, %swap3A_686] {strides = array<i32>} : memref<4x64xi32, #tpu.memory_space<vmem>>, vector<16xi32>,
        tpu.vector_store %arg10[%swap3A_685, %swap3A_686], %get3A_683 {strides = array<i32>} : memref<4x64xi32, #tpu.memory_space<vmem>>, vector<16xi32>,
        %mul3A_688 = arith.constant 64 : i32
        %mul3A_689 = arith.muli %add3A_643, %mul3A_688 : i32
        %add3A_690 = arith.constant 16 : i32
        %add3A_691 = arith.addi %mul3A_689, %add3A_690 : i32
        %get3A_692 = arith.index_cast %add3A_691 : i32 to index
        %get3A_693 = tpu.vector_load %arg8[%get3A_692] {strides = array<i32>} : memref<20480xi32, #tpu.memory_space<vmem>>, vector<16xi32>,
        %swap3A_694 = arith.constant 3 : i32
        %swap3A_695 = arith.index_cast %swap3A_694 : i32 to index
        %swap3A_696 = arith.constant 16 : index
        %swap3A_697 = tpu.vector_load %arg10[%swap3A_695, %swap3A_696] {strides = array<i32>} : memref<4x64xi32, #tpu.memory_space<vmem>>, vector<16xi32>,
        tpu.vector_store %arg10[%swap3A_695, %swap3A_696], %get3A_693 {strides = array<i32>} : memref<4x64xi32, #tpu.memory_space<vmem>>, vector<16xi32>,
        %mul3A_698 = arith.constant 64 : i32
        %mul3A_699 = arith.muli %add3A_643, %mul3A_698 : i32
        %add3A_700 = arith.constant 32 : i32
        %add3A_701 = arith.addi %mul3A_699, %add3A_700 : i32
        %get3A_702 = arith.index_cast %add3A_701 : i32 to index
        %get3A_703 = tpu.vector_load %arg8[%get3A_702] {strides = array<i32>} : memref<20480xi32, #tpu.memory_space<vmem>>, vector<16xi32>,
        %swap3A_704 = arith.constant 3 : i32
        %swap3A_705 = arith.index_cast %swap3A_704 : i32 to index
        %swap3A_706 = arith.constant 32 : index
        %swap3A_707 = tpu.vector_load %arg10[%swap3A_705, %swap3A_706] {strides = array<i32>} : memref<4x64xi32, #tpu.memory_space<vmem>>, vector<16xi32>,
        tpu.vector_store %arg10[%swap3A_705, %swap3A_706], %get3A_703 {strides = array<i32>} : memref<4x64xi32, #tpu.memory_space<vmem>>, vector<16xi32>,
        %mul3A_708 = arith.constant 64 : i32
        %mul3A_709 = arith.muli %add3A_643, %mul3A_708 : i32
        %add3A_710 = arith.constant 48 : i32
        %add3A_711 = arith.addi %mul3A_709, %add3A_710 : i32
        %get3A_712 = arith.index_cast %add3A_711 : i32 to index
        %get3A_713 = tpu.vector_load %arg8[%get3A_712] {strides = array<i32>} : memref<20480xi32, #tpu.memory_space<vmem>>, vector<16xi32>,
        %swap3A_714 = arith.constant 3 : i32
        %swap3A_715 = arith.index_cast %swap3A_714 : i32 to index
        %swap3A_716 = arith.constant 48 : index
        %swap3A_717 = tpu.vector_load %arg10[%swap3A_715, %swap3A_716] {strides = array<i32>} : memref<4x64xi32, #tpu.memory_space<vmem>>, vector<16xi32>,
        tpu.vector_store %arg10[%swap3A_715, %swap3A_716], %get3A_713 {strides = array<i32>} : memref<4x64xi32, #tpu.memory_space<vmem>>, vector<16xi32>,
        %dma_start3A = arith.constant 3 : i32
        %dma_start3A_718 = arith.constant 3 : i32
        %dma_start3A_719 = arith.constant 0 : i32
        %dma_start3A_720 = arith.constant 0 : i32
        %dma_start3A_721 = tpu.memref_slice %arg9[%dma_start3A, %dma_start3A_719, %dma_start3A_720] : memref<4x64x128xf32, #tpu.memory_space<vmem>> -> memref<1x64x128xf32, #tpu.memory_space<vmem>>
        %dma_start3A_722 = tpu.memref_squeeze %dma_start3A_721 : memref<1x64x128xf32, #tpu.memory_space<vmem>> -> memref<64x128xf32, #tpu.memory_space<vmem>>
        %dma_start3A_723 = arith.constant 0 : i32
        %dma_start3A_724 = tpu.memref_slice %arg10[%dma_start3A_718, %dma_start3A_723] : memref<4x64xi32, #tpu.memory_space<vmem>> -> memref<1x64xi32, #tpu.memory_space<vmem>>
        %dma_start3A_725 = tpu.memref_squeeze %dma_start3A_724 : memref<1x64xi32, #tpu.memory_space<vmem>> -> memref<64xi32, #tpu.memory_space<vmem>>
        %dma_start3A_726 = arith.constant 0 : i32
        %dma_start3A_727 = arith.constant 0 : i32
        %dma_start3A_728 = tpu.memref_slice %arg12[%dma_start3A_726, %dma_start3A_727] : memref<5120x128xf32, #tpu.memory_space<vmem_shared>> -> memref<5120x128xf32, #tpu.memory_space<vmem_shared>>
        tpu.enqueue_indirect_dma source(%dma_start3A_722 : memref<64x128xf32, #tpu.memory_space<vmem>>) target(%dma_start3A_728 : memref<5120x128xf32, #tpu.memory_space<vmem_shared>>) offsets(%dma_start3A_725 : memref<64xi32, #tpu.memory_space<vmem>>) semaphore(%arg20 : memref<!tpu.dma_semaphore, #tpu.memory_space<semaphore_mem>>) {add = true}
      } else {
      }
      %ge3A_648 = arith.constant 1 : i32
      %ge3A_649 = arith.cmpi sge, %add3A_643, %ge3A_648 : i32
      %sub3A_650 = arith.constant 1 : i32
      %sub3A_651 = arith.subi %add3A_643, %sub3A_650 : i32
      %lt3A_652 = arith.cmpi slt, %sub3A_651, %div3A_518 : i32
      %and3A_653 = arith.andi %ge3A_649, %lt3A_652 : i1
      %convert_element_type3A_654 = arith.extui %and3A_653 : i1 to i32
      %cond3A_655 = arith.constant 0 : i32
      %cond3A_656 = arith.cmpi ne, %convert_element_type3A_654, %cond3A_655 : i32
      scf.if %cond3A_656 {
        %sub3A_669 = arith.constant 1 : i32
        %sub3A_670 = arith.subi %add3A_643, %sub3A_669 : i32
        %dma_wait3A = arith.constant 2 : i32
        %dma_wait3A_671 = arith.constant 2 : i32
        %dma_wait3A_672 = arith.constant 0 : i32
        %dma_wait3A_673 = arith.constant 0 : i32
        %dma_wait3A_674 = tpu.memref_slice %arg9[%dma_wait3A, %dma_wait3A_672, %dma_wait3A_673] : memref<4x64x128xf32, #tpu.memory_space<vmem>> -> memref<1x64x128xf32, #tpu.memory_space<vmem>>
        %dma_wait3A_675 = tpu.memref_squeeze %dma_wait3A_674 : memref<1x64x128xf32, #tpu.memory_space<vmem>> -> memref<64x128xf32, #tpu.memory_space<vmem>>
        %dma_wait3A_676 = arith.constant 0 : i32
        %dma_wait3A_677 = tpu.memref_slice %arg10[%dma_wait3A_671, %dma_wait3A_676] : memref<4x64xi32, #tpu.memory_space<vmem>> -> memref<1x64xi32, #tpu.memory_space<vmem>>
        %dma_wait3A_678 = tpu.memref_squeeze %dma_wait3A_677 : memref<1x64xi32, #tpu.memory_space<vmem>> -> memref<64xi32, #tpu.memory_space<vmem>>
        %dma_wait3A_679 = arith.constant 0 : i32
        %dma_wait3A_680 = arith.constant 0 : i32
        %dma_wait3A_681 = tpu.memref_slice %arg12[%dma_wait3A_679, %dma_wait3A_680] : memref<5120x128xf32, #tpu.memory_space<vmem_shared>> -> memref<5120x128xf32, #tpu.memory_space<vmem_shared>>
        tpu.wait_indirect_dma semaphore(%arg19 : memref<!tpu.dma_semaphore, #tpu.memory_space<semaphore_mem>>) src(%dma_wait3A_675 : memref<64x128xf32, #tpu.memory_space<vmem>>) dst(%dma_wait3A_681 : memref<5120x128xf32, #tpu.memory_space<vmem_shared>>)
      } else {
      }
      %ge3A_657 = arith.constant 1 : i32
      %ge3A_658 = arith.cmpi sge, %add3A_643, %ge3A_657 : i32
      %sub3A_659 = arith.constant 1 : i32
      %sub3A_660 = arith.subi %add3A_643, %sub3A_659 : i32
      %add3A_661 = arith.constant 4 : i32
      %add3A_662 = arith.addi %sub3A_660, %add3A_661 : i32
      %lt3A_663 = arith.cmpi slt, %add3A_662, %div3A_518 : i32
      %and3A_664 = arith.andi %ge3A_658, %lt3A_663 : i1
      %convert_element_type3A_665 = arith.extui %and3A_664 : i1 to i32
      %cond3A_666 = arith.constant 0 : i32
      %cond3A_667 = arith.cmpi ne, %convert_element_type3A_665, %cond3A_666 : i32
      scf.if %cond3A_667 {
        %sub3A_669 = arith.constant 1 : i32
        %sub3A_670 = arith.subi %add3A_643, %sub3A_669 : i32
        %add3A_671 = arith.constant 4 : i32
        %add3A_672 = arith.addi %sub3A_670, %add3A_671 : i32
        %mul3A_673 = arith.constant 64 : i32
        %mul3A_674 = arith.muli %add3A_672, %mul3A_673 : i32
        %dma_start3A = arith.constant 2 : i32
        %dma_start3A_675 = arith.constant 0 : i32
        %dma_start3A_676 = arith.constant 0 : i32
        %dma_start3A_677 = tpu.memref_slice %arg9[%dma_start3A, %dma_start3A_675, %dma_start3A_676] : memref<4x64x128xf32, #tpu.memory_space<vmem>> -> memref<1x64x128xf32, #tpu.memory_space<vmem>>
        %dma_start3A_678 = tpu.memref_squeeze %dma_start3A_677 : memref<1x64x128xf32, #tpu.memory_space<vmem>> -> memref<64x128xf32, #tpu.memory_space<vmem>>
        %dma_start3A_679 = tpu.memref_slice %arg7[%mul3A_674] : memref<20480xi32, #tpu.memory_space<vmem>> -> memref<64xi32, #tpu.memory_space<vmem>>
        %dma_start3A_680 = arith.constant 0 : i32
        %dma_start3A_681 = arith.constant 0 : i32
        %dma_start3A_682 = tpu.memref_slice %arg2[%dma_start3A_680, %dma_start3A_681] : memref<10000x128xf32, #tpu.memory_space<hbm>> -> memref<10000x128xf32, #tpu.memory_space<hbm>>
        tpu.enqueue_indirect_dma source(%dma_start3A_682 : memref<10000x128xf32, #tpu.memory_space<hbm>>) target(%dma_start3A_678 : memref<64x128xf32, #tpu.memory_space<vmem>>) offsets(%dma_start3A_679 : memref<64xi32, #tpu.memory_space<vmem>>) semaphore(%arg15 : memref<!tpu.dma_semaphore, #tpu.memory_space<semaphore_mem>>)
      } else {
      }
      %while3A_668 = arith.constant 0 : i32
      scf.yield %while3A_668 : i32
    }
    %while3A_551 = arith.constant 1 : i32
    %while3A_552 = scf.for %while3A_558 = %while3A_548 to %while3A_544 step %while3A_551 iter_args(%while3A_559 = %while3A_550) -> (i32)  : i32 {
      %mul3A_560 = arith.constant 4 : i32
      %mul3A_561 = arith.muli %while3A_558, %mul3A_560 : i32
      %add3A_562 = arith.constant 0 : i32
      %add3A_563 = arith.addi %mul3A_561, %add3A_562 : i32
      %lt3A = arith.cmpi slt, %add3A_563, %div3A_518 : i32
      %convert_element_type3A_564 = arith.extui %lt3A : i1 to i32
      %cond3A_565 = arith.constant 0 : i32
      %cond3A_566 = arith.cmpi ne, %convert_element_type3A_564, %cond3A_565 : i32
      scf.if %cond3A_566 {
        %mul3A_669 = arith.constant 64 : i32
        %mul3A_670 = arith.muli %add3A_563, %mul3A_669 : i32
        %dma_wait3A = arith.constant 0 : i32
        %dma_wait3A_671 = arith.constant 0 : i32
        %dma_wait3A_672 = arith.constant 0 : i32
        %dma_wait3A_673 = tpu.memref_slice %arg9[%dma_wait3A, %dma_wait3A_671, %dma_wait3A_672] : memref<4x64x128xf32, #tpu.memory_space<vmem>> -> memref<1x64x128xf32, #tpu.memory_space<vmem>>
        %dma_wait3A_674 = tpu.memref_squeeze %dma_wait3A_673 : memref<1x64x128xf32, #tpu.memory_space<vmem>> -> memref<64x128xf32, #tpu.memory_space<vmem>>
        %dma_wait3A_675 = tpu.memref_slice %arg7[%mul3A_670] : memref<20480xi32, #tpu.memory_space<vmem>> -> memref<64xi32, #tpu.memory_space<vmem>>
        %dma_wait3A_676 = arith.constant 0 : i32
        %dma_wait3A_677 = arith.constant 0 : i32
        %dma_wait3A_678 = tpu.memref_slice %arg2[%dma_wait3A_676, %dma_wait3A_677] : memref<10000x128xf32, #tpu.memory_space<hbm>> -> memref<10000x128xf32, #tpu.memory_space<hbm>>
        tpu.wait_indirect_dma semaphore(%arg13 : memref<!tpu.dma_semaphore, #tpu.memory_space<semaphore_mem>>) src(%dma_wait3A_678 : memref<10000x128xf32, #tpu.memory_space<hbm>>) dst(%dma_wait3A_674 : memref<64x128xf32, #tpu.memory_space<vmem>>)
        %mul3A_679 = arith.constant 64 : i32
        %mul3A_680 = arith.muli %add3A_563, %mul3A_679 : i32
        %add3A_681 = arith.constant 0 : i32
        %add3A_682 = arith.addi %mul3A_680, %add3A_681 : i32
        %get3A = arith.index_cast %add3A_682 : i32 to index
        %get3A_683 = tpu.vector_load %arg8[%get3A] {strides = array<i32>} : memref<20480xi32, #tpu.memory_space<vmem>>, vector<16xi32>,
        %swap3A_684 = arith.constant 0 : i32
        %swap3A_685 = arith.index_cast %swap3A_684 : i32 to index
        %swap3A_686 = arith.constant 0 : index
        %swap3A_687 = tpu.vector_load %arg10[%swap3A_685, %swap3A_686] {strides = array<i32>} : memref<4x64xi32, #tpu.memory_space<vmem>>, vector<16xi32>,
        tpu.vector_store %arg10[%swap3A_685, %swap3A_686], %get3A_683 {strides = array<i32>} : memref<4x64xi32, #tpu.memory_space<vmem>>, vector<16xi32>,
        %mul3A_688 = arith.constant 64 : i32
        %mul3A_689 = arith.muli %add3A_563, %mul3A_688 : i32
        %add3A_690 = arith.constant 16 : i32
        %add3A_691 = arith.addi %mul3A_689, %add3A_690 : i32
        %get3A_692 = arith.index_cast %add3A_691 : i32 to index
        %get3A_693 = tpu.vector_load %arg8[%get3A_692] {strides = array<i32>} : memref<20480xi32, #tpu.memory_space<vmem>>, vector<16xi32>,
        %swap3A_694 = arith.constant 0 : i32
        %swap3A_695 = arith.index_cast %swap3A_694 : i32 to index
        %swap3A_696 = arith.constant 16 : index
        %swap3A_697 = tpu.vector_load %arg10[%swap3A_695, %swap3A_696] {strides = array<i32>} : memref<4x64xi32, #tpu.memory_space<vmem>>, vector<16xi32>,
        tpu.vector_store %arg10[%swap3A_695, %swap3A_696], %get3A_693 {strides = array<i32>} : memref<4x64xi32, #tpu.memory_space<vmem>>, vector<16xi32>,
        %mul3A_698 = arith.constant 64 : i32
        %mul3A_699 = arith.muli %add3A_563, %mul3A_698 : i32
        %add3A_700 = arith.constant 32 : i32
        %add3A_701 = arith.addi %mul3A_699, %add3A_700 : i32
        %get3A_702 = arith.index_cast %add3A_701 : i32 to index
        %get3A_703 = tpu.vector_load %arg8[%get3A_702] {strides = array<i32>} : memref<20480xi32, #tpu.memory_space<vmem>>, vector<16xi32>,
        %swap3A_704 = arith.constant 0 : i32
        %swap3A_705 = arith.index_cast %swap3A_704 : i32 to index
        %swap3A_706 = arith.constant 32 : index
        %swap3A_707 = tpu.vector_load %arg10[%swap3A_705, %swap3A_706] {strides = array<i32>} : memref<4x64xi32, #tpu.memory_space<vmem>>, vector<16xi32>,
        tpu.vector_store %arg10[%swap3A_705, %swap3A_706], %get3A_703 {strides = array<i32>} : memref<4x64xi32, #tpu.memory_space<vmem>>, vector<16xi32>,
        %mul3A_708 = arith.constant 64 : i32
        %mul3A_709 = arith.muli %add3A_563, %mul3A_708 : i32
        %add3A_710 = arith.constant 48 : i32
        %add3A_711 = arith.addi %mul3A_709, %add3A_710 : i32
        %get3A_712 = arith.index_cast %add3A_711 : i32 to index
        %get3A_713 = tpu.vector_load %arg8[%get3A_712] {strides = array<i32>} : memref<20480xi32, #tpu.memory_space<vmem>>, vector<16xi32>,
        %swap3A_714 = arith.constant 0 : i32
        %swap3A_715 = arith.index_cast %swap3A_714 : i32 to index
        %swap3A_716 = arith.constant 48 : index
        %swap3A_717 = tpu.vector_load %arg10[%swap3A_715, %swap3A_716] {strides = array<i32>} : memref<4x64xi32, #tpu.memory_space<vmem>>, vector<16xi32>,
        tpu.vector_store %arg10[%swap3A_715, %swap3A_716], %get3A_713 {strides = array<i32>} : memref<4x64xi32, #tpu.memory_space<vmem>>, vector<16xi32>,
        %dma_start3A = arith.constant 0 : i32
        %dma_start3A_718 = arith.constant 0 : i32
        %dma_start3A_719 = arith.constant 0 : i32
        %dma_start3A_720 = arith.constant 0 : i32
        %dma_start3A_721 = tpu.memref_slice %arg9[%dma_start3A, %dma_start3A_719, %dma_start3A_720] : memref<4x64x128xf32, #tpu.memory_space<vmem>> -> memref<1x64x128xf32, #tpu.memory_space<vmem>>
        %dma_start3A_722 = tpu.memref_squeeze %dma_start3A_721 : memref<1x64x128xf32, #tpu.memory_space<vmem>> -> memref<64x128xf32, #tpu.memory_space<vmem>>
        %dma_start3A_723 = arith.constant 0 : i32
        %dma_start3A_724 = tpu.memref_slice %arg10[%dma_start3A_718, %dma_start3A_723] : memref<4x64xi32, #tpu.memory_space<vmem>> -> memref<1x64xi32, #tpu.memory_space<vmem>>
        %dma_start3A_725 = tpu.memref_squeeze %dma_start3A_724 : memref<1x64xi32, #tpu.memory_space<vmem>> -> memref<64xi32, #tpu.memory_space<vmem>>
        %dma_start3A_726 = arith.constant 0 : i32
        %dma_start3A_727 = arith.constant 0 : i32
        %dma_start3A_728 = tpu.memref_slice %arg12[%dma_start3A_726, %dma_start3A_727] : memref<5120x128xf32, #tpu.memory_space<vmem_shared>> -> memref<5120x128xf32, #tpu.memory_space<vmem_shared>>
        tpu.enqueue_indirect_dma source(%dma_start3A_722 : memref<64x128xf32, #tpu.memory_space<vmem>>) target(%dma_start3A_728 : memref<5120x128xf32, #tpu.memory_space<vmem_shared>>) offsets(%dma_start3A_725 : memref<64xi32, #tpu.memory_space<vmem>>) semaphore(%arg17 : memref<!tpu.dma_semaphore, #tpu.memory_space<semaphore_mem>>) {add = true}
      } else {
      }
      %ge3A = arith.constant 1 : i32
      %ge3A_567 = arith.cmpi sge, %add3A_563, %ge3A : i32
      %sub3A = arith.constant 1 : i32
      %sub3A_568 = arith.subi %add3A_563, %sub3A : i32
      %lt3A_569 = arith.cmpi slt, %sub3A_568, %div3A_518 : i32
      %and3A = arith.andi %ge3A_567, %lt3A_569 : i1
      %convert_element_type3A_570 = arith.extui %and3A : i1 to i32
      %cond3A_571 = arith.constant 0 : i32
      %cond3A_572 = arith.cmpi ne, %convert_element_type3A_570, %cond3A_571 : i32
      scf.if %cond3A_572 {
        %sub3A_669 = arith.constant 1 : i32
        %sub3A_670 = arith.subi %add3A_563, %sub3A_669 : i32
        %dma_wait3A = arith.constant 3 : i32
        %dma_wait3A_671 = arith.constant 3 : i32
        %dma_wait3A_672 = arith.constant 0 : i32
        %dma_wait3A_673 = arith.constant 0 : i32
        %dma_wait3A_674 = tpu.memref_slice %arg9[%dma_wait3A, %dma_wait3A_672, %dma_wait3A_673] : memref<4x64x128xf32, #tpu.memory_space<vmem>> -> memref<1x64x128xf32, #tpu.memory_space<vmem>>
        %dma_wait3A_675 = tpu.memref_squeeze %dma_wait3A_674 : memref<1x64x128xf32, #tpu.memory_space<vmem>> -> memref<64x128xf32, #tpu.memory_space<vmem>>
        %dma_wait3A_676 = arith.constant 0 : i32
        %dma_wait3A_677 = tpu.memref_slice %arg10[%dma_wait3A_671, %dma_wait3A_676] : memref<4x64xi32, #tpu.memory_space<vmem>> -> memref<1x64xi32, #tpu.memory_space<vmem>>
        %dma_wait3A_678 = tpu.memref_squeeze %dma_wait3A_677 : memref<1x64xi32, #tpu.memory_space<vmem>> -> memref<64xi32, #tpu.memory_space<vmem>>
        %dma_wait3A_679 = arith.constant 0 : i32
        %dma_wait3A_680 = arith.constant 0 : i32
        %dma_wait3A_681 = tpu.memref_slice %arg12[%dma_wait3A_679, %dma_wait3A_680] : memref<5120x128xf32, #tpu.memory_space<vmem_shared>> -> memref<5120x128xf32, #tpu.memory_space<vmem_shared>>
        tpu.wait_indirect_dma semaphore(%arg20 : memref<!tpu.dma_semaphore, #tpu.memory_space<semaphore_mem>>) src(%dma_wait3A_675 : memref<64x128xf32, #tpu.memory_space<vmem>>) dst(%dma_wait3A_681 : memref<5120x128xf32, #tpu.memory_space<vmem_shared>>)
      } else {
      }
      %ge3A_573 = arith.constant 1 : i32
      %ge3A_574 = arith.cmpi sge, %add3A_563, %ge3A_573 : i32
      %sub3A_575 = arith.constant 1 : i32
      %sub3A_576 = arith.subi %add3A_563, %sub3A_575 : i32
      %add3A_577 = arith.constant 4 : i32
      %add3A_578 = arith.addi %sub3A_576, %add3A_577 : i32
      %lt3A_579 = arith.cmpi slt, %add3A_578, %div3A_518 : i32
      %and3A_580 = arith.andi %ge3A_574, %lt3A_579 : i1
      %convert_element_type3A_581 = arith.extui %and3A_580 : i1 to i32
      %cond3A_582 = arith.constant 0 : i32
      %cond3A_583 = arith.cmpi ne, %convert_element_type3A_581, %cond3A_582 : i32
      scf.if %cond3A_583 {
        %sub3A_669 = arith.constant 1 : i32
        %sub3A_670 = arith.subi %add3A_563, %sub3A_669 : i32
        %add3A_671 = arith.constant 4 : i32
        %add3A_672 = arith.addi %sub3A_670, %add3A_671 : i32
        %mul3A_673 = arith.constant 64 : i32
        %mul3A_674 = arith.muli %add3A_672, %mul3A_673 : i32
        %dma_start3A = arith.constant 3 : i32
        %dma_start3A_675 = arith.constant 0 : i32
        %dma_start3A_676 = arith.constant 0 : i32
        %dma_start3A_677 = tpu.memref_slice %arg9[%dma_start3A, %dma_start3A_675, %dma_start3A_676] : memref<4x64x128xf32, #tpu.memory_space<vmem>> -> memref<1x64x128xf32, #tpu.memory_space<vmem>>
        %dma_start3A_678 = tpu.memref_squeeze %dma_start3A_677 : memref<1x64x128xf32, #tpu.memory_space<vmem>> -> memref<64x128xf32, #tpu.memory_space<vmem>>
        %dma_start3A_679 = tpu.memref_slice %arg7[%mul3A_674] : memref<20480xi32, #tpu.memory_space<vmem>> -> memref<64xi32, #tpu.memory_space<vmem>>
        %dma_start3A_680 = arith.constant 0 : i32
        %dma_start3A_681 = arith.constant 0 : i32
        %dma_start3A_682 = tpu.memref_slice %arg2[%dma_start3A_680, %dma_start3A_681] : memref<10000x128xf32, #tpu.memory_space<hbm>> -> memref<10000x128xf32, #tpu.memory_space<hbm>>
        tpu.enqueue_indirect_dma source(%dma_start3A_682 : memref<10000x128xf32, #tpu.memory_space<hbm>>) target(%dma_start3A_678 : memref<64x128xf32, #tpu.memory_space<vmem>>) offsets(%dma_start3A_679 : memref<64xi32, #tpu.memory_space<vmem>>) semaphore(%arg16 : memref<!tpu.dma_semaphore, #tpu.memory_space<semaphore_mem>>)
      } else {
      }
      %mul3A_584 = arith.constant 4 : i32
      %mul3A_585 = arith.muli %while3A_558, %mul3A_584 : i32
      %add3A_586 = arith.constant 1 : i32
      %add3A_587 = arith.addi %mul3A_585, %add3A_586 : i32
      %lt3A_588 = arith.cmpi slt, %add3A_587, %div3A_518 : i32
      %convert_element_type3A_589 = arith.extui %lt3A_588 : i1 to i32
      %cond3A_590 = arith.constant 0 : i32
      %cond3A_591 = arith.cmpi ne, %convert_element_type3A_589, %cond3A_590 : i32
      scf.if %cond3A_591 {
        %mul3A_669 = arith.constant 64 : i32
        %mul3A_670 = arith.muli %add3A_587, %mul3A_669 : i32
        %dma_wait3A = arith.constant 1 : i32
        %dma_wait3A_671 = arith.constant 0 : i32
        %dma_wait3A_672 = arith.constant 0 : i32
        %dma_wait3A_673 = tpu.memref_slice %arg9[%dma_wait3A, %dma_wait3A_671, %dma_wait3A_672] : memref<4x64x128xf32, #tpu.memory_space<vmem>> -> memref<1x64x128xf32, #tpu.memory_space<vmem>>
        %dma_wait3A_674 = tpu.memref_squeeze %dma_wait3A_673 : memref<1x64x128xf32, #tpu.memory_space<vmem>> -> memref<64x128xf32, #tpu.memory_space<vmem>>
        %dma_wait3A_675 = tpu.memref_slice %arg7[%mul3A_670] : memref<20480xi32, #tpu.memory_space<vmem>> -> memref<64xi32, #tpu.memory_space<vmem>>
        %dma_wait3A_676 = arith.constant 0 : i32
        %dma_wait3A_677 = arith.constant 0 : i32
        %dma_wait3A_678 = tpu.memref_slice %arg2[%dma_wait3A_676, %dma_wait3A_677] : memref<10000x128xf32, #tpu.memory_space<hbm>> -> memref<10000x128xf32, #tpu.memory_space<hbm>>
        tpu.wait_indirect_dma semaphore(%arg14 : memref<!tpu.dma_semaphore, #tpu.memory_space<semaphore_mem>>) src(%dma_wait3A_678 : memref<10000x128xf32, #tpu.memory_space<hbm>>) dst(%dma_wait3A_674 : memref<64x128xf32, #tpu.memory_space<vmem>>)
        %mul3A_679 = arith.constant 64 : i32
        %mul3A_680 = arith.muli %add3A_587, %mul3A_679 : i32
        %add3A_681 = arith.constant 0 : i32
        %add3A_682 = arith.addi %mul3A_680, %add3A_681 : i32
        %get3A = arith.index_cast %add3A_682 : i32 to index
        %get3A_683 = tpu.vector_load %arg8[%get3A] {strides = array<i32>} : memref<20480xi32, #tpu.memory_space<vmem>>, vector<16xi32>,
        %swap3A_684 = arith.constant 1 : i32
        %swap3A_685 = arith.index_cast %swap3A_684 : i32 to index
        %swap3A_686 = arith.constant 0 : index
        %swap3A_687 = tpu.vector_load %arg10[%swap3A_685, %swap3A_686] {strides = array<i32>} : memref<4x64xi32, #tpu.memory_space<vmem>>, vector<16xi32>,
        tpu.vector_store %arg10[%swap3A_685, %swap3A_686], %get3A_683 {strides = array<i32>} : memref<4x64xi32, #tpu.memory_space<vmem>>, vector<16xi32>,
        %mul3A_688 = arith.constant 64 : i32
        %mul3A_689 = arith.muli %add3A_587, %mul3A_688 : i32
        %add3A_690 = arith.constant 16 : i32
        %add3A_691 = arith.addi %mul3A_689, %add3A_690 : i32
        %get3A_692 = arith.index_cast %add3A_691 : i32 to index
        %get3A_693 = tpu.vector_load %arg8[%get3A_692] {strides = array<i32>} : memref<20480xi32, #tpu.memory_space<vmem>>, vector<16xi32>,
        %swap3A_694 = arith.constant 1 : i32
        %swap3A_695 = arith.index_cast %swap3A_694 : i32 to index
        %swap3A_696 = arith.constant 16 : index
        %swap3A_697 = tpu.vector_load %arg10[%swap3A_695, %swap3A_696] {strides = array<i32>} : memref<4x64xi32, #tpu.memory_space<vmem>>, vector<16xi32>,
        tpu.vector_store %arg10[%swap3A_695, %swap3A_696], %get3A_693 {strides = array<i32>} : memref<4x64xi32, #tpu.memory_space<vmem>>, vector<16xi32>,
        %mul3A_698 = arith.constant 64 : i32
        %mul3A_699 = arith.muli %add3A_587, %mul3A_698 : i32
        %add3A_700 = arith.constant 32 : i32
        %add3A_701 = arith.addi %mul3A_699, %add3A_700 : i32
        %get3A_702 = arith.index_cast %add3A_701 : i32 to index
        %get3A_703 = tpu.vector_load %arg8[%get3A_702] {strides = array<i32>} : memref<20480xi32, #tpu.memory_space<vmem>>, vector<16xi32>,
        %swap3A_704 = arith.constant 1 : i32
        %swap3A_705 = arith.index_cast %swap3A_704 : i32 to index
        %swap3A_706 = arith.constant 32 : index
        %swap3A_707 = tpu.vector_load %arg10[%swap3A_705, %swap3A_706] {strides = array<i32>} : memref<4x64xi32, #tpu.memory_space<vmem>>, vector<16xi32>,
        tpu.vector_store %arg10[%swap3A_705, %swap3A_706], %get3A_703 {strides = array<i32>} : memref<4x64xi32, #tpu.memory_space<vmem>>, vector<16xi32>,
        %mul3A_708 = arith.constant 64 : i32
        %mul3A_709 = arith.muli %add3A_587, %mul3A_708 : i32
        %add3A_710 = arith.constant 48 : i32
        %add3A_711 = arith.addi %mul3A_709, %add3A_710 : i32
        %get3A_712 = arith.index_cast %add3A_711 : i32 to index
        %get3A_713 = tpu.vector_load %arg8[%get3A_712] {strides = array<i32>} : memref<20480xi32, #tpu.memory_space<vmem>>, vector<16xi32>,
        %swap3A_714 = arith.constant 1 : i32
        %swap3A_715 = arith.index_cast %swap3A_714 : i32 to index
        %swap3A_716 = arith.constant 48 : index
        %swap3A_717 = tpu.vector_load %arg10[%swap3A_715, %swap3A_716] {strides = array<i32>} : memref<4x64xi32, #tpu.memory_space<vmem>>, vector<16xi32>,
        tpu.vector_store %arg10[%swap3A_715, %swap3A_716], %get3A_713 {strides = array<i32>} : memref<4x64xi32, #tpu.memory_space<vmem>>, vector<16xi32>,
        %dma_start3A = arith.constant 1 : i32
        %dma_start3A_718 = arith.constant 1 : i32
        %dma_start3A_719 = arith.constant 0 : i32
        %dma_start3A_720 = arith.constant 0 : i32
        %dma_start3A_721 = tpu.memref_slice %arg9[%dma_start3A, %dma_start3A_719, %dma_start3A_720] : memref<4x64x128xf32, #tpu.memory_space<vmem>> -> memref<1x64x128xf32, #tpu.memory_space<vmem>>
        %dma_start3A_722 = tpu.memref_squeeze %dma_start3A_721 : memref<1x64x128xf32, #tpu.memory_space<vmem>> -> memref<64x128xf32, #tpu.memory_space<vmem>>
        %dma_start3A_723 = arith.constant 0 : i32
        %dma_start3A_724 = tpu.memref_slice %arg10[%dma_start3A_718, %dma_start3A_723] : memref<4x64xi32, #tpu.memory_space<vmem>> -> memref<1x64xi32, #tpu.memory_space<vmem>>
        %dma_start3A_725 = tpu.memref_squeeze %dma_start3A_724 : memref<1x64xi32, #tpu.memory_space<vmem>> -> memref<64xi32, #tpu.memory_space<vmem>>
        %dma_start3A_726 = arith.constant 0 : i32
        %dma_start3A_727 = arith.constant 0 : i32
        %dma_start3A_728 = tpu.memref_slice %arg12[%dma_start3A_726, %dma_start3A_727] : memref<5120x128xf32, #tpu.memory_space<vmem_shared>> -> memref<5120x128xf32, #tpu.memory_space<vmem_shared>>
        tpu.enqueue_indirect_dma source(%dma_start3A_722 : memref<64x128xf32, #tpu.memory_space<vmem>>) target(%dma_start3A_728 : memref<5120x128xf32, #tpu.memory_space<vmem_shared>>) offsets(%dma_start3A_725 : memref<64xi32, #tpu.memory_space<vmem>>) semaphore(%arg18 : memref<!tpu.dma_semaphore, #tpu.memory_space<semaphore_mem>>) {add = true}
      } else {
      }
      %ge3A_592 = arith.constant 1 : i32
      %ge3A_593 = arith.cmpi sge, %add3A_587, %ge3A_592 : i32
      %sub3A_594 = arith.constant 1 : i32
      %sub3A_595 = arith.subi %add3A_587, %sub3A_594 : i32
      %lt3A_596 = arith.cmpi slt, %sub3A_595, %div3A_518 : i32
      %and3A_597 = arith.andi %ge3A_593, %lt3A_596 : i1
      %convert_element_type3A_598 = arith.extui %and3A_597 : i1 to i32
      %cond3A_599 = arith.constant 0 : i32
      %cond3A_600 = arith.cmpi ne, %convert_element_type3A_598, %cond3A_599 : i32
      scf.if %cond3A_600 {
        %sub3A_669 = arith.constant 1 : i32
        %sub3A_670 = arith.subi %add3A_587, %sub3A_669 : i32
        %dma_wait3A = arith.constant 0 : i32
        %dma_wait3A_671 = arith.constant 0 : i32
        %dma_wait3A_672 = arith.constant 0 : i32
        %dma_wait3A_673 = arith.constant 0 : i32
        %dma_wait3A_674 = tpu.memref_slice %arg9[%dma_wait3A, %dma_wait3A_672, %dma_wait3A_673] : memref<4x64x128xf32, #tpu.memory_space<vmem>> -> memref<1x64x128xf32, #tpu.memory_space<vmem>>
        %dma_wait3A_675 = tpu.memref_squeeze %dma_wait3A_674 : memref<1x64x128xf32, #tpu.memory_space<vmem>> -> memref<64x128xf32, #tpu.memory_space<vmem>>
        %dma_wait3A_676 = arith.constant 0 : i32
        %dma_wait3A_677 = tpu.memref_slice %arg10[%dma_wait3A_671, %dma_wait3A_676] : memref<4x64xi32, #tpu.memory_space<vmem>> -> memref<1x64xi32, #tpu.memory_space<vmem>>
        %dma_wait3A_678 = tpu.memref_squeeze %dma_wait3A_677 : memref<1x64xi32, #tpu.memory_space<vmem>> -> memref<64xi32, #tpu.memory_space<vmem>>
        %dma_wait3A_679 = arith.constant 0 : i32
        %dma_wait3A_680 = arith.constant 0 : i32
        %dma_wait3A_681 = tpu.memref_slice %arg12[%dma_wait3A_679, %dma_wait3A_680] : memref<5120x128xf32, #tpu.memory_space<vmem_shared>> -> memref<5120x128xf32, #tpu.memory_space<vmem_shared>>
        tpu.wait_indirect_dma semaphore(%arg17 : memref<!tpu.dma_semaphore, #tpu.memory_space<semaphore_mem>>) src(%dma_wait3A_675 : memref<64x128xf32, #tpu.memory_space<vmem>>) dst(%dma_wait3A_681 : memref<5120x128xf32, #tpu.memory_space<vmem_shared>>)
      } else {
      }
      %ge3A_601 = arith.constant 1 : i32
      %ge3A_602 = arith.cmpi sge, %add3A_587, %ge3A_601 : i32
      %sub3A_603 = arith.constant 1 : i32
      %sub3A_604 = arith.subi %add3A_587, %sub3A_603 : i32
      %add3A_605 = arith.constant 4 : i32
      %add3A_606 = arith.addi %sub3A_604, %add3A_605 : i32
      %lt3A_607 = arith.cmpi slt, %add3A_606, %div3A_518 : i32
      %and3A_608 = arith.andi %ge3A_602, %lt3A_607 : i1
      %convert_element_type3A_609 = arith.extui %and3A_608 : i1 to i32
      %cond3A_610 = arith.constant 0 : i32
      %cond3A_611 = arith.cmpi ne, %convert_element_type3A_609, %cond3A_610 : i32
      scf.if %cond3A_611 {
        %sub3A_669 = arith.constant 1 : i32
        %sub3A_670 = arith.subi %add3A_587, %sub3A_669 : i32
        %add3A_671 = arith.constant 4 : i32
        %add3A_672 = arith.addi %sub3A_670, %add3A_671 : i32
        %mul3A_673 = arith.constant 64 : i32
        %mul3A_674 = arith.muli %add3A_672, %mul3A_673 : i32
        %dma_start3A = arith.constant 0 : i32
        %dma_start3A_675 = arith.constant 0 : i32
        %dma_start3A_676 = arith.constant 0 : i32
        %dma_start3A_677 = tpu.memref_slice %arg9[%dma_start3A, %dma_start3A_675, %dma_start3A_676] : memref<4x64x128xf32, #tpu.memory_space<vmem>> -> memref<1x64x128xf32, #tpu.memory_space<vmem>>
        %dma_start3A_678 = tpu.memref_squeeze %dma_start3A_677 : memref<1x64x128xf32, #tpu.memory_space<vmem>> -> memref<64x128xf32, #tpu.memory_space<vmem>>
        %dma_start3A_679 = tpu.memref_slice %arg7[%mul3A_674] : memref<20480xi32, #tpu.memory_space<vmem>> -> memref<64xi32, #tpu.memory_space<vmem>>
        %dma_start3A_680 = arith.constant 0 : i32
        %dma_start3A_681 = arith.constant 0 : i32
        %dma_start3A_682 = tpu.memref_slice %arg2[%dma_start3A_680, %dma_start3A_681] : memref<10000x128xf32, #tpu.memory_space<hbm>> -> memref<10000x128xf32, #tpu.memory_space<hbm>>
        tpu.enqueue_indirect_dma source(%dma_start3A_682 : memref<10000x128xf32, #tpu.memory_space<hbm>>) target(%dma_start3A_678 : memref<64x128xf32, #tpu.memory_space<vmem>>) offsets(%dma_start3A_679 : memref<64xi32, #tpu.memory_space<vmem>>) semaphore(%arg13 : memref<!tpu.dma_semaphore, #tpu.memory_space<semaphore_mem>>)
      } else {
      }
      %mul3A_612 = arith.constant 4 : i32
      %mul3A_613 = arith.muli %while3A_558, %mul3A_612 : i32
      %add3A_614 = arith.constant 2 : i32
      %add3A_615 = arith.addi %mul3A_613, %add3A_614 : i32
      %lt3A_616 = arith.cmpi slt, %add3A_615, %div3A_518 : i32
      %convert_element_type3A_617 = arith.extui %lt3A_616 : i1 to i32
      %cond3A_618 = arith.constant 0 : i32
      %cond3A_619 = arith.cmpi ne, %convert_element_type3A_617, %cond3A_618 : i32
      scf.if %cond3A_619 {
        %mul3A_669 = arith.constant 64 : i32
        %mul3A_670 = arith.muli %add3A_615, %mul3A_669 : i32
        %dma_wait3A = arith.constant 2 : i32
        %dma_wait3A_671 = arith.constant 0 : i32
        %dma_wait3A_672 = arith.constant 0 : i32
        %dma_wait3A_673 = tpu.memref_slice %arg9[%dma_wait3A, %dma_wait3A_671, %dma_wait3A_672] : memref<4x64x128xf32, #tpu.memory_space<vmem>> -> memref<1x64x128xf32, #tpu.memory_space<vmem>>
        %dma_wait3A_674 = tpu.memref_squeeze %dma_wait3A_673 : memref<1x64x128xf32, #tpu.memory_space<vmem>> -> memref<64x128xf32, #tpu.memory_space<vmem>>
        %dma_wait3A_675 = tpu.memref_slice %arg7[%mul3A_670] : memref<20480xi32, #tpu.memory_space<vmem>> -> memref<64xi32, #tpu.memory_space<vmem>>
        %dma_wait3A_676 = arith.constant 0 : i32
        %dma_wait3A_677 = arith.constant 0 : i32
        %dma_wait3A_678 = tpu.memref_slice %arg2[%dma_wait3A_676, %dma_wait3A_677] : memref<10000x128xf32, #tpu.memory_space<hbm>> -> memref<10000x128xf32, #tpu.memory_space<hbm>>
        tpu.wait_indirect_dma semaphore(%arg15 : memref<!tpu.dma_semaphore, #tpu.memory_space<semaphore_mem>>) src(%dma_wait3A_678 : memref<10000x128xf32, #tpu.memory_space<hbm>>) dst(%dma_wait3A_674 : memref<64x128xf32, #tpu.memory_space<vmem>>)
        %mul3A_679 = arith.constant 64 : i32
        %mul3A_680 = arith.muli %add3A_615, %mul3A_679 : i32
        %add3A_681 = arith.constant 0 : i32
        %add3A_682 = arith.addi %mul3A_680, %add3A_681 : i32
        %get3A = arith.index_cast %add3A_682 : i32 to index
        %get3A_683 = tpu.vector_load %arg8[%get3A] {strides = array<i32>} : memref<20480xi32, #tpu.memory_space<vmem>>, vector<16xi32>,
        %swap3A_684 = arith.constant 2 : i32
        %swap3A_685 = arith.index_cast %swap3A_684 : i32 to index
        %swap3A_686 = arith.constant 0 : index
        %swap3A_687 = tpu.vector_load %arg10[%swap3A_685, %swap3A_686] {strides = array<i32>} : memref<4x64xi32, #tpu.memory_space<vmem>>, vector<16xi32>,
        tpu.vector_store %arg10[%swap3A_685, %swap3A_686], %get3A_683 {strides = array<i32>} : memref<4x64xi32, #tpu.memory_space<vmem>>, vector<16xi32>,
        %mul3A_688 = arith.constant 64 : i32
        %mul3A_689 = arith.muli %add3A_615, %mul3A_688 : i32
        %add3A_690 = arith.constant 16 : i32
        %add3A_691 = arith.addi %mul3A_689, %add3A_690 : i32
        %get3A_692 = arith.index_cast %add3A_691 : i32 to index
        %get3A_693 = tpu.vector_load %arg8[%get3A_692] {strides = array<i32>} : memref<20480xi32, #tpu.memory_space<vmem>>, vector<16xi32>,
        %swap3A_694 = arith.constant 2 : i32
        %swap3A_695 = arith.index_cast %swap3A_694 : i32 to index
        %swap3A_696 = arith.constant 16 : index
        %swap3A_697 = tpu.vector_load %arg10[%swap3A_695, %swap3A_696] {strides = array<i32>} : memref<4x64xi32, #tpu.memory_space<vmem>>, vector<16xi32>,
        tpu.vector_store %arg10[%swap3A_695, %swap3A_696], %get3A_693 {strides = array<i32>} : memref<4x64xi32, #tpu.memory_space<vmem>>, vector<16xi32>,
        %mul3A_698 = arith.constant 64 : i32
        %mul3A_699 = arith.muli %add3A_615, %mul3A_698 : i32
        %add3A_700 = arith.constant 32 : i32
        %add3A_701 = arith.addi %mul3A_699, %add3A_700 : i32
        %get3A_702 = arith.index_cast %add3A_701 : i32 to index
        %get3A_703 = tpu.vector_load %arg8[%get3A_702] {strides = array<i32>} : memref<20480xi32, #tpu.memory_space<vmem>>, vector<16xi32>,
        %swap3A_704 = arith.constant 2 : i32
        %swap3A_705 = arith.index_cast %swap3A_704 : i32 to index
        %swap3A_706 = arith.constant 32 : index
        %swap3A_707 = tpu.vector_load %arg10[%swap3A_705, %swap3A_706] {strides = array<i32>} : memref<4x64xi32, #tpu.memory_space<vmem>>, vector<16xi32>,
        tpu.vector_store %arg10[%swap3A_705, %swap3A_706], %get3A_703 {strides = array<i32>} : memref<4x64xi32, #tpu.memory_space<vmem>>, vector<16xi32>,
        %mul3A_708 = arith.constant 64 : i32
        %mul3A_709 = arith.muli %add3A_615, %mul3A_708 : i32
        %add3A_710 = arith.constant 48 : i32
        %add3A_711 = arith.addi %mul3A_709, %add3A_710 : i32
        %get3A_712 = arith.index_cast %add3A_711 : i32 to index
        %get3A_713 = tpu.vector_load %arg8[%get3A_712] {strides = array<i32>} : memref<20480xi32, #tpu.memory_space<vmem>>, vector<16xi32>,
        %swap3A_714 = arith.constant 2 : i32
        %swap3A_715 = arith.index_cast %swap3A_714 : i32 to index
        %swap3A_716 = arith.constant 48 : index
        %swap3A_717 = tpu.vector_load %arg10[%swap3A_715, %swap3A_716] {strides = array<i32>} : memref<4x64xi32, #tpu.memory_space<vmem>>, vector<16xi32>,
        tpu.vector_store %arg10[%swap3A_715, %swap3A_716], %get3A_713 {strides = array<i32>} : memref<4x64xi32, #tpu.memory_space<vmem>>, vector<16xi32>,
        %dma_start3A = arith.constant 2 : i32
        %dma_start3A_718 = arith.constant 2 : i32
        %dma_start3A_719 = arith.constant 0 : i32
        %dma_start3A_720 = arith.constant 0 : i32
        %dma_start3A_721 = tpu.memref_slice %arg9[%dma_start3A, %dma_start3A_719, %dma_start3A_720] : memref<4x64x128xf32, #tpu.memory_space<vmem>> -> memref<1x64x128xf32, #tpu.memory_space<vmem>>
        %dma_start3A_722 = tpu.memref_squeeze %dma_start3A_721 : memref<1x64x128xf32, #tpu.memory_space<vmem>> -> memref<64x128xf32, #tpu.memory_space<vmem>>
        %dma_start3A_723 = arith.constant 0 : i32
        %dma_start3A_724 = tpu.memref_slice %arg10[%dma_start3A_718, %dma_start3A_723] : memref<4x64xi32, #tpu.memory_space<vmem>> -> memref<1x64xi32, #tpu.memory_space<vmem>>
        %dma_start3A_725 = tpu.memref_squeeze %dma_start3A_724 : memref<1x64xi32, #tpu.memory_space<vmem>> -> memref<64xi32, #tpu.memory_space<vmem>>
        %dma_start3A_726 = arith.constant 0 : i32
        %dma_start3A_727 = arith.constant 0 : i32
        %dma_start3A_728 = tpu.memref_slice %arg12[%dma_start3A_726, %dma_start3A_727] : memref<5120x128xf32, #tpu.memory_space<vmem_shared>> -> memref<5120x128xf32, #tpu.memory_space<vmem_shared>>
        tpu.enqueue_indirect_dma source(%dma_start3A_722 : memref<64x128xf32, #tpu.memory_space<vmem>>) target(%dma_start3A_728 : memref<5120x128xf32, #tpu.memory_space<vmem_shared>>) offsets(%dma_start3A_725 : memref<64xi32, #tpu.memory_space<vmem>>) semaphore(%arg19 : memref<!tpu.dma_semaphore, #tpu.memory_space<semaphore_mem>>) {add = true}
      } else {
      }
      %ge3A_620 = arith.constant 1 : i32
      %ge3A_621 = arith.cmpi sge, %add3A_615, %ge3A_620 : i32
      %sub3A_622 = arith.constant 1 : i32
      %sub3A_623 = arith.subi %add3A_615, %sub3A_622 : i32
      %lt3A_624 = arith.cmpi slt, %sub3A_623, %div3A_518 : i32
      %and3A_625 = arith.andi %ge3A_621, %lt3A_624 : i1
      %convert_element_type3A_626 = arith.extui %and3A_625 : i1 to i32
      %cond3A_627 = arith.constant 0 : i32
      %cond3A_628 = arith.cmpi ne, %convert_element_type3A_626, %cond3A_627 : i32
      scf.if %cond3A_628 {
        %sub3A_669 = arith.constant 1 : i32
        %sub3A_670 = arith.subi %add3A_615, %sub3A_669 : i32
        %dma_wait3A = arith.constant 1 : i32
        %dma_wait3A_671 = arith.constant 1 : i32
        %dma_wait3A_672 = arith.constant 0 : i32
        %dma_wait3A_673 = arith.constant 0 : i32
        %dma_wait3A_674 = tpu.memref_slice %arg9[%dma_wait3A, %dma_wait3A_672, %dma_wait3A_673] : memref<4x64x128xf32, #tpu.memory_space<vmem>> -> memref<1x64x128xf32, #tpu.memory_space<vmem>>
        %dma_wait3A_675 = tpu.memref_squeeze %dma_wait3A_674 : memref<1x64x128xf32, #tpu.memory_space<vmem>> -> memref<64x128xf32, #tpu.memory_space<vmem>>
        %dma_wait3A_676 = arith.constant 0 : i32
        %dma_wait3A_677 = tpu.memref_slice %arg10[%dma_wait3A_671, %dma_wait3A_676] : memref<4x64xi32, #tpu.memory_space<vmem>> -> memref<1x64xi32, #tpu.memory_space<vmem>>
        %dma_wait3A_678 = tpu.memref_squeeze %dma_wait3A_677 : memref<1x64xi32, #tpu.memory_space<vmem>> -> memref<64xi32, #tpu.memory_space<vmem>>
        %dma_wait3A_679 = arith.constant 0 : i32
        %dma_wait3A_680 = arith.constant 0 : i32
        %dma_wait3A_681 = tpu.memref_slice %arg12[%dma_wait3A_679, %dma_wait3A_680] : memref<5120x128xf32, #tpu.memory_space<vmem_shared>> -> memref<5120x128xf32, #tpu.memory_space<vmem_shared>>
        tpu.wait_indirect_dma semaphore(%arg18 : memref<!tpu.dma_semaphore, #tpu.memory_space<semaphore_mem>>) src(%dma_wait3A_675 : memref<64x128xf32, #tpu.memory_space<vmem>>) dst(%dma_wait3A_681 : memref<5120x128xf32, #tpu.memory_space<vmem_shared>>)
      } else {
      }
      %ge3A_629 = arith.constant 1 : i32
      %ge3A_630 = arith.cmpi sge, %add3A_615, %ge3A_629 : i32
      %sub3A_631 = arith.constant 1 : i32
      %sub3A_632 = arith.subi %add3A_615, %sub3A_631 : i32
      %add3A_633 = arith.constant 4 : i32
      %add3A_634 = arith.addi %sub3A_632, %add3A_633 : i32
      %lt3A_635 = arith.cmpi slt, %add3A_634, %div3A_518 : i32
      %and3A_636 = arith.andi %ge3A_630, %lt3A_635 : i1
      %convert_element_type3A_637 = arith.extui %and3A_636 : i1 to i32
      %cond3A_638 = arith.constant 0 : i32
      %cond3A_639 = arith.cmpi ne, %convert_element_type3A_637, %cond3A_638 : i32
      scf.if %cond3A_639 {
        %sub3A_669 = arith.constant 1 : i32
        %sub3A_670 = arith.subi %add3A_615, %sub3A_669 : i32
        %add3A_671 = arith.constant 4 : i32
        %add3A_672 = arith.addi %sub3A_670, %add3A_671 : i32
        %mul3A_673 = arith.constant 64 : i32
        %mul3A_674 = arith.muli %add3A_672, %mul3A_673 : i32
        %dma_start3A = arith.constant 1 : i32
        %dma_start3A_675 = arith.constant 0 : i32
        %dma_start3A_676 = arith.constant 0 : i32
        %dma_start3A_677 = tpu.memref_slice %arg9[%dma_start3A, %dma_start3A_675, %dma_start3A_676] : memref<4x64x128xf32, #tpu.memory_space<vmem>> -> memref<1x64x128xf32, #tpu.memory_space<vmem>>
        %dma_start3A_678 = tpu.memref_squeeze %dma_start3A_677 : memref<1x64x128xf32, #tpu.memory_space<vmem>> -> memref<64x128xf32, #tpu.memory_space<vmem>>
        %dma_start3A_679 = tpu.memref_slice %arg7[%mul3A_674] : memref<20480xi32, #tpu.memory_space<vmem>> -> memref<64xi32, #tpu.memory_space<vmem>>
        %dma_start3A_680 = arith.constant 0 : i32
        %dma_start3A_681 = arith.constant 0 : i32
        %dma_start3A_682 = tpu.memref_slice %arg2[%dma_start3A_680, %dma_start3A_681] : memref<10000x128xf32, #tpu.memory_space<hbm>> -> memref<10000x128xf32, #tpu.memory_space<hbm>>
        tpu.enqueue_indirect_dma source(%dma_start3A_682 : memref<10000x128xf32, #tpu.memory_space<hbm>>) target(%dma_start3A_678 : memref<64x128xf32, #tpu.memory_space<vmem>>) offsets(%dma_start3A_679 : memref<64xi32, #tpu.memory_space<vmem>>) semaphore(%arg14 : memref<!tpu.dma_semaphore, #tpu.memory_space<semaphore_mem>>)
      } else {
      }
      %mul3A_640 = arith.constant 4 : i32
      %mul3A_641 = arith.muli %while3A_558, %mul3A_640 : i32
      %add3A_642 = arith.constant 3 : i32
      %add3A_643 = arith.addi %mul3A_641, %add3A_642 : i32
      %lt3A_644 = arith.cmpi slt, %add3A_643, %div3A_518 : i32
      %convert_element_type3A_645 = arith.extui %lt3A_644 : i1 to i32
      %cond3A_646 = arith.constant 0 : i32
      %cond3A_647 = arith.cmpi ne, %convert_element_type3A_645, %cond3A_646 : i32
      scf.if %cond3A_647 {
        %mul3A_669 = arith.constant 64 : i32
        %mul3A_670 = arith.muli %add3A_643, %mul3A_669 : i32
        %dma_wait3A = arith.constant 3 : i32
        %dma_wait3A_671 = arith.constant 0 : i32
        %dma_wait3A_672 = arith.constant 0 : i32
        %dma_wait3A_673 = tpu.memref_slice %arg9[%dma_wait3A, %dma_wait3A_671, %dma_wait3A_672] : memref<4x64x128xf32, #tpu.memory_space<vmem>> -> memref<1x64x128xf32, #tpu.memory_space<vmem>>
        %dma_wait3A_674 = tpu.memref_squeeze %dma_wait3A_673 : memref<1x64x128xf32, #tpu.memory_space<vmem>> -> memref<64x128xf32, #tpu.memory_space<vmem>>
        %dma_wait3A_675 = tpu.memref_slice %arg7[%mul3A_670] : memref<20480xi32, #tpu.memory_space<vmem>> -> memref<64xi32, #tpu.memory_space<vmem>>
        %dma_wait3A_676 = arith.constant 0 : i32
        %dma_wait3A_677 = arith.constant 0 : i32
        %dma_wait3A_678 = tpu.memref_slice %arg2[%dma_wait3A_676, %dma_wait3A_677] : memref<10000x128xf32, #tpu.memory_space<hbm>> -> memref<10000x128xf32, #tpu.memory_space<hbm>>
        tpu.wait_indirect_dma semaphore(%arg16 : memref<!tpu.dma_semaphore, #tpu.memory_space<semaphore_mem>>) src(%dma_wait3A_678 : memref<10000x128xf32, #tpu.memory_space<hbm>>) dst(%dma_wait3A_674 : memref<64x128xf32, #tpu.memory_space<vmem>>)
        %mul3A_679 = arith.constant 64 : i32
        %mul3A_680 = arith.muli %add3A_643, %mul3A_679 : i32
        %add3A_681 = arith.constant 0 : i32
        %add3A_682 = arith.addi %mul3A_680, %add3A_681 : i32
        %get3A = arith.index_cast %add3A_682 : i32 to index
        %get3A_683 = tpu.vector_load %arg8[%get3A] {strides = array<i32>} : memref<20480xi32, #tpu.memory_space<vmem>>, vector<16xi32>,
        %swap3A_684 = arith.constant 3 : i32
        %swap3A_685 = arith.index_cast %swap3A_684 : i32 to index
        %swap3A_686 = arith.constant 0 : index
        %swap3A_687 = tpu.vector_load %arg10[%swap3A_685, %swap3A_686] {strides = array<i32>} : memref<4x64xi32, #tpu.memory_space<vmem>>, vector<16xi32>,
        tpu.vector_store %arg10[%swap3A_685, %swap3A_686], %get3A_683 {strides = array<i32>} : memref<4x64xi32, #tpu.memory_space<vmem>>, vector<16xi32>,
        %mul3A_688 = arith.constant 64 : i32
        %mul3A_689 = arith.muli %add3A_643, %mul3A_688 : i32
        %add3A_690 = arith.constant 16 : i32
        %add3A_691 = arith.addi %mul3A_689, %add3A_690 : i32
        %get3A_692 = arith.index_cast %add3A_691 : i32 to index
        %get3A_693 = tpu.vector_load %arg8[%get3A_692] {strides = array<i32>} : memref<20480xi32, #tpu.memory_space<vmem>>, vector<16xi32>,
        %swap3A_694 = arith.constant 3 : i32
        %swap3A_695 = arith.index_cast %swap3A_694 : i32 to index
        %swap3A_696 = arith.constant 16 : index
        %swap3A_697 = tpu.vector_load %arg10[%swap3A_695, %swap3A_696] {strides = array<i32>} : memref<4x64xi32, #tpu.memory_space<vmem>>, vector<16xi32>,
        tpu.vector_store %arg10[%swap3A_695, %swap3A_696], %get3A_693 {strides = array<i32>} : memref<4x64xi32, #tpu.memory_space<vmem>>, vector<16xi32>,
        %mul3A_698 = arith.constant 64 : i32
        %mul3A_699 = arith.muli %add3A_643, %mul3A_698 : i32
        %add3A_700 = arith.constant 32 : i32
        %add3A_701 = arith.addi %mul3A_699, %add3A_700 : i32
        %get3A_702 = arith.index_cast %add3A_701 : i32 to index
        %get3A_703 = tpu.vector_load %arg8[%get3A_702] {strides = array<i32>} : memref<20480xi32, #tpu.memory_space<vmem>>, vector<16xi32>,
        %swap3A_704 = arith.constant 3 : i32
        %swap3A_705 = arith.index_cast %swap3A_704 : i32 to index
        %swap3A_706 = arith.constant 32 : index
        %swap3A_707 = tpu.vector_load %arg10[%swap3A_705, %swap3A_706] {strides = array<i32>} : memref<4x64xi32, #tpu.memory_space<vmem>>, vector<16xi32>,
        tpu.vector_store %arg10[%swap3A_705, %swap3A_706], %get3A_703 {strides = array<i32>} : memref<4x64xi32, #tpu.memory_space<vmem>>, vector<16xi32>,
        %mul3A_708 = arith.constant 64 : i32
        %mul3A_709 = arith.muli %add3A_643, %mul3A_708 : i32
        %add3A_710 = arith.constant 48 : i32
        %add3A_711 = arith.addi %mul3A_709, %add3A_710 : i32
        %get3A_712 = arith.index_cast %add3A_711 : i32 to index
        %get3A_713 = tpu.vector_load %arg8[%get3A_712] {strides = array<i32>} : memref<20480xi32, #tpu.memory_space<vmem>>, vector<16xi32>,
        %swap3A_714 = arith.constant 3 : i32
        %swap3A_715 = arith.index_cast %swap3A_714 : i32 to index
        %swap3A_716 = arith.constant 48 : index
        %swap3A_717 = tpu.vector_load %arg10[%swap3A_715, %swap3A_716] {strides = array<i32>} : memref<4x64xi32, #tpu.memory_space<vmem>>, vector<16xi32>,
        tpu.vector_store %arg10[%swap3A_715, %swap3A_716], %get3A_713 {strides = array<i32>} : memref<4x64xi32, #tpu.memory_space<vmem>>, vector<16xi32>,
        %dma_start3A = arith.constant 3 : i32
        %dma_start3A_718 = arith.constant 3 : i32
        %dma_start3A_719 = arith.constant 0 : i32
        %dma_start3A_720 = arith.constant 0 : i32
        %dma_start3A_721 = tpu.memref_slice %arg9[%dma_start3A, %dma_start3A_719, %dma_start3A_720] : memref<4x64x128xf32, #tpu.memory_space<vmem>> -> memref<1x64x128xf32, #tpu.memory_space<vmem>>
        %dma_start3A_722 = tpu.memref_squeeze %dma_start3A_721 : memref<1x64x128xf32, #tpu.memory_space<vmem>> -> memref<64x128xf32, #tpu.memory_space<vmem>>
        %dma_start3A_723 = arith.constant 0 : i32
        %dma_start3A_724 = tpu.memref_slice %arg10[%dma_start3A_718, %dma_start3A_723] : memref<4x64xi32, #tpu.memory_space<vmem>> -> memref<1x64xi32, #tpu.memory_space<vmem>>
        %dma_start3A_725 = tpu.memref_squeeze %dma_start3A_724 : memref<1x64xi32, #tpu.memory_space<vmem>> -> memref<64xi32, #tpu.memory_space<vmem>>
        %dma_start3A_726 = arith.constant 0 : i32
        %dma_start3A_727 = arith.constant 0 : i32
        %dma_start3A_728 = tpu.memref_slice %arg12[%dma_start3A_726, %dma_start3A_727] : memref<5120x128xf32, #tpu.memory_space<vmem_shared>> -> memref<5120x128xf32, #tpu.memory_space<vmem_shared>>
        tpu.enqueue_indirect_dma source(%dma_start3A_722 : memref<64x128xf32, #tpu.memory_space<vmem>>) target(%dma_start3A_728 : memref<5120x128xf32, #tpu.memory_space<vmem_shared>>) offsets(%dma_start3A_725 : memref<64xi32, #tpu.memory_space<vmem>>) semaphore(%arg20 : memref<!tpu.dma_semaphore, #tpu.memory_space<semaphore_mem>>) {add = true}
      } else {
      }
      %ge3A_648 = arith.constant 1 : i32
      %ge3A_649 = arith.cmpi sge, %add3A_643, %ge3A_648 : i32
      %sub3A_650 = arith.constant 1 : i32
      %sub3A_651 = arith.subi %add3A_643, %sub3A_650 : i32
      %lt3A_652 = arith.cmpi slt, %sub3A_651, %div3A_518 : i32
      %and3A_653 = arith.andi %ge3A_649, %lt3A_652 : i1
      %convert_element_type3A_654 = arith.extui %and3A_653 : i1 to i32
      %cond3A_655 = arith.constant 0 : i32
      %cond3A_656 = arith.cmpi ne, %convert_element_type3A_654, %cond3A_655 : i32
      scf.if %cond3A_656 {
        %sub3A_669 = arith.constant 1 : i32
        %sub3A_670 = arith.subi %add3A_643, %sub3A_669 : i32
        %dma_wait3A = arith.constant 2 : i32
        %dma_wait3A_671 = arith.constant 2 : i32
        %dma_wait3A_672 = arith.constant 0 : i32
        %dma_wait3A_673 = arith.constant 0 : i32
        %dma_wait3A_674 = tpu.memref_slice %arg9[%dma_wait3A, %dma_wait3A_672, %dma_wait3A_673] : memref<4x64x128xf32, #tpu.memory_space<vmem>> -> memref<1x64x128xf32, #tpu.memory_space<vmem>>
        %dma_wait3A_675 = tpu.memref_squeeze %dma_wait3A_674 : memref<1x64x128xf32, #tpu.memory_space<vmem>> -> memref<64x128xf32, #tpu.memory_space<vmem>>
        %dma_wait3A_676 = arith.constant 0 : i32
        %dma_wait3A_677 = tpu.memref_slice %arg10[%dma_wait3A_671, %dma_wait3A_676] : memref<4x64xi32, #tpu.memory_space<vmem>> -> memref<1x64xi32, #tpu.memory_space<vmem>>
        %dma_wait3A_678 = tpu.memref_squeeze %dma_wait3A_677 : memref<1x64xi32, #tpu.memory_space<vmem>> -> memref<64xi32, #tpu.memory_space<vmem>>
        %dma_wait3A_679 = arith.constant 0 : i32
        %dma_wait3A_680 = arith.constant 0 : i32
        %dma_wait3A_681 = tpu.memref_slice %arg12[%dma_wait3A_679, %dma_wait3A_680] : memref<5120x128xf32, #tpu.memory_space<vmem_shared>> -> memref<5120x128xf32, #tpu.memory_space<vmem_shared>>
        tpu.wait_indirect_dma semaphore(%arg19 : memref<!tpu.dma_semaphore, #tpu.memory_space<semaphore_mem>>) src(%dma_wait3A_675 : memref<64x128xf32, #tpu.memory_space<vmem>>) dst(%dma_wait3A_681 : memref<5120x128xf32, #tpu.memory_space<vmem_shared>>)
      } else {
      }
      %ge3A_657 = arith.constant 1 : i32
      %ge3A_658 = arith.cmpi sge, %add3A_643, %ge3A_657 : i32
      %sub3A_659 = arith.constant 1 : i32
      %sub3A_660 = arith.subi %add3A_643, %sub3A_659 : i32
      %add3A_661 = arith.constant 4 : i32
      %add3A_662 = arith.addi %sub3A_660, %add3A_661 : i32
      %lt3A_663 = arith.cmpi slt, %add3A_662, %div3A_518 : i32
      %and3A_664 = arith.andi %ge3A_658, %lt3A_663 : i1
      %convert_element_type3A_665 = arith.extui %and3A_664 : i1 to i32
      %cond3A_666 = arith.constant 0 : i32
      %cond3A_667 = arith.cmpi ne, %convert_element_type3A_665, %cond3A_666 : i32
      scf.if %cond3A_667 {
        %sub3A_669 = arith.constant 1 : i32
        %sub3A_670 = arith.subi %add3A_643, %sub3A_669 : i32
        %add3A_671 = arith.constant 4 : i32
        %add3A_672 = arith.addi %sub3A_670, %add3A_671 : i32
        %mul3A_673 = arith.constant 64 : i32
        %mul3A_674 = arith.muli %add3A_672, %mul3A_673 : i32
        %dma_start3A = arith.constant 2 : i32
        %dma_start3A_675 = arith.constant 0 : i32
        %dma_start3A_676 = arith.constant 0 : i32
        %dma_start3A_677 = tpu.memref_slice %arg9[%dma_start3A, %dma_start3A_675, %dma_start3A_676] : memref<4x64x128xf32, #tpu.memory_space<vmem>> -> memref<1x64x128xf32, #tpu.memory_space<vmem>>
        %dma_start3A_678 = tpu.memref_squeeze %dma_start3A_677 : memref<1x64x128xf32, #tpu.memory_space<vmem>> -> memref<64x128xf32, #tpu.memory_space<vmem>>
        %dma_start3A_679 = tpu.memref_slice %arg7[%mul3A_674] : memref<20480xi32, #tpu.memory_space<vmem>> -> memref<64xi32, #tpu.memory_space<vmem>>
        %dma_start3A_680 = arith.constant 0 : i32
        %dma_start3A_681 = arith.constant 0 : i32
        %dma_start3A_682 = tpu.memref_slice %arg2[%dma_start3A_680, %dma_start3A_681] : memref<10000x128xf32, #tpu.memory_space<hbm>> -> memref<10000x128xf32, #tpu.memory_space<hbm>>
        tpu.enqueue_indirect_dma source(%dma_start3A_682 : memref<10000x128xf32, #tpu.memory_space<hbm>>) target(%dma_start3A_678 : memref<64x128xf32, #tpu.memory_space<vmem>>) offsets(%dma_start3A_679 : memref<64xi32, #tpu.memory_space<vmem>>) semaphore(%arg15 : memref<!tpu.dma_semaphore, #tpu.memory_space<semaphore_mem>>)
      } else {
      }
      %while3A_668 = arith.constant 0 : i32
      scf.yield %while3A_668 : i32
    }
    %barrier3A_553 = arith.constant 0 : index
    tpu.barrier barrier_id(%barrier3A_553)
    %mul3A_554 = arith.constant 320 : i32
    %mul3A_555 = arith.muli %arg1, %mul3A_554 : i32
    %mul3A_556 = arith.constant 320 : i32
    %mul3A_557 = arith.muli %arg1, %mul3A_556 : i32
    "tpu.region"() ({
      %run_scoped3A_558 = tpu.sem_alloc : memref<!tpu.dma_semaphore, #tpu.memory_space<semaphore_mem>>
      %dma_start3A = arith.constant 0 : i32
      %dma_start3A_559 = tpu.memref_slice %arg4[%arg0, %mul3A_557, %dma_start3A] : memref<2x5120x128xf32, #tpu.memory_space<hbm>> -> memref<1x320x128xf32, #tpu.memory_space<hbm>>
      %dma_start3A_560 = tpu.memref_squeeze %dma_start3A_559 : memref<1x320x128xf32, #tpu.memory_space<hbm>> -> memref<320x128xf32, #tpu.memory_space<hbm>>
      %dma_start3A_561 = arith.constant 0 : i32
      %dma_start3A_562 = tpu.memref_slice %arg12[%mul3A_555, %dma_start3A_561] : memref<5120x128xf32, #tpu.memory_space<vmem_shared>> -> memref<320x128xf32, #tpu.memory_space<vmem_shared>>
      tpu.enqueue_dma source(%dma_start3A_562 : memref<320x128xf32, #tpu.memory_space<vmem_shared>>) target(%dma_start3A_560 : memref<320x128xf32, #tpu.memory_space<hbm>>) target_semaphore(%run_scoped3A_558 : memref<!tpu.dma_semaphore, #tpu.memory_space<semaphore_mem>>)
      %dma_wait3A = arith.constant 0 : i32
      %dma_wait3A_563 = tpu.memref_slice %arg4[%arg0, %mul3A_557, %dma_wait3A] : memref<2x5120x128xf32, #tpu.memory_space<hbm>> -> memref<1x320x128xf32, #tpu.memory_space<hbm>>
      %dma_wait3A_564 = tpu.memref_squeeze %dma_wait3A_563 : memref<1x320x128xf32, #tpu.memory_space<hbm>> -> memref<320x128xf32, #tpu.memory_space<hbm>>
      %dma_wait3A_565 = arith.constant 0 : i32
      %dma_wait3A_566 = tpu.memref_slice %arg12[%mul3A_555, %dma_wait3A_565] : memref<5120x128xf32, #tpu.memory_space<vmem_shared>> -> memref<320x128xf32, #tpu.memory_space<vmem_shared>>
      tpu.wait_dma2 semaphore(%run_scoped3A_558 : memref<!tpu.dma_semaphore, #tpu.memory_space<semaphore_mem>>) src(%dma_wait3A_566 : memref<320x128xf32, #tpu.memory_space<vmem_shared>>) dst(%dma_wait3A_564 : memref<320x128xf32, #tpu.memory_space<hbm>>)
      tpu.yield
    }) : () -> ()
    return
  }
}

module attributes {stable_mosaic.version = 14 : i64} {
  func.func @body(%arg0: i32, %arg1: memref<1x1xf32, #tpu.memory_space<vmem>>, %arg2: memref<1000x128xf32, #tpu.memory_space<vmem>>, %arg3: memref<1x1000x128xf32, #tpu.memory_space<vmem>>, %arg4: memref<128x128xf32, #tpu.memory_space<vmem>>, %arg5: memref<1x128xf32, #tpu.memory_space<vmem>>, %arg6: memref<1000x128xf32, #tpu.memory_space<vmem>>) attributes {dimension_semantics = [#tpu.dimension_semantics<arbitrary>], iteration_bounds = array<i64: 10>, scalar_prefetch = 0 : i64, scratch_operands = 0 : i64, tpu.core_type = #tpu.core_type<tc>, window_params = [{pipeline_mode = #tpu.pipeline_mode<synchronous>, transform_indices = @transform_0, window_bounds = array<i64: 1, 1>}, {transform_indices = @transform_1, window_bounds = array<i64: 1000, 128>}, {transform_indices = @transform_2, window_bounds = array<i64: 1, 1000, 128>}, {pipeline_mode = #tpu.pipeline_mode<synchronous>, transform_indices = @transform_3, window_bounds = array<i64: 128, 128>}, {pipeline_mode = #tpu.pipeline_mode<synchronous>, transform_indices = @transform_4, window_bounds = array<i64: 1, 128>}, {transform_indices = @transform_5, window_bounds = array<i64: 1000, 128>}]} {
    %get3A = arith.constant 0 : index
    %get3A_0 = arith.constant 0 : index
    %get3A_1 = vector.load %arg1[%get3A, %get3A_0] : memref<1x1xf32, #tpu.memory_space<vmem>>, vector<1x1xf32>
    %get3A_2 = vector.extract %get3A_1[0, 0] : f32 from vector<1x1xf32>
    %add3A = arith.constant 1.000000e+00 : f32
    %add3A_3 = arith.addf %add3A, %get3A_2 : f32
    %get3A_4 = arith.constant 0 : index
    %get3A_5 = arith.constant 0 : index
    %get3A_6 = vector.load %arg2[%get3A_4, %get3A_5] : memref<1000x128xf32, #tpu.memory_space<vmem>>, vector<1000x128xf32>
    %mul3A = vector.broadcast %add3A_3 : f32 to vector<1000x128xf32>
    %mul3A_7 = arith.mulf %get3A_6, %mul3A : vector<1000x128xf32>
    %get3A_8 = arith.constant 0 : index
    %get3A_9 = arith.constant 0 : index
    %get3A_10 = arith.constant 0 : index
    %get3A_11 = vector.load %arg3[%get3A_8, %get3A_9, %get3A_10] : memref<1x1000x128xf32, #tpu.memory_space<vmem>>, vector<1x1000x128xf32>
    %get3A_12 = vector.shape_cast %get3A_11 : vector<1x1000x128xf32> to vector<1000x128xf32>
    %add3A_13 = arith.addf %mul3A_7, %get3A_12 : vector<1000x128xf32>
    %get3A_14 = arith.constant 0 : index
    %get3A_15 = arith.constant 0 : index
    %get3A_16 = vector.load %arg4[%get3A_14, %get3A_15] : memref<128x128xf32, #tpu.memory_space<vmem>>, vector<128x128xf32>
    %dot_general3A = arith.constant dense<0.000000e+00> : vector<1000x128xf32>
    %dot_general3A_17 = tpu.matmul %add3A_13, %get3A_16, %dot_general3A {dimension_numbers = #tpu.dot_dimension_numbers<[1], [1], [0], [0], [0, 0, 1, 0], [], []>, transpose_lhs_hint = false} : vector<1000x128xf32>, vector<128x128xf32>, vector<1000x128xf32> -> vector<1000x128xf32>
    %get3A_18 = arith.constant 0 : index
    %get3A_19 = arith.constant 0 : index
    %get3A_20 = vector.load %arg5[%get3A_18, %get3A_19] : memref<1x128xf32, #tpu.memory_space<vmem>>, vector<1x128xf32>
    %add3A_21 = vector.broadcast %get3A_20 : vector<1x128xf32> to vector<1000x128xf32>
    %add3A_22 = arith.addf %dot_general3A_17, %add3A_21 : vector<1000x128xf32>
    %swap3A = arith.constant 0 : index
    %swap3A_23 = arith.constant 0 : index
    %swap3A_24 = vector.load %arg6[%swap3A, %swap3A_23] : memref<1000x128xf32, #tpu.memory_space<vmem>>, vector<1000x128xf32>
    tpu.vector_store %arg6[%swap3A, %swap3A_23], %add3A_22 {strides = array<i32>} : memref<1000x128xf32, #tpu.memory_space<vmem>>, vector<1000x128xf32>,
    return
  }
  func.func @transform_0(%arg0: i32) -> (i32, i32) {
    %c0_i32 = arith.constant 0 : i32
    %c0_i32_0 = arith.constant 0 : i32
    %c0_i32_1 = arith.constant 0 : i32
    return %c0_i32, %c0_i32_0 : i32, i32
  }
  func.func @transform_1(%arg0: i32) -> (i32, i32) {
    %c0_i32 = arith.constant 0 : i32
    %c0_i32_0 = arith.constant 0 : i32
    return %arg0, %c0_i32 : i32, i32
  }
  func.func @transform_2(%arg0: i32) -> (i32, i32, i32) {
    %jit3A = arith.constant 5 : i32
    %div3A = arith.divsi %arg0, %jit3A : i32
    %sign3A = arith.constant 0 : i32
    %sign3A_0 = arith.cmpi sgt, %arg0, %sign3A : i32
    %sign3A_1 = arith.extui %sign3A_0 : i1 to i32
    %sign3A_2 = arith.constant 0 : i32
    %sign3A_3 = arith.cmpi slt, %arg0, %sign3A_2 : i32
    %sign3A_4 = arith.extui %sign3A_3 : i1 to i32
    %sign3A_5 = arith.subi %sign3A_1, %sign3A_4 : i32
    %sign3A_6 = arith.constant 0 : i32
    %sign3A_7 = arith.cmpi sgt, %jit3A, %sign3A_6 : i32
    %sign3A_8 = arith.extui %sign3A_7 : i1 to i32
    %sign3A_9 = arith.constant 0 : i32
    %sign3A_10 = arith.cmpi slt, %jit3A, %sign3A_9 : i32
    %sign3A_11 = arith.extui %sign3A_10 : i1 to i32
    %sign3A_12 = arith.subi %sign3A_8, %sign3A_11 : i32
    %ne3A = arith.cmpi ne, %sign3A_5, %sign3A_12 : i32
    %rem3A = arith.remsi %arg0, %jit3A : i32
    %ne3A_13 = arith.constant 0 : i32
    %ne3A_14 = arith.cmpi ne, %rem3A, %ne3A_13 : i32
    %and3A = arith.andi %ne3A, %ne3A_14 : i1
    %sub3A = arith.constant 1 : i32
    %sub3A_15 = arith.subi %div3A, %sub3A : i32
    %select_n3A = arith.select %and3A, %sub3A_15, %div3A : i32
    %jit3A_16 = arith.constant 5 : i32
    %eq3A = arith.constant 0 : i32
    %eq3A_17 = arith.cmpi eq, %jit3A_16, %eq3A : i32
    %jit3A_18 = arith.constant 1 : i32
    %select_n3A_19 = arith.select %eq3A_17, %jit3A_18, %jit3A_16 : i32
    %rem3A_20 = arith.remsi %arg0, %select_n3A_19 : i32
    %ne3A_21 = arith.constant 0 : i32
    %ne3A_22 = arith.cmpi ne, %rem3A_20, %ne3A_21 : i32
    %lt3A = arith.constant 0 : i32
    %lt3A_23 = arith.cmpi slt, %rem3A_20, %lt3A : i32
    %lt3A_24 = arith.constant 0 : i32
    %lt3A_25 = arith.cmpi slt, %select_n3A_19, %lt3A_24 : i32
    %ne3A_26 = arith.xori %lt3A_23, %lt3A_25 : i1
    %and3A_27 = arith.andi %ne3A_26, %ne3A_22 : i1
    %add3A = arith.addi %rem3A_20, %select_n3A_19 : i32
    %select_n3A_28 = arith.select %and3A_27, %add3A, %rem3A_20 : i32
    %c0_i32 = arith.constant 0 : i32
    %c0_i32_29 = arith.constant 0 : i32
    return %select_n3A, %select_n3A_28, %c0_i32 : i32, i32, i32
  }
  func.func @transform_3(%arg0: i32) -> (i32, i32) {
    %c0_i32 = arith.constant 0 : i32
    %c0_i32_0 = arith.constant 0 : i32
    %c0_i32_1 = arith.constant 0 : i32
    return %c0_i32, %c0_i32_0 : i32, i32
  }
  func.func @transform_4(%arg0: i32) -> (i32, i32) {
    %c0_i32 = arith.constant 0 : i32
    %c0_i32_0 = arith.constant 0 : i32
    %c0_i32_1 = arith.constant 0 : i32
    return %c0_i32, %c0_i32_0 : i32, i32
  }
  func.func @transform_5(%arg0: i32) -> (i32, i32) {
    %c0_i32 = arith.constant 0 : i32
    %c0_i32_0 = arith.constant 0 : i32
    return %arg0, %c0_i32 : i32, i32
  }
}

</mosaic_0001>

<sc_bundles>
// kernel: kernel.4.cloned.1.call-start
scs
__scs_entry_jumppad:
0x0: {  	(pc) =	sbr.rel $0x88, $3  }
0x1: {  	(tag) =	ssettag $0x0;
	lr =	simm.s32 $0x1  }
0x2: {  	[smem:$0x3F9C] =	sst lr;
	_ =	strace $0xD0000000  }
0x3: {  	_ = 	snop  }
0x4: {  	_ = 	snop  }
0x5: {  	_ = 	snop  }
0x6: {  	_ = 	snop  }
0x7: {  	_ = 	snop  }
__scs_overlays_trampoline_lowered:
0x8: {  	[smem:$0x3FAB] =	sst s0  }
0x9: {  	[smem:$0x3FAC] =	sst s1  }
0xa: {  	[smem:$0x3FAD] =	sst s2  }
0xb: {  	[smem:$0x3FAE] =	sst s3  }
0xc: {  	[smem:$0x3FAF] =	sst s4  }
0xd: {  	[smem:$0x3FB0] =	sst s5  }
0xe: {  	[smem:$0x3FB1] =	sst s6  }
0xf: {  	[smem:$0x3FB2] =	sst s7  }
0x10: {  	[smem:$0x3FB3] =	sst s8  }
0x11: {  	[smem:$0x3FB4] =	sst s9;
	s0 =	simm.s32 @!p0 $0x0  }
0x12: {  	s1 =	sld [smem:$0x3F9A];
	s0 =	simm.s32 @p0 $0x1  }
0x13: {  	[smem:$0x3FB5] =	sst s0;
	s0 =	simm.s32 @!p1 $0x0  }
0x14: {  	s2 =	sld [smem:$0x3F99];
	s0 =	simm.s32 @p1 $0x1  }
0x15: {  	[smem:$0x3FB6] =	sst s0;
	s0 =	simm.s32 @!p2 $0x0  }
0x16: {  	s3 =	sld [smem:$0x3FDB];
	s0 =	simm.s32 @p2 $0x1  }
0x17: {  	s4 =	simm.s32 $0x1BF5;
	[smem:$0x3FB8] =	sst s0  }
0x18: {  	s0 =	sld [smem:$0x3F9B];
	_ =	swait.ge [sflag:s4], $0x0  }
0x19: {  	s7 =	sld [smem:$0x3F9C]  }
0x1a: {  	s8 =	sadd.s32 $0xFFFFE003, lr  }
0x1b: {  	s9 =	sadd.s32 $0xFFFFFEF7, lr;
	s5 =	simm.s32 $0xFFFFFFFF;
	p2 =	slt.u32 s8, $0xFFFFF086  }
0x1c: {  	p1 =	slt.u32 s9, $0xF7A;
	s5 =	simm.s32 @!p2 $0x0  }
0x1d: {  	s5 =	simm.s32 @p1 $0x1;
	p0 =	seq.s32 s7, s2  }
0x1e: {  	s7 =	smul.u32 @!p0 $0xF7A, s2;
	p2 =	seq.s32 @!p0 s5, $0x0  }
0x1f: {  	s9 =	smul.u32 $0xF7A, s1;
	s8 =	simm.s32 @!p0 $0x1BF5;
	p2 =	por !p2, p0  }
0x20: {  	[sflag:s8] =	ssyncset.s32 @!p0 $0xFFFFF086;
	s6 =	sadd.s32 @!p0 s3, s7;
	s7 =	simm.s32 @!p0 $0x108  }
0x21: {  	s3 =	sadd.s32 s3, s9;
	s6 =	sadd.s32 @!p0 $0x88, s6;
	s7 =	simm.s32 @p2 $0x1082  }
0x22: {  	[simem:s7], [sflag:s8] =	dma.local @!p0 [hbm:s6], $0xF7A  }
0x23: {  	s9 =	sor.u32 $0xD0000000, s2;
	s6 =	simm.s32 $0x108;
	_ =	swait.ge @!p0 [sflag:s8], $0x0  }
0x24: {  	s3 =	sadd.s32 $0x88, s3;
	s6 =	simm.s32 @!p1 $0x1082;
	[sflag:s4] =	ssyncset.s32 $0xFFFFF086  }
0x25: {  	[simem:s6], [sflag:s4] =	dma.local [hbm:s3], $0xF7A  }
0x26: {  	[smem:$0x3F9C] =	sst s1;
	(tag) =	ssettag s2;
	_ =	strace s9  }
0x27: {  	s1 =	sld [smem:$0x3FAC]  }
0x28: {  	s2 =	sld [smem:$0x3FAD]  }
0x29: {  	s4 =	sld [smem:$0x3FAF]  }
0x2a: {  	p0 =	seq.s32 s5, $0x0;
	s5 =	sld [smem:$0x3FB0]  }
0x2b: {  	s6 =	sld [smem:$0x3FB1]  }
0x2c: {  	s7 =	sld [smem:$0x3FB2]  }
0x2d: {  	s3 =	simm.s32 $0x108;
	s8 =	sld [smem:$0x3FB3]  }
0x2e: {  	s3 =	simm.s32 @!p0 $0x1082;
	s9 =	sld [smem:$0x3FB4]  }
0x2f: {  	lr =	sadd.s32 s0, s3;
	s0 =	sld [smem:$0x3FAB]  }
0x30: {  	s3 =	sld [smem:$0x3FAE]  }
0x31: {  	[smem:$0x3FB7] =	sst s10  }
0x32: {  	s10 =	sld [smem:$0x3FB5];
	_ =	sdelay $0x3  }
0x33: {  	p0 =	seq.s32 s10, $0x1;
	s10 =	sld [smem:$0x3FB7];
	_ =	sdelay $0x3  }
0x34: {  	[smem:$0x3FB7] =	sst s10  }
0x35: {  	s10 =	sld [smem:$0x3FB6];
	_ =	sdelay $0x3  }
0x36: {  	p1 =	seq.s32 s10, $0x1;
	s10 =	sld [smem:$0x3FB7];
	_ =	sdelay $0x3  }
0x37: {  	[smem:$0x3FB7] =	sst s10  }
0x38: {  	s10 =	sld [smem:$0x3FB8]  }
0x39: {  	_ = 	snop;
	(pc) =	sbr.ind lr, $3  }
0x3a: {  	_ = 	snop  }
0x3b: {  	_ = 	snop  }
0x3c: {  	p2 =	seq.s32 s10, $0x1;
	s10 =	sld [smem:$0x3FB7]  }
0x3d: {  	_ =	shalt  }
0x3e: {  	_ =	shalt  }
0x3f: {  	_ =	shalt  }
0x40: {  	_ =	shalt  }
0x41: {  	_ =	shalt  }
0x42: {  	_ =	shalt  }
0x43: {  	_ =	shalt  }
0x44: {  	_ =	shalt  }
0x45: {  	_ =	shalt  }
0x46: {  	_ =	shalt  }
0x47: {  	_ =	shalt  }
0x48: {  	_ =	shalt  }
0x49: {  	_ =	shalt  }
0x4a: {  	_ =	shalt  }
0x4b: {  	_ =	shalt  }
0x4c: {  	_ =	shalt  }
0x4d: {  	_ =	shalt  }
0x4e: {  	_ =	shalt  }
0x4f: {  	_ =	shalt  }
0x50: {  	_ =	shalt  }
0x51: {  	_ =	shalt  }
0x52: {  	_ =	shalt  }
0x53: {  	_ =	shalt  }
0x54: {  	_ =	shalt  }
0x55: {  	_ =	shalt  }
0x56: {  	_ =	shalt  }
0x57: {  	_ =	shalt  }
0x58: {  	_ =	shalt  }
0x59: {  	_ =	shalt  }
0x5a: {  	_ =	shalt  }
0x5b: {  	_ =	shalt  }
0x5c: {  	_ =	shalt  }
0x5d: {  	_ =	shalt  }
0x5e: {  	_ =	shalt  }
0x5f: {  	_ =	shalt  }
0x60: {  	_ =	shalt  }
0x61: {  	_ =	shalt  }
0x62: {  	_ =	shalt  }
0x63: {  	_ =	shalt  }
0x64: {  	_ =	shalt  }
0x65: {  	_ =	shalt  }
0x66: {  	_ =	shalt  }
0x67: {  	_ =	shalt  }
0x68: {  	_ =	shalt  }
0x69: {  	_ =	shalt  }
0x6a: {  	_ =	shalt  }
0x6b: {  	_ =	shalt  }
0x6c: {  	_ =	shalt  }
0x6d: {  	_ =	shalt  }
0x6e: {  	_ =	shalt  }
0x6f: {  	_ =	shalt  }
0x70: {  	_ =	shalt  }
0x71: {  	_ =	shalt  }
0x72: {  	_ =	shalt  }
0x73: {  	_ =	shalt  }
0x74: {  	_ =	shalt  }
0x75: {  	_ =	shalt  }
0x76: {  	_ =	shalt  }
0x77: {  	_ =	shalt  }
0x78: {  	_ =	shalt  }
0x79: {  	_ =	shalt  }
0x7a: {  	_ =	shalt  }
0x7b: {  	_ =	shalt  }
0x7c: {  	_ =	shalt  }
0x7d: {  	_ =	shalt  }
0x7e: {  	_ =	shalt  }
0x7f: {  	_ =	shalt  }
0x80: {  	_ =	shalt  }
0x81: {  	_ =	shalt  }
0x82: {  	_ =	shalt  }
0x83: {  	_ =	shalt  }
0x84: {  	_ =	shalt  }
0x85: {  	_ =	shalt  }
0x86: {  	_ =	shalt  }
0x87: {  	_ =	shalt  }
.Lfunc_end0:
.L_simem_size_0:
called_computation_lowered:
.L_overlay_start_0:
0x88: {  	s2 =	sld [smem:$0x3FD9]  }
0x89: {  	s3 =	sld [smem:$0x3FFE];
	_ =	sdelay $0x1  }
0x8a: {  	s1 =	srdreg.scid  }
0x8b: {  	s0 =	sand.u32 $0x1, s1  }
0x8c: {  	s17 =	sshll.u32 s0, $0xA;
	s2 =	sadd.s32 s3, s2  }
0x8d: {  	s2 =	sadd.s32 s2, s17  }
0x8e: {  	[smem:$0x3FC3] =	sst s2  }
0x8f: {  	_ = 	snop  }
0x90: {  	s2 =	sld [smem:$0x3FC9]  }
0x91: {  	s18 =	sld [smem:$0x3FD0];
	(tm) =	ssettm $0x1  }
0x92: {  	s4 =	sld [smem:$0x3FFB];
	_ =	sdelay $0x3  }
0x93: {  	_ =	strace s4  }
0x94: {  	s4 =	sld [smem:$0x3FFC];
	_ =	sdelay $0x3  }
0x95: {  	_ =	strace s4  }
0x96: {  	s4 =	sld [smem:$0x3FFD];
	_ =	sdelay $0x3  }
0x97: {  	_ =	strace s4  }
0x98: {  	_ =	strace $0x8FFFFFFF  }
0x99: {  	s19 =	sld [smem:$0x3FDB];
	_ =	sdelay $0x1  }
0x9a: {  	s5 =	simm.s32 $_scs_section_size  }
0x9b: {  	s6 =	simm.s32 $_size__tile_overlayer_lowered;
	s7 =	simm.s32 $_tile_overlayer_lowered  }
0x9c: {  	s22 =	simm.s32 $0x1BFF;
	s21 =	sshll.u32 s7, $0x1;
	s4 =	sadd.s32 s5, s19  }
0x9d: {  	s8 =	simm.s32 $0x0;
	s20 =	sshll.u32 s6, $0x1;
	s6 =	sadd.s32 s21, s4  }
0x9e: {  	[timem:s8], [sflag:s22] =	dma.local [hbm:s6], s20  }
0x9f: {  	_ =	swait.ge [sflag:s22], s20  }
0xa0: {  	s5 =	ssub.s32 $0x0, s20;
	[sflag:s22] =	ssyncset.done $0x0  }
0xa1: {  	[sflag:s22] =	ssyncadd.s32 s5;
	_ =	sdelay $0x1  }
0xa2: {  	s23 =	simm.s32 $0x1B8B  }
0xa3: {  	_ =	swait.ge [sflag:s23], $0x1  }
0xa4: {  	[sflag:s23] =	ssyncset.done $0x0  }
0xa5: {  	s25 =	simm.s32 $0x1B8E;
	s24 =	sld [smem:$0x3FFE];
	[sflag:s23] =	ssyncadd.s32 $0xFFFFFFFF  }
0xa6: {  	s26 =	simm.s32 $execute0_lowered;
	[smem:$0x3FD2] =	sst s25  }
0xa7: {  	s6 =	sshll.u32 s26, $0x1;
	_ =	strace $0x80000046;
	[dreg:$0x1] =	wrdreg $0xFFFFFFFF  }
0xa8: {  	s28 =	simm.s32 $_size_execute0_lowered;
	s4 =	sadd.s32 s4, s6;
	[dreg:$0x0] =	wrdreg $0x0  }
0xa9: {  	s6 =	sshll.u32 s28, $0x1;
	[dreg:$0x2] =	wrdreg s4  }
0xaa: {  	[dreg:$0x3] =	wrdreg s6  }
0xab: {  	[dreg:$0x4] =	wrdreg $0xC0  }
0xac: {  	_ =	task [dreg:s8], $0x5FFFF  }
0xad: {  	[dreg:$0x1] =	wrdreg $0xFFFFFFFF  }
0xae: {  	[dreg:$0x0] =	wrdreg $0x60  }
0xaf: {  	[dreg:$0x2] =	wrdreg s2  }
0xb0: {  	[dreg:$0x3] =	wrdreg s18  }
0xb1: {  	[dreg:$0x4] =	wrdreg s24  }
0xb2: {  	[dreg:$0x5] =	wrdreg $0x144400  }
0xb3: {  	[dreg:$0x6] =	wrdreg $0x9  }
0xb4: {  	_ =	task.clear_ibuf [dreg:s8], $0x7FFFF;
	_ =	strace $0x90000046  }
0xb5: {  	s29 =	simm.s32 $0x9;
	_ =	strace $0x80000048  }
0xb6: {  	_ =	swait.ge [sflag:s29], $0x1  }
0xb7: {  	[sflag:s29] =	ssyncadd.s32 $0xFFFFFFFF  }
0xb8: {  	_ =	strace $0x90000048  }
0xb9: {  	_ =	sfence  }
0xba: {  	s30 =	sld [smem:$0x0];
	_ =	sdelay $0x2  }
0xbb: {  	s31 =	sshll.u32 s1, $0xD;
	s1 =	sshrl.u32 s1, $0x2  }
0xbc: {  	s3 =	sand.u32 $0x4000, s31;
	s1 =	sadd.s32 s1, s30  }
0xbd: {  	s0 =	sor.u32 s3, s0;
	s1 =	sshll.u32 s1, $0x11  }
0xbe: {  	s0 =	sor.u32 s1, s0  }
0xbf: {  	s0 =	sadd.s32 $0x8F2B, s0  }
0xc0: {  	[sflag:s0] =	ssyncadd.remote.s32 $0x1  }
0xc1: {  	_ =	sfence.sel $0xFFFF  }
0xc2: {  	[dreg:$0x0] =	wrdreg $0xFFFFFFFF;
	(pc) =	sbr.abs _section_cstart, $3  }
0xc3: {  	[dreg:$0x1] =	wrdreg $0xFFFFFFFF  }
0xc4: {  	_ =	task.clear_ibuf [dreg:s8], $0x2FFFF;
	_ =	strace $0x9FFFFFFF  }
0xc5: {  	(tm) =	ssettm $0x7FFFFFFF  }
tec
execute0_lowered:
.L_overlay_start_1:
0x0: {  	(tag) =	ssettag $0x1  }
0x1: {  	s10 =	stileid.u32  }
0x2: {  	s1 =	rddreg [dreg:$0x0];
	s22 =	smul.u32 $0x28000, s10  }
0x3: {  	s3 =	rddreg [dreg:$0x3];
	s7 =	simm.s32 $0x0  }
0x4: {  	[smem:$0x7FF] =	sst s7;
	s7 =	sshrl.u32 s22, $0x2  }
0x5: {  	s0 =	rddreg [dreg:$0x1];
	s7 =	sadd.s32 s7, s3  }
0x6: {  	s2 =	rddreg [dreg:$0x2];
	s23 =	sadd.s32 $0x400, s7  }
0x7: {  	_ =	strace $0x80000047;
	s24 =	sadd.s32 $0x800, s7;
	[dreg:$0x6] =	wrdreg s23  }
0x8: {  	s25 =	sadd.s32 $0xC00, s7;
	[dreg:$0x7] =	wrdreg s24  }
0x9: {  	s26 =	sadd.s32 $0x1000, s7;
	[dreg:$0x8] =	wrdreg s25  }
0xa: {  	s11 =	sadd.s32 $0x1800, s7;
	[dreg:$0x9] =	wrdreg s26  }
0xb: {  	s12 =	sadd.s32 $0x1C00, s7;
	[dreg:$0xb] =	wrdreg s11  }
0xc: {  	s4 =	srdreg.scid;
	s13 =	sadd.s32 $0x2000, s7;
	[dreg:$0xc] =	wrdreg s12  }
0xd: {  	s4 =	sand.u32 $0x1, s4;
	s14 =	sadd.s32 $0x2400, s7;
	[dreg:$0xd] =	wrdreg s13  }
0xe: {  	s5 =	smul.u32 $0xA000, s10;
	s16 =	sadd.s32 $0x2800, s7;
	[dreg:$0xe] =	wrdreg s14  }
0xf: {  	s15 =	smul.u32 $0x4E20, s10;
	s17 =	sadd.s32 $0x2C00, s7;
	[dreg:$0xf] =	wrdreg s16  }
0x10: {  	s6 =	smul.u32 $0xA0000, s4;
	s18 =	sadd.s32 $0x3000, s7;
	[dreg:$0x10] =	wrdreg s17  }
0x11: {  	s8 =	ssub.s32 $0x2, s4;
	s19 =	sadd.s32 $0x3400, s7;
	[dreg:$0x11] =	wrdreg s18  }
0x12: {  	s9 =	sshrl.u32 s8, $0x1;
	s20 =	sadd.s32 $0x3800, s7;
	[dreg:$0x12] =	wrdreg s19  }
0x13: {  	s6 =	sadd.s32 s5, s6;
	s21 =	sadd.s32 $0x3C00, s7;
	[dreg:$0x13] =	wrdreg s20  }
0x14: {  	s6 =	sshrl.u32 s6, $0x3;
	s22 =	sadd.s32 $0x4000, s7;
	[dreg:$0x14] =	wrdreg s21  }
0x15: {  	s10 =	sadd.s32 $0x5C00, s7;
	s2 =	sadd.s32 s6, s2;
	[dreg:$0x15] =	wrdreg s22  }
0x16: {  	s6 =	ssub.s32 s8, s9;
	s9 =	sadd.s32 $0x1400, s7;
	[dreg:$0x1c] =	wrdreg s10  }
0x17: {  	s23 =	sadd.s32 $0x4400, s7;
	[dreg:$0xa] =	wrdreg s9  }
0x18: {  	s24 =	sadd.s32 $0x4800, s7;
	[dreg:$0x16] =	wrdreg s23  }
0x19: {  	s25 =	sadd.s32 $0x4C00, s7;
	[dreg:$0x17] =	wrdreg s24  }
0x1a: {  	s26 =	sadd.s32 $0x5000, s7;
	[dreg:$0x18] =	wrdreg s25  }
0x1b: {  	s11 =	sadd.s32 $0x6000, s7;
	[dreg:$0x19] =	wrdreg s26  }
0x1c: {  	s12 =	sadd.s32 $0x6400, s7;
	[dreg:$0x1d] =	wrdreg s11  }
0x1d: {  	s13 =	sadd.s32 $0x6800, s7;
	[dreg:$0x1e] =	wrdreg s12  }
0x1e: {  	s14 =	sadd.s32 $0x6C00, s7;
	[dreg:$0x1f] =	wrdreg s13  }
0x1f: {  	s8 =	sshrl.u32 s15, $0x3;
	s15 =	sadd.s32 $0x7000, s7;
	[smem:$0x7F2] =	sst s14  }
0x20: {  	s16 =	sadd.s32 $0x7400, s7;
	[smem:$0x7F3] =	sst s15  }
0x21: {  	s31 =	simm.s32 $0x14040;
	s17 =	sadd.s32 $0x7800, s7;
	[smem:$0x7F4] =	sst s16  }
0x22: {  	s4 =	smul.u32 $0x1388, s4;
	s18 =	sadd.s32 $0x7C00, s7;
	[smem:$0x7F5] =	sst s17  }
0x23: {  	s5 =	sadd.s32 s5, s3;
	s19 =	sadd.s32 $0x8000, s7;
	[smem:$0x7F6] =	sst s18  }
0x24: {  	v0 =	vmov s4;
	s4 =	simm.s32 $0x1F40;
	s21 =	sadd.s32 $0x8400, s7;
	[smem:$0x7F7] =	sst s19  }
0x25: {  	s22 =	sadd.s32 $0x8800, s7;
	s20 =	sadd.s32 s0, s8;
	[smem:$0x7F8] =	sst s21  }
0x26: {  	s8 =	sadd.s32 $0x5400, s7;
	s9 =	sadd.s32 $0x5800, s7;
	[smem:$0x7F9] =	sst s22  }
0x27: {  	s23 =	sadd.s32 $0x8C00, s7;
	s24 =	sadd.s32 $0x9000, s7;
	[dreg:$0x1a] =	wrdreg s8  }
0x28: {  	s25 =	sadd.s32 $0x9400, s7;
	s26 =	sadd.s32 $0x9800, s7;
	[dreg:$0x1b] =	wrdreg s9  }
0x29: {  	s17 =	sadd.s32 $0x9C00, s7;
	s18 =	sadd.s32 $0x1200, s2;
	[smem:$0x7FA] =	sst s23  }
0x2a: {  	s19 =	smax.u32 s6, $0x1;
	s2 =	simm.s32 $0x9;
	[smem:$0x7FB] =	sst s24  }
.Ltmp0:
0x2b: {  	s0 =	simm.s32 $0xFA0;
	[smem:$0x7FC] =	sst s25;
	(pc) =	sbr.rel .LBB2_1-.Ltmp0, $4  }
0x2c: {  	s6 =	simm.s32 $0x6F40;
	s7 =	simm.s32 $0x0;
	[smem:$0x7FD] =	sst s26  }
0x2d: {  	s21 =	sadd.s32 $0x9C40, s20;
	s22 =	sadd.s32 $0x1F4, s20;
	s23 =	sadd.s32 $0x9E34, s20  }
0x2e: {  	s24 =	sadd.s32 $0x3E8, s20;
	s25 =	sadd.s32 $0xA028, s20;
	s26 =	sadd.s32 $0x5DC, s20  }
0x2f: {  	v1 =	vimm.f32 $0.0e+00;
	v2 =	vimm.s32 $0x0;
	v3 =	vimm.s32 $0x1388;
	s28 =	sadd.s32 $0xA21C, s20;
	s29 =	sadd.s32 $0x7D0, s20;
	s30 =	sadd.s32 $0xA410, s20  }
.LBB2_16:
0x30: {  	s8 =	stileid.u32;
	s7 =	sadd.s32 $0x1, s7  }
0x31: {  	[bflag:$0x0] =	sbarrier.arrive $0xFFFF;
	s8 =	sshll.u32 s8, $0x6;
	p0 =	sne.s32 s7, s19  }
.Ltmp1:
0x32: {  	s9 =	sshrl.u32 s5, $0x3;
	s8 =	sor.u32 $0x1C09, s8;
	(pc) =	sbr.rel @!p0 .LBB2_17-.Ltmp1, $4  }
0x33: {  	[hbm:s18], [sflag:s8] =	dma.local [spmem:s9], $0x1400  }
0x34: {  	_ =	swait.ge [sflag:s2], $0x1400  }
0x35: {  	[sflag:s2] =	ssyncset.done $0x0  }
0x36: {  	[sflag:s2] =	ssyncadd.s32 $0xFFFFEC00  }
.LBB2_1:
0x37: {  	[tilespmem:$0x14040] =	vst v1  }
0x38: {  	[tilespmem:$0x14050] =	vst v1  }
0x39: {  	[tilespmem:$0x14060] =	vst v1  }
0x3a: {  	[tilespmem:$0x14070] =	vst v1  }
0x3b: {  	[tilespmem:$0x14080] =	vst v1  }
0x3c: {  	[tilespmem:$0x14090] =	vst v1  }
0x3d: {  	[tilespmem:$0x140A0] =	vst v1  }
0x3e: {  	[tilespmem:$0x140B0] =	vst v1  }
0x3f: {  	[tilespmem:$0x140C0] =	vst v1  }
0x40: {  	[tilespmem:$0x140D0] =	vst v1  }
0x41: {  	[tilespmem:$0x140E0] =	vst v1  }
0x42: {  	[tilespmem:$0x140F0] =	vst v1  }
0x43: {  	[tilespmem:$0x14100] =	vst v1  }
0x44: {  	[tilespmem:$0x14110] =	vst v1  }
0x45: {  	[tilespmem:$0x14120] =	vst v1  }
0x46: {  	[tilespmem:$0x14130] =	vst v1  }
0x47: {  	[tilespmem:$0x14140] =	vst v1  }
0x48: {  	[tilespmem:$0x14150] =	vst v1  }
0x49: {  	[tilespmem:$0x14160] =	vst v1  }
0x4a: {  	[tilespmem:$0x14170] =	vst v1  }
0x4b: {  	[tilespmem:$0x14180] =	vst v1  }
0x4c: {  	[tilespmem:$0x14190] =	vst v1  }
0x4d: {  	[tilespmem:$0x141A0] =	vst v1  }
0x4e: {  	[tilespmem:$0x141B0] =	vst v1  }
0x4f: {  	[tilespmem:$0x141C0] =	vst v1  }
0x50: {  	[tilespmem:$0x141D0] =	vst v1  }
0x51: {  	[tilespmem:$0x141E0] =	vst v1  }
0x52: {  	[tilespmem:$0x141F0] =	vst v1  }
0x53: {  	[tilespmem:$0x14200] =	vst v1  }
0x54: {  	[tilespmem:$0x14210] =	vst v1  }
0x55: {  	[tilespmem:$0x14220] =	vst v1  }
0x56: {  	[tilespmem:$0x14230] =	vst v1  }
0x57: {  	[tilespmem:$0x14240] =	vst v1  }
0x58: {  	[tilespmem:$0x14250] =	vst v1  }
0x59: {  	[tilespmem:$0x14260] =	vst v1  }
0x5a: {  	[tilespmem:$0x14270] =	vst v1  }
0x5b: {  	[tilespmem:$0x14280] =	vst v1  }
0x5c: {  	[tilespmem:$0x14290] =	vst v1  }
0x5d: {  	[tilespmem:$0x142A0] =	vst v1  }
0x5e: {  	[tilespmem:$0x142B0] =	vst v1  }
0x5f: {  	[tilespmem:$0x142C0] =	vst v1  }
0x60: {  	[tilespmem:$0x142D0] =	vst v1  }
0x61: {  	[tilespmem:$0x142E0] =	vst v1  }
0x62: {  	[tilespmem:$0x142F0] =	vst v1  }
0x63: {  	[tilespmem:$0x14300] =	vst v1  }
0x64: {  	[tilespmem:$0x14310] =	vst v1  }
0x65: {  	[tilespmem:$0x14320] =	vst v1  }
0x66: {  	[tilespmem:$0x14330] =	vst v1  }
0x67: {  	[tilespmem:$0x14340] =	vst v1  }
0x68: {  	[tilespmem:$0x14350] =	vst v1  }
0x69: {  	[tilespmem:$0x14360] =	vst v1  }
0x6a: {  	[tilespmem:$0x14370] =	vst v1  }
0x6b: {  	[tilespmem:$0x14380] =	vst v1  }
0x6c: {  	[tilespmem:$0x14390] =	vst v1  }
0x6d: {  	[tilespmem:$0x143A0] =	vst v1  }
0x6e: {  	[tilespmem:$0x143B0] =	vst v1  }
0x6f: {  	[tilespmem:$0x143C0] =	vst v1  }
0x70: {  	[tilespmem:$0x143D0] =	vst v1  }
0x71: {  	[tilespmem:$0x143E0] =	vst v1  }
0x72: {  	[tilespmem:$0x143F0] =	vst v1  }
0x73: {  	[tilespmem:$0x14400] =	vst v1  }
0x74: {  	[tilespmem:$0x14410] =	vst v1  }
0x75: {  	[tilespmem:$0x14420] =	vst v1  }
0x76: {  	[tilespmem:$0x14430] =	vst v1  }
0x77: {  	[spmem:s5] =	stream.linear.scatter [tilespmem:s31], [sflag:$0x9], $0x400, $0x38;
	[tilespmem:$0x1E440] =	vst v63  }
0x78: {  	_ =	swait.ge [sflag:s2], $0x400  }
0x79: {  	[sflag:s2] =	ssyncset.done $0x0  }
0x7a: {  	s8 =	rddreg [dreg:$0x6];
	[sflag:s2] =	ssyncadd.s32 $0xFFFFFC00  }
0x7b: {  	[spmem:s8] =	stream.linear.scatter [tilespmem:s31], [sflag:$0x9], $0x400, $0x38;
	[tilespmem:$0x1E440] =	vst v63  }
0x7c: {  	_ =	swait.ge [sflag:s2], $0x400  }
0x7d: {  	[sflag:s2] =	ssyncset.done $0x0  }
0x7e: {  	s10 =	rddreg [dreg:$0x7];
	[sflag:s2] =	ssyncadd.s32 $0xFFFFFC00  }
0x7f: {  	[spmem:s10] =	stream.linear.scatter [tilespmem:s31], [sflag:$0x9], $0x400, $0x38;
	[tilespmem:$0x1E440] =	vst v63  }
0x80: {  	_ =	swait.ge [sflag:s2], $0x400  }
0x81: {  	[sflag:s2] =	ssyncset.done $0x0  }
0x82: {  	s11 =	rddreg [dreg:$0x8];
	[sflag:s2] =	ssyncadd.s32 $0xFFFFFC00  }
0x83: {  	[spmem:s11] =	stream.linear.scatter [tilespmem:s31], [sflag:$0x9], $0x400, $0x38;
	[tilespmem:$0x1E440] =	vst v63  }
0x84: {  	_ =	swait.ge [sflag:s2], $0x400  }
0x85: {  	[sflag:s2] =	ssyncset.done $0x0  }
0x86: {  	s12 =	rddreg [dreg:$0x9];
	[sflag:s2] =	ssyncadd.s32 $0xFFFFFC00  }
0x87: {  	[spmem:s12] =	stream.linear.scatter [tilespmem:s31], [sflag:$0x9], $0x400, $0x38;
	[tilespmem:$0x1E440] =	vst v63  }
0x88: {  	_ =	swait.ge [sflag:s2], $0x400  }
0x89: {  	[sflag:s2] =	ssyncset.done $0x0  }
0x8a: {  	s13 =	rddreg [dreg:$0xa];
	[sflag:s2] =	ssyncadd.s32 $0xFFFFFC00  }
0x8b: {  	[spmem:s13] =	stream.linear.scatter [tilespmem:s31], [sflag:$0x9], $0x400, $0x38;
	[tilespmem:$0x1E440] =	vst v63  }
0x8c: {  	_ =	swait.ge [sflag:s2], $0x400  }
0x8d: {  	[sflag:s2] =	ssyncset.done $0x0  }
0x8e: {  	s14 =	rddreg [dreg:$0xb];
	[sflag:s2] =	ssyncadd.s32 $0xFFFFFC00  }
0x8f: {  	[spmem:s14] =	stream.linear.scatter [tilespmem:s31], [sflag:$0x9], $0x400, $0x38;
	[tilespmem:$0x1E440] =	vst v63  }
0x90: {  	_ =	swait.ge [sflag:s2], $0x400  }
0x91: {  	[sflag:s2] =	ssyncset.done $0x0  }
0x92: {  	s15 =	rddreg [dreg:$0xc];
	[sflag:s2] =	ssyncadd.s32 $0xFFFFFC00  }
0x93: {  	[spmem:s15] =	stream.linear.scatter [tilespmem:s31], [sflag:$0x9], $0x400, $0x38;
	[tilespmem:$0x1E440] =	vst v63  }
0x94: {  	_ =	swait.ge [sflag:s2], $0x400  }
0x95: {  	[sflag:s2] =	ssyncset.done $0x0  }
0x96: {  	s16 =	rddreg [dreg:$0xd];
	[sflag:s2] =	ssyncadd.s32 $0xFFFFFC00  }
0x97: {  	[spmem:s16] =	stream.linear.scatter [tilespmem:s31], [sflag:$0x9], $0x400, $0x38;
	[tilespmem:$0x1E440] =	vst v63  }
0x98: {  	_ =	swait.ge [sflag:s2], $0x400  }
0x99: {  	[sflag:s2] =	ssyncset.done $0x0  }
0x9a: {  	s9 =	rddreg [dreg:$0xe];
	[sflag:s2] =	ssyncadd.s32 $0xFFFFFC00  }
0x9b: {  	[spmem:s9] =	stream.linear.scatter [tilespmem:s31], [sflag:$0x9], $0x400, $0x38;
	[tilespmem:$0x1E440] =	vst v63  }
0x9c: {  	_ =	swait.ge [sflag:s2], $0x400  }
0x9d: {  	[sflag:s2] =	ssyncset.done $0x0  }
0x9e: {  	s10 =	rddreg [dreg:$0xf];
	[sflag:s2] =	ssyncadd.s32 $0xFFFFFC00  }
0x9f: {  	[spmem:s10] =	stream.linear.scatter [tilespmem:s31], [sflag:$0x9], $0x400, $0x38;
	[tilespmem:$0x1E440] =	vst v63  }
0xa0: {  	_ =	swait.ge [sflag:s2], $0x400  }
0xa1: {  	[sflag:s2] =	ssyncset.done $0x0  }
0xa2: {  	s11 =	rddreg [dreg:$0x10];
	[sflag:s2] =	ssyncadd.s32 $0xFFFFFC00  }
0xa3: {  	[spmem:s11] =	stream.linear.scatter [tilespmem:s31], [sflag:$0x9], $0x400, $0x38;
	[tilespmem:$0x1E440] =	vst v63  }
0xa4: {  	_ =	swait.ge [sflag:s2], $0x400  }
0xa5: {  	[sflag:s2] =	ssyncset.done $0x0  }
0xa6: {  	s12 =	rddreg [dreg:$0x11];
	[sflag:s2] =	ssyncadd.s32 $0xFFFFFC00  }
0xa7: {  	[spmem:s12] =	stream.linear.scatter [tilespmem:s31], [sflag:$0x9], $0x400, $0x38;
	[tilespmem:$0x1E440] =	vst v63  }
0xa8: {  	_ =	swait.ge [sflag:s2], $0x400  }
0xa9: {  	[sflag:s2] =	ssyncset.done $0x0  }
0xaa: {  	s13 =	rddreg [dreg:$0x12];
	[sflag:s2] =	ssyncadd.s32 $0xFFFFFC00  }
0xab: {  	[spmem:s13] =	stream.linear.scatter [tilespmem:s31], [sflag:$0x9], $0x400, $0x38;
	[tilespmem:$0x1E440] =	vst v63  }
0xac: {  	_ =	swait.ge [sflag:s2], $0x400  }
0xad: {  	[sflag:s2] =	ssyncset.done $0x0  }
0xae: {  	s14 =	rddreg [dreg:$0x13];
	[sflag:s2] =	ssyncadd.s32 $0xFFFFFC00  }
0xaf: {  	[spmem:s14] =	stream.linear.scatter [tilespmem:s31], [sflag:$0x9], $0x400, $0x38;
	[tilespmem:$0x1E440] =	vst v63  }
0xb0: {  	_ =	swait.ge [sflag:s2], $0x400  }
0xb1: {  	[sflag:s2] =	ssyncset.done $0x0  }
0xb2: {  	s15 =	rddreg [dreg:$0x14];
	[sflag:s2] =	ssyncadd.s32 $0xFFFFFC00  }
0xb3: {  	[spmem:s15] =	stream.linear.scatter [tilespmem:s31], [sflag:$0x9], $0x400, $0x38;
	[tilespmem:$0x1E440] =	vst v63  }
0xb4: {  	_ =	swait.ge [sflag:s2], $0x400  }
0xb5: {  	[sflag:s2] =	ssyncset.done $0x0  }
0xb6: {  	s16 =	rddreg [dreg:$0x15];
	[sflag:s2] =	ssyncadd.s32 $0xFFFFFC00  }
0xb7: {  	[spmem:s16] =	stream.linear.scatter [tilespmem:s31], [sflag:$0x9], $0x400, $0x38;
	[tilespmem:$0x1E440] =	vst v63  }
0xb8: {  	_ =	swait.ge [sflag:s2], $0x400  }
0xb9: {  	[sflag:s2] =	ssyncset.done $0x0  }
0xba: {  	s9 =	rddreg [dreg:$0x16];
	[sflag:s2] =	ssyncadd.s32 $0xFFFFFC00  }
0xbb: {  	[spmem:s9] =	stream.linear.scatter [tilespmem:s31], [sflag:$0x9], $0x400, $0x38;
	[tilespmem:$0x1E440] =	vst v63  }
0xbc: {  	_ =	swait.ge [sflag:s2], $0x400  }
0xbd: {  	[sflag:s2] =	ssyncset.done $0x0  }
0xbe: {  	s10 =	rddreg [dreg:$0x17];
	[sflag:s2] =	ssyncadd.s32 $0xFFFFFC00  }
0xbf: {  	[spmem:s10] =	stream.linear.scatter [tilespmem:s31], [sflag:$0x9], $0x400, $0x38;
	[tilespmem:$0x1E440] =	vst v63  }
0xc0: {  	_ =	swait.ge [sflag:s2], $0x400  }
0xc1: {  	[sflag:s2] =	ssyncset.done $0x0  }
0xc2: {  	s11 =	rddreg [dreg:$0x18];
	[sflag:s2] =	ssyncadd.s32 $0xFFFFFC00  }
0xc3: {  	[spmem:s11] =	stream.linear.scatter [tilespmem:s31], [sflag:$0x9], $0x400, $0x38;
	[tilespmem:$0x1E440] =	vst v63  }
0xc4: {  	_ =	swait.ge [sflag:s2], $0x400  }
0xc5: {  	[sflag:s2] =	ssyncset.done $0x0  }
0xc6: {  	s12 =	rddreg [dreg:$0x19];
	[sflag:s2] =	ssyncadd.s32 $0xFFFFFC00  }
0xc7: {  	[spmem:s12] =	stream.linear.scatter [tilespmem:s31], [sflag:$0x9], $0x400, $0x38;
	[tilespmem:$0x1E440] =	vst v63  }
0xc8: {  	_ =	swait.ge [sflag:s2], $0x400  }
0xc9: {  	[sflag:s2] =	ssyncset.done $0x0  }
0xca: {  	s13 =	rddreg [dreg:$0x1a];
	[sflag:s2] =	ssyncadd.s32 $0xFFFFFC00  }
0xcb: {  	[spmem:s13] =	stream.linear.scatter [tilespmem:s31], [sflag:$0x9], $0x400, $0x38;
	[tilespmem:$0x1E440] =	vst v63  }
0xcc: {  	_ =	swait.ge [sflag:s2], $0x400  }
0xcd: {  	[sflag:s2] =	ssyncset.done $0x0  }
0xce: {  	s14 =	rddreg [dreg:$0x1b];
	[sflag:s2] =	ssyncadd.s32 $0xFFFFFC00  }
0xcf: {  	[spmem:s14] =	stream.linear.scatter [tilespmem:s31], [sflag:$0x9], $0x400, $0x38;
	[tilespmem:$0x1E440] =	vst v63  }
0xd0: {  	_ =	swait.ge [sflag:s2], $0x400  }
0xd1: {  	[sflag:s2] =	ssyncset.done $0x0  }
0xd2: {  	s15 =	rddreg [dreg:$0x1c];
	[sflag:s2] =	ssyncadd.s32 $0xFFFFFC00  }
0xd3: {  	[spmem:s15] =	stream.linear.scatter [tilespmem:s31], [sflag:$0x9], $0x400, $0x38;
	[tilespmem:$0x1E440] =	vst v63  }
0xd4: {  	_ =	swait.ge [sflag:s2], $0x400  }
0xd5: {  	[sflag:s2] =	ssyncset.done $0x0  }
0xd6: {  	s16 =	rddreg [dreg:$0x1d];
	[sflag:s2] =	ssyncadd.s32 $0xFFFFFC00  }
0xd7: {  	[spmem:s16] =	stream.linear.scatter [tilespmem:s31], [sflag:$0x9], $0x400, $0x38;
	[tilespmem:$0x1E440] =	vst v63  }
0xd8: {  	_ =	swait.ge [sflag:s2], $0x400  }
0xd9: {  	[sflag:s2] =	ssyncset.done $0x0  }
0xda: {  	s9 =	rddreg [dreg:$0x1e];
	[sflag:s2] =	ssyncadd.s32 $0xFFFFFC00  }
0xdb: {  	[spmem:s9] =	stream.linear.scatter [tilespmem:s31], [sflag:$0x9], $0x400, $0x38;
	[tilespmem:$0x1E440] =	vst v63  }
0xdc: {  	_ =	swait.ge [sflag:s2], $0x400  }
0xdd: {  	[sflag:s2] =	ssyncset.done $0x0  }
0xde: {  	s10 =	rddreg [dreg:$0x1f];
	[sflag:s2] =	ssyncadd.s32 $0xFFFFFC00  }
0xdf: {  	[spmem:s10] =	stream.linear.scatter [tilespmem:s31], [sflag:$0x9], $0x400, $0x38;
	[tilespmem:$0x1E440] =	vst v63  }
0xe0: {  	_ =	swait.ge [sflag:s2], $0x400  }
0xe1: {  	s11 =	sld [smem:$0x7F2]  }
0xe2: {  	[sflag:s2] =	ssyncset.done $0x0  }
0xe3: {  	[sflag:s2] =	ssyncadd.s32 $0xFFFFFC00  }
0xe4: {  	[spmem:s11] =	stream.linear.scatter [tilespmem:s31], [sflag:$0x9], $0x400, $0x38;
	[tilespmem:$0x1E440] =	vst v63  }
0xe5: {  	_ =	swait.ge [sflag:s2], $0x400  }
0xe6: {  	s12 =	sld [smem:$0x7F3]  }
0xe7: {  	[sflag:s2] =	ssyncset.done $0x0  }
0xe8: {  	[sflag:s2] =	ssyncadd.s32 $0xFFFFFC00  }
0xe9: {  	[spmem:s12] =	stream.linear.scatter [tilespmem:s31], [sflag:$0x9], $0x400, $0x38;
	[tilespmem:$0x1E440] =	vst v63  }
0xea: {  	_ =	swait.ge [sflag:s2], $0x400  }
0xeb: {  	s13 =	sld [smem:$0x7F4]  }
0xec: {  	[sflag:s2] =	ssyncset.done $0x0  }
0xed: {  	[sflag:s2] =	ssyncadd.s32 $0xFFFFFC00  }
0xee: {  	[spmem:s13] =	stream.linear.scatter [tilespmem:s31], [sflag:$0x9], $0x400, $0x38;
	[tilespmem:$0x1E440] =	vst v63  }
0xef: {  	_ =	swait.ge [sflag:s2], $0x400  }
0xf0: {  	s14 =	sld [smem:$0x7F5]  }
0xf1: {  	[sflag:s2] =	ssyncset.done $0x0  }
0xf2: {  	[sflag:s2] =	ssyncadd.s32 $0xFFFFFC00  }
0xf3: {  	[spmem:s14] =	stream.linear.scatter [tilespmem:s31], [sflag:$0x9], $0x400, $0x38;
	[tilespmem:$0x1E440] =	vst v63  }
0xf4: {  	_ =	swait.ge [sflag:s2], $0x400  }
0xf5: {  	s15 =	sld [smem:$0x7F6]  }
0xf6: {  	[sflag:s2] =	ssyncset.done $0x0  }
0xf7: {  	[sflag:s2] =	ssyncadd.s32 $0xFFFFFC00  }
0xf8: {  	[spmem:s15] =	stream.linear.scatter [tilespmem:s31], [sflag:$0x9], $0x400, $0x38;
	[tilespmem:$0x1E440] =	vst v63  }
0xf9: {  	_ =	swait.ge [sflag:s2], $0x400  }
0xfa: {  	s16 =	sld [smem:$0x7F7]  }
0xfb: {  	[sflag:s2] =	ssyncset.done $0x0  }
0xfc: {  	[sflag:s2] =	ssyncadd.s32 $0xFFFFFC00  }
0xfd: {  	[spmem:s16] =	stream.linear.scatter [tilespmem:s31], [sflag:$0x9], $0x400, $0x38;
	[tilespmem:$0x1E440] =	vst v63  }
0xfe: {  	_ =	swait.ge [sflag:s2], $0x400  }
0xff: {  	s9 =	sld [smem:$0x7F8]  }
0x100: {  	[sflag:s2] =	ssyncset.done $0x0  }
0x101: {  	[sflag:s2] =	ssyncadd.s32 $0xFFFFFC00  }
0x102: {  	[spmem:s9] =	stream.linear.scatter [tilespmem:s31], [sflag:$0x9], $0x400, $0x38;
	[tilespmem:$0x1E440] =	vst v63  }
0x103: {  	_ =	swait.ge [sflag:s2], $0x400  }
0x104: {  	s10 =	sld [smem:$0x7F9]  }
0x105: {  	[sflag:s2] =	ssyncset.done $0x0  }
0x106: {  	[sflag:s2] =	ssyncadd.s32 $0xFFFFFC00  }
0x107: {  	[spmem:s10] =	stream.linear.scatter [tilespmem:s31], [sflag:$0x9], $0x400, $0x38;
	[tilespmem:$0x1E440] =	vst v63  }
0x108: {  	_ =	swait.ge [sflag:s2], $0x400  }
0x109: {  	s11 =	sld [smem:$0x7FA]  }
0x10a: {  	[sflag:s2] =	ssyncset.done $0x0  }
0x10b: {  	[sflag:s2] =	ssyncadd.s32 $0xFFFFFC00  }
0x10c: {  	[spmem:s11] =	stream.linear.scatter [tilespmem:s31], [sflag:$0x9], $0x400, $0x38;
	[tilespmem:$0x1E440] =	vst v63  }
0x10d: {  	_ =	swait.ge [sflag:s2], $0x400  }
0x10e: {  	s12 =	sld [smem:$0x7FB]  }
0x10f: {  	[sflag:s2] =	ssyncset.done $0x0  }
0x110: {  	[sflag:s2] =	ssyncadd.s32 $0xFFFFFC00  }
0x111: {  	[spmem:s12] =	stream.linear.scatter [tilespmem:s31], [sflag:$0x9], $0x400, $0x38;
	[tilespmem:$0x1E440] =	vst v63  }
0x112: {  	_ =	swait.ge [sflag:s2], $0x400  }
0x113: {  	s13 =	sld [smem:$0x7FC]  }
0x114: {  	[sflag:s2] =	ssyncset.done $0x0  }
0x115: {  	[sflag:s2] =	ssyncadd.s32 $0xFFFFFC00  }
0x116: {  	[spmem:s13] =	stream.linear.scatter [tilespmem:s31], [sflag:$0x9], $0x400, $0x38;
	[tilespmem:$0x1E440] =	vst v63  }
0x117: {  	_ =	swait.ge [sflag:s2], $0x400  }
0x118: {  	s14 =	sld [smem:$0x7FD]  }
0x119: {  	[sflag:s2] =	ssyncset.done $0x0  }
0x11a: {  	[sflag:s2] =	ssyncadd.s32 $0xFFFFFC00  }
0x11b: {  	[spmem:s14] =	stream.linear.scatter [tilespmem:s31], [sflag:$0x9], $0x400, $0x38;
	[tilespmem:$0x1E440] =	vst v63  }
0x11c: {  	_ =	swait.ge [sflag:s2], $0x400  }
0x11d: {  	[sflag:s2] =	ssyncset.done $0x0  }
0x11e: {  	[sflag:s2] =	ssyncadd.s32 $0xFFFFFC00  }
0x11f: {  	[spmem:s17] =	stream.linear.scatter [tilespmem:s31], [sflag:$0x9], $0x400, $0x38;
	[tilespmem:$0x1E440] =	vst v63  }
0x120: {  	_ =	swait.ge [sflag:s2], $0x400  }
0x121: {  	[sflag:s2] =	ssyncset.done $0x0  }
0x122: {  	s15 =	simm.s32 $0x0;
	[sflag:s2] =	ssyncadd.s32 $0xFFFFFC00  }
0x123: {  	[tilespmem:s15], [sflag:$0x9] =	stream.linear.gather [hbm4b:s20+s15], $0xFA0, $0x38;
	[tilespmem:$0x1E440] =	vst v63  }
0x124: {  	_ =	swait.ge [sflag:s2], $0xFA0  }
0x125: {  	[sflag:s2] =	ssyncset.done $0x0  }
0x126: {  	[sflag:s2] =	ssyncadd.s32 $0xFFFFF060  }
0x127: {  	[tilespmem:s0], [sflag:$0x9] =	stream.linear.gather [hbm4b:s21+s15], $0xFA0, $0x38;
	[tilespmem:$0x1E440] =	vst v63  }
0x128: {  	_ =	swait.ge [sflag:s2], $0xFA0  }
0x129: {  	[sflag:s2] =	ssyncset.done $0x0  }
0x12a: {  	s16 =	simm.s32 $0x0;
	[sflag:s2] =	ssyncadd.s32 $0xFFFFF060  }
0x12b: {  	v4 =	vld [tilespmem:s16+$0xFA0];
	_ =	sdelay $0x4  }
0x12c: {  	v4 =	vsub.s32 v4, v0  }
0x12d: {  	vm0 =	vlt.u32 v4, $0x1388  }
0x12e: {  	v5 =	vsel vm0, $0x1, v2  }
0x12f: {  	(xrf0) =	vadd.scan.msk.s32 $0xffff, v5;
	_ =	sdelay $0x5  }
0x130: {  	s9 =	simm.s32 $0xFFFFFFFF;
	v5, _, _ =	vpop (xrf0)  }
0x131: {  	v6 =	vld [tilespmem:s16+$0x0];
	v7 =	vadd.s32 s9, v5;
	(v2sf) =	vpush v5, $0xF;
	_ =	sdelay $0x4  }
0x132: {  	[tilespmem:v7+s4+$0x0] =	vst.idx.msk vm0, v6  }
0x133: {  	s8 =	simm.s32 $0x0;
	s10 =	simm.s32 $0x80;
	s9 =	simm.s32 $0x10;
	[tilespmem:v7+s6+$0x0] =	vst.idx.msk vm0, v4  }
.LBB2_2:
0x134: {  	p0 =	sne.s32 s10, $0x3E40;
	v4 =	vld [tilespmem:s9+$0xFA0];
	_ =	sdelay $0x4  }
0x135: {  	v4 =	vsub.s32 v4, v0  }
0x136: {  	vm0 =	vlt.u32 v4, $0x1388  }
0x137: {  	v5 =	vsel vm0, $0x1, v2  }
0x138: {  	(xrf0) =	vadd.scan.msk.s32 $0xffff, v5;
	s11 =	spop (v2sf)  }
0x139: {  	s8 =	sadd.s32 s8, s11  }
0x13a: {  	s11 =	sadd.s32 $0xFFFFFFFF, s8;
	_ =	sdelay $0x3  }
0x13b: {  	v5, _, _ =	vpop (xrf0)  }
0x13c: {  	v6 =	vld [tilespmem:s9+$0x0];
	v7 =	vadd.s32 s11, v5;
	(v2sf) =	vpush v5, $0xF;
	_ =	sdelay $0x1  }
.Ltmp2:
0x13d: {  	(pc) =	sbr.rel @p0 .LBB2_2-.Ltmp2, $3  }
0x13e: {  	_ =	sdelay $0x1  }
0x13f: {  	[tilespmem:v7+s4+$0x0] =	vst.idx.msk vm0, v6  }
0x140: {  	s9 =	sshra.s32 s10, $0x2;
	s10 =	sadd.s32 $0x40, s10;
	[tilespmem:v7+s6+$0x0] =	vst.idx.msk vm0, v4  }
0x141: {  	v4 =	vld [tilespmem:s9+$0xFA0];
	_ =	sdelay $0x4  }
0x142: {  	v4 =	vsub.s32 v4, v0  }
0x143: {  	vm0 =	vlt.u32 v4, $0x1388  }
0x144: {  	v5 =	vsel vm0, $0x1, v2  }
0x145: {  	(xrf0) =	vadd.scan.msk.s32 $0xffff, v5;
	_ =	sdelay $0x5  }
0x146: {  	v5, _, _ =	vpop (xrf0)  }
0x147: {  	(v2sf) =	vpush v5, $0xF;
	_ =	sdelay $0x3  }
0x148: {  	s10 =	spop (v2sf)  }
0x149: {  	s8 =	sadd.s32 s8, s10  }
0x14a: {  	s10 =	sadd.s32 $0xFFFFFFFF, s8  }
0x14b: {  	v6 =	vld [tilespmem:s9+$0x0];
	v5 =	vadd.s32 s10, v5;
	_ =	sdelay $0x4  }
0x14c: {  	[tilespmem:v5+s4+$0x0] =	vst.idx.msk vm0, v6  }
0x14d: {  	s15 =	simm.s32 $0x0;
	[tilespmem:v5+s6+$0x0] =	vst.idx.msk vm0, v4  }
0x14e: {  	[tilespmem:s15], [sflag:$0x9] =	stream.linear.gather [hbm4b:s22+s15], $0xFA0, $0x38;
	[tilespmem:$0x1E440] =	vst v63  }
0x14f: {  	s14 =	spop (v2sf)  }
0x150: {  	_ =	swait.ge [sflag:s2], $0xFA0  }
0x151: {  	[sflag:s2] =	ssyncset.done $0x0  }
0x152: {  	[sflag:s2] =	ssyncadd.s32 $0xFFFFF060  }
0x153: {  	[tilespmem:s0], [sflag:$0x9] =	stream.linear.gather [hbm4b:s23+s15], $0xFA0, $0x38;
	[tilespmem:$0x1E440] =	vst v63  }
0x154: {  	_ =	swait.ge [sflag:s2], $0xFA0  }
0x155: {  	[sflag:s2] =	ssyncset.done $0x0  }
0x156: {  	s16 =	simm.s32 $0x0;
	[sflag:s2] =	ssyncadd.s32 $0xFFFFF060  }
0x157: {  	v4 =	vld [tilespmem:s16+$0xFA0];
	_ =	sdelay $0x4  }
0x158: {  	v4 =	vsub.s32 v4, v0  }
0x159: {  	vm15 =	vlt.u32 v4, $0x1388  }
0x15a: {  	v5 =	vsel vm15, $0x1, v2  }
0x15b: {  	(xrf0) =	vadd.scan.msk.s32 $0xffff, v5;
	_ =	sdelay $0x4  }
0x15c: {  	s8 =	sadd.s32 s8, s14  }
0x15d: {  	s9 =	sadd.s32 $0xFFFFFFFF, s8;
	v5, _, _ =	vpop (xrf0)  }
0x15e: {  	v63 =	vld [tilespmem:s16+$0x0];
	v7 =	vadd.s32 s9, v5;
	(v2sf) =	vpush v5, $0xF;
	_ =	sdelay $0x4  }
0x15f: {  	[tilespmem:v7+s4+$0x0] =	vst.idx.msk vm15, v63  }
0x160: {  	s10 =	simm.s32 $0x80;
	s9 =	simm.s32 $0x10;
	[tilespmem:v7+s6+$0x0] =	vst.idx.msk vm15, v4  }
.LBB2_4:
0x161: {  	p0 =	sne.s32 s10, $0x3E40;
	v4 =	vld [tilespmem:s9+$0xFA0];
	_ =	sdelay $0x4  }
0x162: {  	v4 =	vsub.s32 v4, v0  }
0x163: {  	vm0 =	vlt.u32 v4, $0x1388  }
0x164: {  	v5 =	vsel vm0, $0x1, v2  }
0x165: {  	(xrf0) =	vadd.scan.msk.s32 $0xffff, v5;
	s11 =	spop (v2sf)  }
0x166: {  	s8 =	sadd.s32 s8, s11  }
0x167: {  	s11 =	sadd.s32 $0xFFFFFFFF, s8;
	_ =	sdelay $0x3  }
0x168: {  	v5, _, _ =	vpop (xrf0)  }
0x169: {  	v6 =	vld [tilespmem:s9+$0x0];
	v7 =	vadd.s32 s11, v5;
	(v2sf) =	vpush v5, $0xF;
	_ =	sdelay $0x1  }
.Ltmp3:
0x16a: {  	(pc) =	sbr.rel @p0 .LBB2_4-.Ltmp3, $3  }
0x16b: {  	_ =	sdelay $0x1  }
0x16c: {  	[tilespmem:v7+s4+$0x0] =	vst.idx.msk vm0, v6  }
0x16d: {  	s9 =	sshra.s32 s10, $0x2;
	s10 =	sadd.s32 $0x40, s10;
	[tilespmem:v7+s6+$0x0] =	vst.idx.msk vm0, v4  }
0x16e: {  	v4 =	vld [tilespmem:s9+$0xFA0];
	_ =	sdelay $0x4  }
0x16f: {  	v4 =	vsub.s32 v4, v0  }
0x170: {  	vm0 =	vlt.u32 v4, $0x1388  }
0x171: {  	v5 =	vsel vm0, $0x1, v2  }
0x172: {  	(xrf0) =	vadd.scan.msk.s32 $0xffff, v5;
	_ =	sdelay $0x5  }
0x173: {  	v5, _, _ =	vpop (xrf0)  }
0x174: {  	(v2sf) =	vpush v5, $0xF;
	_ =	sdelay $0x3  }
0x175: {  	s10 =	spop (v2sf)  }
0x176: {  	s8 =	sadd.s32 s8, s10  }
0x177: {  	s10 =	sadd.s32 $0xFFFFFFFF, s8  }
0x178: {  	v6 =	vld [tilespmem:s9+$0x0];
	v5 =	vadd.s32 s10, v5;
	_ =	sdelay $0x4  }
0x179: {  	[tilespmem:v5+s4+$0x0] =	vst.idx.msk vm0, v6  }
0x17a: {  	s15 =	simm.s32 $0x0;
	[tilespmem:v5+s6+$0x0] =	vst.idx.msk vm0, v4  }
0x17b: {  	[tilespmem:s15], [sflag:$0x9] =	stream.linear.gather [hbm4b:s24+s15], $0xFA0, $0x38;
	[tilespmem:$0x1E440] =	vst v63  }
0x17c: {  	s14 =	spop (v2sf)  }
0x17d: {  	_ =	swait.ge [sflag:s2], $0xFA0  }
0x17e: {  	[sflag:s2] =	ssyncset.done $0x0  }
0x17f: {  	[sflag:s2] =	ssyncadd.s32 $0xFFFFF060  }
0x180: {  	[tilespmem:s0], [sflag:$0x9] =	stream.linear.gather [hbm4b:s25+s15], $0xFA0, $0x38;
	[tilespmem:$0x1E440] =	vst v63  }
0x181: {  	_ =	swait.ge [sflag:s2], $0xFA0  }
0x182: {  	[sflag:s2] =	ssyncset.done $0x0  }
0x183: {  	s16 =	simm.s32 $0x0;
	[sflag:s2] =	ssyncadd.s32 $0xFFFFF060  }
0x184: {  	v4 =	vld [tilespmem:s16+$0xFA0];
	_ =	sdelay $0x4  }
0x185: {  	v4 =	vsub.s32 v4, v0  }
0x186: {  	vm15 =	vlt.u32 v4, $0x1388  }
0x187: {  	v5 =	vsel vm15, $0x1, v2  }
0x188: {  	(xrf0) =	vadd.scan.msk.s32 $0xffff, v5;
	_ =	sdelay $0x4  }
0x189: {  	s8 =	sadd.s32 s8, s14  }
0x18a: {  	s9 =	sadd.s32 $0xFFFFFFFF, s8;
	v5, _, _ =	vpop (xrf0)  }
0x18b: {  	v63 =	vld [tilespmem:s16+$0x0];
	v7 =	vadd.s32 s9, v5;
	(v2sf) =	vpush v5, $0xF;
	_ =	sdelay $0x4  }
0x18c: {  	[tilespmem:v7+s4+$0x0] =	vst.idx.msk vm15, v63  }
0x18d: {  	s10 =	simm.s32 $0x80;
	s9 =	simm.s32 $0x10;
	[tilespmem:v7+s6+$0x0] =	vst.idx.msk vm15, v4  }
.LBB2_6:
0x18e: {  	p0 =	sne.s32 s10, $0x3E40;
	v4 =	vld [tilespmem:s9+$0xFA0];
	_ =	sdelay $0x4  }
0x18f: {  	v4 =	vsub.s32 v4, v0  }
0x190: {  	vm0 =	vlt.u32 v4, $0x1388  }
0x191: {  	v5 =	vsel vm0, $0x1, v2  }
0x192: {  	(xrf0) =	vadd.scan.msk.s32 $0xffff, v5;
	s11 =	spop (v2sf)  }
0x193: {  	s8 =	sadd.s32 s8, s11  }
0x194: {  	s11 =	sadd.s32 $0xFFFFFFFF, s8;
	_ =	sdelay $0x3  }
0x195: {  	v5, _, _ =	vpop (xrf0)  }
0x196: {  	v6 =	vld [tilespmem:s9+$0x0];
	v7 =	vadd.s32 s11, v5;
	(v2sf) =	vpush v5, $0xF;
	_ =	sdelay $0x1  }
.Ltmp4:
0x197: {  	(pc) =	sbr.rel @p0 .LBB2_6-.Ltmp4, $3  }
0x198: {  	_ =	sdelay $0x1  }
0x199: {  	[tilespmem:v7+s4+$0x0] =	vst.idx.msk vm0, v6  }
0x19a: {  	s9 =	sshra.s32 s10, $0x2;
	s10 =	sadd.s32 $0x40, s10;
	[tilespmem:v7+s6+$0x0] =	vst.idx.msk vm0, v4  }
0x19b: {  	v4 =	vld [tilespmem:s9+$0xFA0];
	_ =	sdelay $0x4  }
0x19c: {  	v4 =	vsub.s32 v4, v0  }
0x19d: {  	vm0 =	vlt.u32 v4, $0x1388  }
0x19e: {  	v5 =	vsel vm0, $0x1, v2  }
0x19f: {  	(xrf0) =	vadd.scan.msk.s32 $0xffff, v5;
	_ =	sdelay $0x5  }
0x1a0: {  	v5, _, _ =	vpop (xrf0)  }
0x1a1: {  	(v2sf) =	vpush v5, $0xF;
	_ =	sdelay $0x3  }
0x1a2: {  	s10 =	spop (v2sf)  }
0x1a3: {  	s8 =	sadd.s32 s8, s10  }
0x1a4: {  	s10 =	sadd.s32 $0xFFFFFFFF, s8  }
0x1a5: {  	v6 =	vld [tilespmem:s9+$0x0];
	v5 =	vadd.s32 s10, v5;
	_ =	sdelay $0x4  }
0x1a6: {  	[tilespmem:v5+s4+$0x0] =	vst.idx.msk vm0, v6  }
0x1a7: {  	s15 =	simm.s32 $0x0;
	[tilespmem:v5+s6+$0x0] =	vst.idx.msk vm0, v4  }
0x1a8: {  	[tilespmem:s15], [sflag:$0x9] =	stream.linear.gather [hbm4b:s26+s15], $0xFA0, $0x38;
	[tilespmem:$0x1E440] =	vst v63  }
0x1a9: {  	s14 =	spop (v2sf)  }
0x1aa: {  	_ =	swait.ge [sflag:s2], $0xFA0  }
0x1ab: {  	[sflag:s2] =	ssyncset.done $0x0  }
0x1ac: {  	[sflag:s2] =	ssyncadd.s32 $0xFFFFF060  }
0x1ad: {  	[tilespmem:s0], [sflag:$0x9] =	stream.linear.gather [hbm4b:s28+s15], $0xFA0, $0x38;
	[tilespmem:$0x1E440] =	vst v63  }
0x1ae: {  	_ =	swait.ge [sflag:s2], $0xFA0  }
0x1af: {  	[sflag:s2] =	ssyncset.done $0x0  }
0x1b0: {  	s16 =	simm.s32 $0x0;
	[sflag:s2] =	ssyncadd.s32 $0xFFFFF060  }
0x1b1: {  	v4 =	vld [tilespmem:s16+$0xFA0];
	_ =	sdelay $0x4  }
0x1b2: {  	v4 =	vsub.s32 v4, v0  }
0x1b3: {  	vm15 =	vlt.u32 v4, $0x1388  }
0x1b4: {  	v5 =	vsel vm15, $0x1, v2  }
0x1b5: {  	(xrf0) =	vadd.scan.msk.s32 $0xffff, v5;
	_ =	sdelay $0x4  }
0x1b6: {  	s8 =	sadd.s32 s8, s14  }
0x1b7: {  	s9 =	sadd.s32 $0xFFFFFFFF, s8;
	v5, _, _ =	vpop (xrf0)  }
0x1b8: {  	v63 =	vld [tilespmem:s16+$0x0];
	v7 =	vadd.s32 s9, v5;
	(v2sf) =	vpush v5, $0xF;
	_ =	sdelay $0x4  }
0x1b9: {  	[tilespmem:v7+s4+$0x0] =	vst.idx.msk vm15, v63  }
0x1ba: {  	s10 =	simm.s32 $0x80;
	s9 =	simm.s32 $0x10;
	[tilespmem:v7+s6+$0x0] =	vst.idx.msk vm15, v4  }
.LBB2_8:
0x1bb: {  	p0 =	sne.s32 s10, $0x3E40;
	v4 =	vld [tilespmem:s9+$0xFA0];
	_ =	sdelay $0x4  }
0x1bc: {  	v4 =	vsub.s32 v4, v0  }
0x1bd: {  	vm0 =	vlt.u32 v4, $0x1388  }
0x1be: {  	v5 =	vsel vm0, $0x1, v2  }
0x1bf: {  	(xrf0) =	vadd.scan.msk.s32 $0xffff, v5;
	s11 =	spop (v2sf)  }
0x1c0: {  	s8 =	sadd.s32 s8, s11  }
0x1c1: {  	s11 =	sadd.s32 $0xFFFFFFFF, s8;
	_ =	sdelay $0x3  }
0x1c2: {  	v5, _, _ =	vpop (xrf0)  }
0x1c3: {  	v6 =	vld [tilespmem:s9+$0x0];
	v7 =	vadd.s32 s11, v5;
	(v2sf) =	vpush v5, $0xF;
	_ =	sdelay $0x1  }
.Ltmp5:
0x1c4: {  	(pc) =	sbr.rel @p0 .LBB2_8-.Ltmp5, $3  }
0x1c5: {  	_ =	sdelay $0x1  }
0x1c6: {  	[tilespmem:v7+s4+$0x0] =	vst.idx.msk vm0, v6  }
0x1c7: {  	s9 =	sshra.s32 s10, $0x2;
	s10 =	sadd.s32 $0x40, s10;
	[tilespmem:v7+s6+$0x0] =	vst.idx.msk vm0, v4  }
0x1c8: {  	v4 =	vld [tilespmem:s9+$0xFA0];
	_ =	sdelay $0x4  }
0x1c9: {  	v4 =	vsub.s32 v4, v0  }
0x1ca: {  	vm0 =	vlt.u32 v4, $0x1388  }
0x1cb: {  	v5 =	vsel vm0, $0x1, v2  }
0x1cc: {  	(xrf0) =	vadd.scan.msk.s32 $0xffff, v5;
	_ =	sdelay $0x5  }
0x1cd: {  	v5, _, _ =	vpop (xrf0)  }
0x1ce: {  	(v2sf) =	vpush v5, $0xF;
	_ =	sdelay $0x3  }
0x1cf: {  	s10 =	spop (v2sf)  }
0x1d0: {  	s8 =	sadd.s32 s8, s10  }
0x1d1: {  	s10 =	sadd.s32 $0xFFFFFFFF, s8  }
0x1d2: {  	v6 =	vld [tilespmem:s9+$0x0];
	v5 =	vadd.s32 s10, v5;
	_ =	sdelay $0x4  }
0x1d3: {  	[tilespmem:v5+s4+$0x0] =	vst.idx.msk vm0, v6  }
0x1d4: {  	s15 =	simm.s32 $0x0;
	[tilespmem:v5+s6+$0x0] =	vst.idx.msk vm0, v4  }
0x1d5: {  	[tilespmem:s15], [sflag:$0x9] =	stream.linear.gather [hbm4b:s29+s15], $0xFA0, $0x38;
	[tilespmem:$0x1E440] =	vst v63  }
0x1d6: {  	s14 =	spop (v2sf)  }
0x1d7: {  	_ =	swait.ge [sflag:s2], $0xFA0  }
0x1d8: {  	[sflag:s2] =	ssyncset.done $0x0  }
0x1d9: {  	[sflag:s2] =	ssyncadd.s32 $0xFFFFF060  }
0x1da: {  	[tilespmem:s0], [sflag:$0x9] =	stream.linear.gather [hbm4b:s30+s15], $0xFA0, $0x38;
	[tilespmem:$0x1E440] =	vst v63  }
0x1db: {  	_ =	swait.ge [sflag:s2], $0xFA0  }
0x1dc: {  	[sflag:s2] =	ssyncset.done $0x0  }
0x1dd: {  	s16 =	simm.s32 $0x0;
	[sflag:s2] =	ssyncadd.s32 $0xFFFFF060  }
0x1de: {  	v4 =	vld [tilespmem:s16+$0xFA0];
	_ =	sdelay $0x4  }
0x1df: {  	v4 =	vsub.s32 v4, v0  }
0x1e0: {  	vm15 =	vlt.u32 v4, $0x1388  }
0x1e1: {  	v5 =	vsel vm15, $0x1, v2  }
0x1e2: {  	(xrf0) =	vadd.scan.msk.s32 $0xffff, v5;
	_ =	sdelay $0x4  }
0x1e3: {  	s8 =	sadd.s32 s8, s14  }
0x1e4: {  	s9 =	sadd.s32 $0xFFFFFFFF, s8;
	v5, _, _ =	vpop (xrf0)  }
0x1e5: {  	v63 =	vld [tilespmem:s16+$0x0];
	v7 =	vadd.s32 s9, v5;
	(v2sf) =	vpush v5, $0xF;
	_ =	sdelay $0x4  }
0x1e6: {  	[tilespmem:v7+s4+$0x0] =	vst.idx.msk vm15, v63  }
0x1e7: {  	s10 =	simm.s32 $0x80;
	s9 =	simm.s32 $0x10;
	[tilespmem:v7+s6+$0x0] =	vst.idx.msk vm15, v4  }
.LBB2_10:
0x1e8: {  	p0 =	sne.s32 s10, $0x3E40;
	v4 =	vld [tilespmem:s9+$0xFA0];
	_ =	sdelay $0x4  }
0x1e9: {  	v4 =	vsub.s32 v4, v0  }
0x1ea: {  	vm0 =	vlt.u32 v4, $0x1388  }
0x1eb: {  	v5 =	vsel vm0, $0x1, v2  }
0x1ec: {  	(xrf0) =	vadd.scan.msk.s32 $0xffff, v5;
	s11 =	spop (v2sf)  }
0x1ed: {  	s8 =	sadd.s32 s8, s11  }
0x1ee: {  	s11 =	sadd.s32 $0xFFFFFFFF, s8;
	_ =	sdelay $0x3  }
0x1ef: {  	v5, _, _ =	vpop (xrf0)  }
0x1f0: {  	v6 =	vld [tilespmem:s9+$0x0];
	v7 =	vadd.s32 s11, v5;
	(v2sf) =	vpush v5, $0xF;
	_ =	sdelay $0x1  }
.Ltmp6:
0x1f1: {  	(pc) =	sbr.rel @p0 .LBB2_10-.Ltmp6, $3  }
0x1f2: {  	_ =	sdelay $0x1  }
0x1f3: {  	[tilespmem:v7+s4+$0x0] =	vst.idx.msk vm0, v6  }
0x1f4: {  	s9 =	sshra.s32 s10, $0x2;
	s10 =	sadd.s32 $0x40, s10;
	[tilespmem:v7+s6+$0x0] =	vst.idx.msk vm0, v4  }
0x1f5: {  	v4 =	vld [tilespmem:s9+$0xFA0];
	_ =	sdelay $0x4  }
0x1f6: {  	v4 =	vsub.s32 v4, v0  }
0x1f7: {  	vm0 =	vlt.u32 v4, $0x1388  }
0x1f8: {  	v5 =	vsel vm0, $0x1, v2  }
0x1f9: {  	(xrf0) =	vadd.scan.msk.s32 $0xffff, v5;
	_ =	sdelay $0x5  }
0x1fa: {  	v5, _, _ =	vpop (xrf0)  }
0x1fb: {  	(v2sf) =	vpush v5, $0xF;
	_ =	sdelay $0x6  }
0x1fc: {  	s10 =	spop (v2sf)  }
0x1fd: {  	s8 =	sadd.s32 s8, s10  }
0x1fe: {  	s10 =	sadd.s32 $0xFFFFFFFF, s8  }
0x1ff: {  	v6 =	vld [tilespmem:s9+$0x0];
	v5 =	vadd.s32 s10, v5;
	_ =	sdelay $0x4  }
0x200: {  	[tilespmem:v5+s4+$0x0] =	vst.idx.msk vm0, v6;
	s16 =	spop (v2sf)  }
0x201: {  	[tilespmem:v5+s6+$0x0] =	vst.idx.msk vm0, v4;
	s9 =	sadd.s32 s8, s16  }
0x202: {  	[tilespmem:s9+$0x1F40] =	vst v2  }
0x203: {  	[tilespmem:s9+$0x6F40] =	vst v3  }
0x204: {  	[tilespmem:s9+$0x1F50] =	vst v2  }
0x205: {  	[tilespmem:s9+$0x6F50] =	vst v3;
	s8 =	sadd.s32 $0x3F, s9  }
0x206: {  	[tilespmem:s9+$0x1F60] =	vst v2;
	p0 =	slt.s32 s8, $0x40  }
.Ltmp7:
0x207: {  	[tilespmem:s9+$0x6F60] =	vst v3;
	(pc) =	sbr.rel @p0 .LBB2_13-.Ltmp7, $3  }
0x208: {  	[tilespmem:s9+$0x1F70] =	vst v2  }
0x209: {  	[tilespmem:s9+$0x6F70] =	vst v3  }
0x20a: {  	[bflag:$0x0] =	sbarrier.arrive $0xFFFF;
	_ =	sdelay $0x1  }
0x20b: {  	s9 =	simm.s32 $0x40;
	s10 =	simm.s32 $0xBF40;
	p0 =	slt.u32 s8, $0x80  }
0x20c: {  	[tilespmem:s10], [sflag:$0x1] =	stream.indirect.gather [hbm4b:s1+s9], $0x80, s4, s9, $0xb8;
	[tilespmem:$0x1E440] =	vst v63  }
0x20d: {  	s9 =	simm.s32 @!p0 $0x40;
	p1 =	slt.u32 @!p0 s8, $0xC0  }
0x20e: {  	s10 =	simm.s32 @!p0 $0x1F80;
	s11 =	simm.s32 @!p0 $0xDF40;
	p2 =	por p1, p0  }
0x20f: {  	[tilespmem:s11], [sflag:$0x2] =	stream.indirect.gather @!p0 [hbm4b:s1+s9], $0x80, s10, s9, $0xb8;
	[tilespmem:$0x1E440] =	vst v63  }
0x210: {  	s9 =	simm.s32 @!p2 $0x40;
	s10 =	simm.s32 @!p2 $0x1FC0;
	s11 =	simm.s32 @!p2 $0xFF40  }
0x211: {  	[tilespmem:s11], [sflag:$0x3] =	stream.indirect.gather @!p2 [hbm4b:s1+s9], $0x80, s10, s9, $0xb8;
	[tilespmem:$0x1E440] =	vst v63  }
.Ltmp8:
0x212: {  	p2 =	slt.u32 @!p2 s8, $0x100;
	(pc) =	sbr.rel .LBB2_14-.Ltmp8, $4  }
0x213: {  	p1 =	por @!p0 p2, p1  }
0x214: {  	p0 =	por p1, p0  }
0x215: {  	s9 =	simm.s32 @!p0 $0x40;
	s10 =	simm.s32 @!p0 $0x2000;
	s11 =	simm.s32 @!p0 $0x11F40  }
0x216: {  	[tilespmem:s11], [sflag:$0x4] =	stream.indirect.gather @!p0 [hbm4b:s1+s9], $0x80, s10, s9, $0xb8;
	[tilespmem:$0x1E440] =	vst v63  }
.LBB2_13:
0x217: {  	p0 =	slt.s32 s8, $0xFFFFFFC1  }
.Ltmp9:
0x218: {  	_ = 	snop;
	(pc) =	sbr.rel @p0 .LBB2_16-.Ltmp9, $1  }
0x219: {  	_ =	sdelay $0x3  }
.LBB2_14:
0x21a: {  	s9 =	sshra.s32 s8, $0x1F  }
0x21b: {  	s9 =	sshrl.u32 s9, $0x1A  }
0x21c: {  	s15 =	sadd.s32 s9, s8  }
0x21d: {  	s8 =	sshra.s32 s15, $0x6  }
0x21e: {  	s16 =	sadd.s32 $0x4, s8  }
0x21f: {  	s10 =	sshrl.u32 s16, $0x1E  }
0x220: {  	s9 =	sadd.s32 s10, s16  }
0x221: {  	s9 =	sshra.s32 s9, $0x2  }
0x222: {  	p0 =	sgt.s32 s9, $0x1  }
0x223: {  	s9 =	simm.s32 @!p0 $0x1  }
0x224: {  	s11 =	simm.s32 $0x0;
	s9 =	sshll.u32 s9, $0x2  }
0x225: {  	s10 =	simm.s32 $0x6FC0;
	[dreg:$0x5] =	wrdreg s9;
	s9 =	simm.s32 $0x20C0  }
.LBB2_15:
0x226: {  	p0 =	sge.s32 s11, s8  }
0x227: {  	s12 =	simm.s32 @!p0 $0x1  }
0x228: {  	_ =	swait.ge @!p0 [sflag:s12], $0x2000  }
0x229: {  	[sflag:s12] =	ssyncset.done @!p0 $0x0  }
0x22a: {  	[sflag:s12] =	ssyncadd.s32 @!p0 $0xFFFFE000  }
0x22b: {  	v4 =	vld @!p0 [tilespmem:s10+$0xFFFFFF80];
	_ =	sdelay $0x4  }
0x22c: {  	[tilespmem:$0x13F40] =	vst @!p0 v4  }
0x22d: {  	v4 =	vld @!p0 [tilespmem:s10+$0xFFFFFF90];
	_ =	sdelay $0x4  }
0x22e: {  	[tilespmem:$0x13F50] =	vst @!p0 v4  }
0x22f: {  	v4 =	vld @!p0 [tilespmem:s10+$0xFFFFFFA0];
	_ =	sdelay $0x4  }
0x230: {  	[tilespmem:$0x13F60] =	vst @!p0 v4  }
0x231: {  	v4 =	vld @!p0 [tilespmem:s10+$0xFFFFFFB0];
	_ =	sdelay $0x2  }
0x232: {  	p1 =	seq.s32 s11, $0x0  }
0x233: {  	s13 =	simm.s32 @!p0 $0x13F40;
	p2 =	sgt.s32 @!p1 s11, s8  }
0x234: {  	s14 =	simm.s32 @!p0 $0xBF40;
	p2 =	por p2, p1;
	s12 =	simm.s32 @!p0 $0x40;
	[tilespmem:$0x13F70] =	vst @!p0 v4  }
0x235: {  	[spmem:s3] =	stream.indirect.scatter.add.f32 @!p0 [tilespmem:s14], [sflag:$0x5], $0x80, s13, s12, $0xb8;
	[tilespmem:$0x1E440] =	vst v63  }
0x236: {  	s13 =	simm.s32 @!p2 $0x8  }
0x237: {  	s12 =	sadd.s32 $0x3, s11;
	_ =	swait.ge @!p2 [sflag:s13], $0x2000  }
0x238: {  	p3 =	sge.s32 @!p1 s12, s8;
	[sflag:s13] =	ssyncset.done @!p2 $0x0  }
0x239: {  	p1 =	por p3, p1;
	[sflag:s13] =	ssyncadd.s32 @!p2 $0xFFFFE000  }
0x23a: {  	s13 =	sadd.s32 @!p1 $0xFFFFFF40, s9;
	s14 =	simm.s32 @!p1 $0x40;
	s15 =	simm.s32 @!p1 $0x11F40  }
0x23b: {  	[tilespmem:s15], [sflag:$0x4] =	stream.indirect.gather @!p1 [hbm4b:s1+s14], $0x80, s13, s14, $0xb8;
	[tilespmem:$0x1E440] =	vst v63  }
0x23c: {  	s14 =	sadd.s32 $0x1, s11  }
0x23d: {  	p1 =	sge.s32 s14, s8  }
0x23e: {  	s13 =	simm.s32 @!p1 $0x2  }
0x23f: {  	_ =	swait.ge @!p1 [sflag:s13], $0x2000  }
0x240: {  	[sflag:s13] =	ssyncset.done @!p1 $0x0  }
0x241: {  	[sflag:s13] =	ssyncadd.s32 @!p1 $0xFFFFE000  }
0x242: {  	v4 =	vld @!p1 [tilespmem:s10+$0xFFFFFFC0];
	_ =	sdelay $0x4  }
0x243: {  	[tilespmem:$0x13F80] =	vst @!p1 v4  }
0x244: {  	v4 =	vld @!p1 [tilespmem:s10+$0xFFFFFFD0];
	_ =	sdelay $0x4  }
0x245: {  	[tilespmem:$0x13F90] =	vst @!p1 v4  }
0x246: {  	v4 =	vld @!p1 [tilespmem:s10+$0xFFFFFFE0];
	_ =	sdelay $0x4  }
0x247: {  	[tilespmem:$0x13FA0] =	vst @!p1 v4  }
0x248: {  	v4 =	vld @!p1 [tilespmem:s10+$0xFFFFFFF0];
	_ =	sdelay $0x4  }
0x249: {  	s14 =	simm.s32 @!p1 $0x13F80;
	s15 =	simm.s32 @!p1 $0xDF40;
	s13 =	simm.s32 @!p1 $0x40;
	[tilespmem:$0x13FB0] =	vst @!p1 v4  }
0x24a: {  	[spmem:s3] =	stream.indirect.scatter.add.f32 @!p1 [tilespmem:s15], [sflag:$0x6], $0x80, s14, s13, $0xb8;
	[tilespmem:$0x1E440] =	vst v63  }
0x24b: {  	s14 =	simm.s32 @!p0 $0x5  }
0x24c: {  	_ =	swait.ge @!p0 [sflag:s14], $0x2000  }
0x24d: {  	s13 =	sadd.s32 $0x4, s11;
	[sflag:s14] =	ssyncset.done @!p0 $0x0  }
0x24e: {  	[sflag:s14] =	ssyncadd.s32 @!p0 $0xFFFFE000;
	p0 =	sge.s32 s13, s8  }
0x24f: {  	s14 =	sadd.s32 @!p0 $0xFFFFFF80, s9;
	s15 =	simm.s32 @!p0 $0x40;
	s16 =	simm.s32 @!p0 $0xBF40  }
0x250: {  	[tilespmem:s16], [sflag:$0x1] =	stream.indirect.gather @!p0 [hbm4b:s1+s15], $0x80, s14, s15, $0xb8;
	[tilespmem:$0x1E440] =	vst v63  }
0x251: {  	s15 =	sadd.s32 $0x2, s11  }
0x252: {  	p0 =	sge.s32 s15, s8  }
0x253: {  	s14 =	simm.s32 @!p0 $0x3  }
0x254: {  	_ =	swait.ge @!p0 [sflag:s14], $0x2000  }
0x255: {  	[sflag:s14] =	ssyncset.done @!p0 $0x0  }
0x256: {  	[sflag:s14] =	ssyncadd.s32 @!p0 $0xFFFFE000  }
0x257: {  	v4 =	vld @!p0 [tilespmem:s10+$0x0];
	_ =	sdelay $0x4  }
0x258: {  	[tilespmem:$0x13FC0] =	vst @!p0 v4  }
0x259: {  	v4 =	vld @!p0 [tilespmem:s10+$0x10];
	_ =	sdelay $0x4  }
0x25a: {  	[tilespmem:$0x13FD0] =	vst @!p0 v4  }
0x25b: {  	v4 =	vld @!p0 [tilespmem:s10+$0x20];
	_ =	sdelay $0x4  }
0x25c: {  	[tilespmem:$0x13FE0] =	vst @!p0 v4  }
0x25d: {  	v4 =	vld @!p0 [tilespmem:s10+$0x30];
	_ =	sdelay $0x4  }
0x25e: {  	s15 =	simm.s32 @!p0 $0x13FC0;
	s16 =	simm.s32 @!p0 $0xFF40;
	s14 =	simm.s32 @!p0 $0x40;
	[tilespmem:$0x13FF0] =	vst @!p0 v4  }
0x25f: {  	[spmem:s3] =	stream.indirect.scatter.add.f32 @!p0 [tilespmem:s16], [sflag:$0x7], $0x80, s15, s14, $0xb8;
	[tilespmem:$0x1E440] =	vst v63  }
0x260: {  	s14 =	simm.s32 @!p1 $0x6  }
0x261: {  	_ =	swait.ge @!p1 [sflag:s14], $0x2000  }
0x262: {  	s16 =	sadd.s32 $0x5, s11;
	[sflag:s14] =	ssyncset.done @!p1 $0x0  }
0x263: {  	[sflag:s14] =	ssyncadd.s32 @!p1 $0xFFFFE000;
	p1 =	sge.s32 s16, s8  }
0x264: {  	s14 =	sadd.s32 @!p1 $0xFFFFFFC0, s9;
	s15 =	simm.s32 @!p1 $0x40;
	s16 =	simm.s32 @!p1 $0xDF40  }
0x265: {  	[tilespmem:s16], [sflag:$0x2] =	stream.indirect.gather @!p1 [hbm4b:s1+s15], $0x80, s14, s15, $0xb8;
	[tilespmem:$0x1E440] =	vst v63  }
0x266: {  	p1 =	sge.s32 s12, s8  }
0x267: {  	s12 =	simm.s32 @!p1 $0x4  }
0x268: {  	_ =	swait.ge @!p1 [sflag:s12], $0x2000  }
0x269: {  	[sflag:s12] =	ssyncset.done @!p1 $0x0  }
0x26a: {  	[sflag:s12] =	ssyncadd.s32 @!p1 $0xFFFFE000  }
0x26b: {  	v4 =	vld @!p1 [tilespmem:s10+$0x40];
	_ =	sdelay $0x4  }
0x26c: {  	[tilespmem:$0x14000] =	vst @!p1 v4  }
0x26d: {  	v4 =	vld @!p1 [tilespmem:s10+$0x50];
	_ =	sdelay $0x4  }
0x26e: {  	[tilespmem:$0x14010] =	vst @!p1 v4  }
0x26f: {  	v4 =	vld @!p1 [tilespmem:s10+$0x60];
	_ =	sdelay $0x4  }
0x270: {  	[tilespmem:$0x14020] =	vst @!p1 v4  }
0x271: {  	v4 =	vld @!p1 [tilespmem:s10+$0x70];
	_ =	sdelay $0x4  }
0x272: {  	s14 =	simm.s32 @!p1 $0x14000;
	s15 =	simm.s32 @!p1 $0x11F40;
	s12 =	simm.s32 @!p1 $0x40;
	[tilespmem:$0x14030] =	vst @!p1 v4  }
0x273: {  	[spmem:s3] =	stream.indirect.scatter.add.f32 @!p1 [tilespmem:s15], [sflag:$0x8], $0x80, s14, s12, $0xb8;
	[tilespmem:$0x1E440] =	vst v63  }
0x274: {  	s12 =	simm.s32 @!p0 $0x7  }
0x275: {  	_ =	swait.ge @!p0 [sflag:s12], $0x2000  }
0x276: {  	[sflag:s12] =	ssyncset.done @!p0 $0x0;
	s16 =	rddreg [dreg:$0x5]  }
0x277: {  	[sflag:s12] =	ssyncadd.s32 @!p0 $0xFFFFE000;
	p0 =	sne.s32 s16, s13  }
.Ltmp10:
0x278: {  	s15 =	sadd.s32 $0x6, s11;
	(pc) =	sbr.rel @p0 .LBB2_15-.Ltmp10, $4  }
0x279: {  	p1 =	sge.s32 s15, s8  }
0x27a: {  	s14 =	simm.s32 @!p1 $0xFF40;
	s12 =	simm.s32 @!p1 $0x40  }
0x27b: {  	[tilespmem:s14], [sflag:$0x3] =	stream.indirect.gather @!p1 [hbm4b:s1+s12], $0x80, s9, s12, $0xb8;
	[tilespmem:$0x1E440] =	vst v63  }
0x27c: {  	s10 =	sadd.s32 $0x100, s10;
	s11 =	smov.u32 s13;
	s9 =	sadd.s32 $0x100, s9  }
.Ltmp11:
0x27d: {  	_ = 	snop;
	(pc) =	sbr.rel .LBB2_16-.Ltmp11, $1  }
0x27e: {  	_ =	sdelay $0x3  }
.LBB2_17:
0x27f: {  	_ =	sfence.sel $0x180000  }
0x280: {  	[bflag:$0x0] =	sbarrier.arrive $0xFFFF  }
0x281: {  	_ =	strace $0x90000047  }
0x282: {  	s0 =	stileid.u32;
	[bflag:$0x2] =	sbarrier.arrive $0xFFFF  }
0x283: {  	p0 =	sne.s32 s0, $0x0;
	s0 =	rddreg [dreg:$0x4]  }
0x284: {  	s0 =	sadd.s32 @!p0 $0x100000, s0  }
0x285: {  	[sflag:s0] =	ssyncadd.tile.s32 @!p0 $0x1;
	_ =	shalt  }
.Lfunc_end2:
_tile_overlayer_lowered:
.L_overlay_start_2:
0x286: {  	(tag) =	ssettag $0x2  }
0x287: {  	s0 =	rddreg [dreg:$0x0];
	s2 =	stileid.u32  }
0x288: {  	s1 =	rddreg [dreg:$0x1];
	p0 =	sne.s32 s2, $0x0  }
0x289: {  	s3 =	rddreg [dreg:$0x2];
	[bflag:$0x3] =	sbarrier.arrive $0xFFFF;
	s2 =	simm.s32 @!p0 $0x1C09  }
0x28a: {  	[timem:s3], [sflag:s2] =	dma.local @!p0 [hbm:s0], s1  }
0x28b: {  	s0 =	simm.s32 @!p0 $0x9  }
0x28c: {  	_ =	swait.ge @!p0 [sflag:s0], s1  }
0x28d: {  	s1 =	ssub.s32 @!p0 $0x0, s1;
	[sflag:s0] =	ssyncset.done @!p0 $0x0  }
0x28e: {  	[sflag:s0] =	ssyncadd.s32 @!p0 s1  }
0x28f: {  	[bflag:$0x3] =	sbarrier.arrive $0xFFFF  }
0x290: {  	_ =	shalt  }

</sc_bundles>
